<compile_context>
chip_gen: v7x
topology: tpu7x:2x2x1
jax: 0.10.2.dev20260603
libtpu: 0.0.44.dev20260713+nightly
codegen_flags: <defaults>
</compile_context>

<pallas_src>
import jax
import jax.numpy as jnp
from jax import lax
from jax.experimental import pallas as pl
from jax.experimental.pallas import tpu as pltpu
from jax.experimental.pallas import tpu_sc as plsc

N = 10000
E = 160000
D_IN = 256
D_H = 512
D_OUT = 256

NC = 2
NS = 16
NW = NC * NS
CHUNK = 128
CH0 = 64
CH1 = 16
CH_MAX = max(CH0, CH1)
E_PAD = CHUNK * NS * (CH0 + CH1)
N_PAD = 10240
ROWS_PER_TILE = N_PAD // NS
TRASH = N_PAD - 8
HALF = 128

def _build_sc_segsum(mesh, n_pass, deg_pass):
  n_slab = n_pass + (1 if deg_pass else 0)

  def body(*refs):
    xs = refs[:n_pass]
    (src2, dst2, zrows, ones_h, p_out,
     src_v, dst_v, rows_a, rows_b, acc_sh,
     sem_ga, sem_gb, sem_sa, sem_sb) = refs[n_pass:]
    c = lax.axis_index("c")
    s = lax.axis_index("s")
    nch = jnp.where(c == 0, CH0, CH1)
    @pl.when(c == 0)
    def _():
      pltpu.sync_copy(src2.at[pl.ds(s * CH0, CH0)], src_v.at[pl.ds(0, CH0)])
      pltpu.sync_copy(dst2.at[pl.ds(s * CH0, CH0)], dst_v.at[pl.ds(0, CH0)])

    @pl.when(c == 1)
    def _():
      base = NS * CH0 + s * CH1
      pltpu.sync_copy(src2.at[pl.ds(base, CH1)], src_v.at[pl.ds(0, CH1)])
      pltpu.sync_copy(dst2.at[pl.ds(base, CH1)], dst_v.at[pl.ds(0, CH1)])

    def zero_acc():
      pltpu.sync_copy(zrows, rows_a)
      for k in range(ROWS_PER_TILE // CHUNK):
        pltpu.sync_copy(
            rows_a, acc_sh.at[pl.ds(s * ROWS_PER_TILE + k * CHUNK, CHUNK)])

    def flush(slab):
      rows = pl.ds(s * ROWS_PER_TILE, ROWS_PER_TILE)
      pltpu.sync_copy(acc_sh.at[rows], p_out.at[c, slab, rows])

    for p in range(n_pass):
      xh = xs[p]
      zero_acc()
      plsc.subcore_barrier()

      pltpu.async_copy(xh.at[src_v.at[0]], rows_a, sem_ga)
      pltpu.async_copy(xh.at[src_v.at[1]], rows_b, sem_gb)

      @pl.loop(0, nch, step=2)
      def chunk2(j):
        pltpu.make_async_copy(xh.at[src_v.at[j]], rows_a, sem_ga).wait()
        pltpu.async_copy(rows_a, acc_sh.at[dst_v.at[j]], sem_sa, add=True)
        pltpu.make_async_copy(xh.at[src_v.at[j + 1]], rows_b, sem_gb).wait()
        pltpu.async_copy(rows_b, acc_sh.at[dst_v.at[j + 1]], sem_sb, add=True)
        pltpu.make_async_copy(rows_a, acc_sh.at[dst_v.at[j]], sem_sa).wait()

        @pl.when(j + 2 < nch)
        def _():
          pltpu.async_copy(xh.at[src_v.at[j + 2]], rows_a, sem_ga)

        pltpu.make_async_copy(rows_b, acc_sh.at[dst_v.at[j + 1]], sem_sb).wait()

        @pl.when(j + 3 < nch)
        def _():
          pltpu.async_copy(xh.at[src_v.at[j + 3]], rows_b, sem_gb)

      plsc.subcore_barrier()
      flush(p)

    if deg_pass:
      zero_acc()
      pltpu.sync_copy(ones_h, rows_a)
      pltpu.sync_copy(ones_h, rows_b)
      plsc.subcore_barrier()

      @pl.loop(0, nch, step=2)
      def dchunk(j):
        pltpu.async_copy(rows_a, acc_sh.at[dst_v.at[j]], sem_sa, add=True)
        pltpu.async_copy(rows_b, acc_sh.at[dst_v.at[j + 1]], sem_sb, add=True)
        pltpu.make_async_copy(rows_a, acc_sh.at[dst_v.at[j]], sem_sa).wait()
        pltpu.make_async_copy(rows_b, acc_sh.at[dst_v.at[j + 1]], sem_sb).wait()

      plsc.subcore_barrier()
      flush(n_pass)

  return pl.kernel(
      body,
      out_type=jax.ShapeDtypeStruct((NC, n_slab, N_PAD, HALF), jnp.float32),
      mesh=mesh,
      scratch_types=[
          pltpu.VMEM((CH_MAX, CHUNK), jnp.int32),
          pltpu.VMEM((CH_MAX, CHUNK), jnp.int32),
          pltpu.VMEM((CHUNK, HALF), jnp.float32),
          pltpu.VMEM((CHUNK, HALF), jnp.float32),
          pltpu.VMEM_SHARED((N_PAD, HALF), jnp.float32),
          pltpu.SemaphoreType.DMA,
          pltpu.SemaphoreType.DMA,
          pltpu.SemaphoreType.DMA,
          pltpu.SemaphoreType.DMA,
      ],
      name="sc_segsum%d%s" % (n_pass, "d" if deg_pass else ""),
  )


_sc_built = {}


def _sc_kernels():
  if not _sc_built:
    mesh = plsc.VectorSubcoreMesh(core_axis_name="c", subcore_axis_name="s",
                                  num_cores=NC, num_subcores=NS)
    _sc_built["segsum"] = _build_sc_segsum(mesh, 2, False)
    _sc_built["segsum_deg"] = _build_sc_segsum(mesh, 2, True)
  return _sc_built["segsum"], _sc_built["segsum_deg"]

_ROWS = 1024
_GRID = N_PAD // _ROWS


def _tc_layer1_body(p_ref, x_ref, wl1_ref, bl1_ref, wr1_ref,
                    wl2_ref, wr2_ref, mlo_ref, mhi_ref, hr2_ref):
  p = p_ref[...]
  agg = jnp.concatenate([p[0, 0] + p[1, 0], p[0, 1] + p[1, 1]], axis=-1)
  dg = (p[0, 2] + p[1, 2])[:, 0:1]
  aggn = agg / jnp.maximum(dg, 1.0)
  h = jnp.maximum(
      jnp.dot(aggn, wl1_ref[...], preferred_element_type=jnp.float32)
      + bl1_ref[...]
      + jnp.dot(x_ref[...], wr1_ref[...], preferred_element_type=jnp.float32),
      0.0)
  m = jnp.dot(h, wl2_ref[...], preferred_element_type=jnp.float32)
  mlo_ref[...] = m[:, :HALF]
  mhi_ref[...] = m[:, HALF:]
  hr2_ref[...] = jnp.dot(h, wr2_ref[...], preferred_element_type=jnp.float32)


def _tc_layer1(P1, x_pad, Wl1T, bl1r, Wr1T, Wl2T, Wr2T):
  return pl.pallas_call(
      _tc_layer1_body,
      grid=(_GRID,),
      in_specs=[
          pl.BlockSpec((NC, 3, _ROWS, HALF), lambda i: (0, 0, i, 0)),
          pl.BlockSpec((_ROWS, D_IN), lambda i: (i, 0)),
          pl.BlockSpec((D_IN, D_H), lambda i: (0, 0)),
          pl.BlockSpec((1, D_H), lambda i: (0, 0)),
          pl.BlockSpec((D_IN, D_H), lambda i: (0, 0)),
          pl.BlockSpec((D_H, D_OUT), lambda i: (0, 0)),
          pl.BlockSpec((D_H, D_OUT), lambda i: (0, 0)),
      ],
      out_specs=[
          pl.BlockSpec((_ROWS, HALF), lambda i: (i, 0)),
          pl.BlockSpec((_ROWS, HALF), lambda i: (i, 0)),
          pl.BlockSpec((_ROWS, D_OUT), lambda i: (i, 0)),
      ],
      out_shape=[
          jax.ShapeDtypeStruct((N_PAD, HALF), jnp.float32),
          jax.ShapeDtypeStruct((N_PAD, HALF), jnp.float32),
          jax.ShapeDtypeStruct((N_PAD, D_OUT), jnp.float32),
      ],
      name="tc_layer1",
  )(P1, x_pad, Wl1T, bl1r, Wr1T, Wl2T, Wr2T)


def _tc_layer2_body(p_ref, deg_ref, hr2_ref, bl2_ref, out_ref):
  p = p_ref[...]
  agg = jnp.concatenate([p[0, 0] + p[1, 0], p[0, 1] + p[1, 1]], axis=-1)
  dg = deg_ref[0] + deg_ref[1]
  out_ref[...] = agg / jnp.maximum(dg, 1.0) + bl2_ref[...] + hr2_ref[...]


def _tc_layer2(P2, deg2, hr2, bl2r):
  return pl.pallas_call(
      _tc_layer2_body,
      grid=(_GRID,),
      in_specs=[
          pl.BlockSpec((NC, 2, _ROWS, HALF), lambda i: (0, 0, i, 0)),
          pl.BlockSpec((NC, _ROWS, 1), lambda i: (0, i, 0)),
          pl.BlockSpec((_ROWS, D_OUT), lambda i: (i, 0)),
          pl.BlockSpec((1, D_OUT), lambda i: (0, 0)),
      ],
      out_specs=pl.BlockSpec((_ROWS, D_OUT), lambda i: (i, 0)),
      out_shape=jax.ShapeDtypeStruct((N_PAD, D_OUT), jnp.float32),
      name="tc_layer2",
  )(P2, deg2, hr2, bl2r)


def kernel(x, edge_index, Wl1, bl1, Wr1, Wl2, bl2, Wr2):
  src = edge_index[0]
  dst = edge_index[1]
  pad = E_PAD - E
  src2 = jnp.concatenate([src, jnp.zeros((pad,), jnp.int32)]).reshape(
      E_PAD // CHUNK, CHUNK)
  dst2 = jnp.concatenate([dst, jnp.full((pad,), TRASH, jnp.int32)]).reshape(
      E_PAD // CHUNK, CHUNK)
  x_lo = x[:, :HALF]
  x_hi = x[:, HALF:]
  x_pad = jnp.concatenate(
      [x, jnp.zeros((N_PAD - N, D_IN), x.dtype)], axis=0)
  zh = jnp.zeros((CHUNK, HALF), jnp.float32)
  ones_h = jnp.ones((CHUNK, HALF), jnp.float32)

  sc_segsum, sc_segsum_deg = _sc_kernels()
  P1 = sc_segsum_deg(x_lo, x_hi, src2, dst2, zh, ones_h)
  deg2 = P1[:, 2, :, 0:1]
  m_lo, m_hi, hr2 = _tc_layer1(P1, x_pad, Wl1.T, bl1.reshape(1, -1),
                               Wr1.T, Wl2.T, Wr2.T)
  P2 = sc_segsum(m_lo, m_hi, src2, dst2, zh, ones_h)
  out_pad = _tc_layer2(P2, deg2, hr2, bl2.reshape(1, -1))
  return out_pad[:N]

# --- scband reference (transcript-rebuilt; emitter-appended) ---
"""Pipeline reference for scband-graph-saint-25228637897369 (READ-ONLY COPY).

The authoritative reference and input builder live on the scoring server;
editing this copy changes nothing except your own understanding.
"""

import jax, jax.numpy as jnp
import numpy as np

N = 10000
E = 160000
D_IN = 256
D_H = 512
D_OUT = 256


def setup_inputs(seed: int = 0) -> dict:
    key = jax.random.key(seed)
    ks = jax.random.split(key, 9)
    x = jax.random.normal(ks[0], (N, D_IN), dtype=jnp.float32)
    edge_index = jax.random.randint(ks[1], (2, E), 0, N, dtype=jnp.int32)
    # SAGEConv params: lin_l (applied to aggregated neighbors, has bias),
    # lin_r (applied to root, no bias) -- PyG defaults.
    Wl1 = jax.random.normal(ks[2], (D_H, D_IN), dtype=jnp.float32) * (1.0 / np.sqrt(D_IN))
    bl1 = jnp.zeros((D_H,), dtype=jnp.float32)
    Wr1 = jax.random.normal(ks[3], (D_H, D_IN), dtype=jnp.float32) * (1.0 / np.sqrt(D_IN))
    Wl2 = jax.random.normal(ks[4], (D_OUT, D_H), dtype=jnp.float32) * (1.0 / np.sqrt(D_H))
    bl2 = jnp.zeros((D_OUT,), dtype=jnp.float32)
    Wr2 = jax.random.normal(ks[5], (D_OUT, D_H), dtype=jnp.float32) * (1.0 / np.sqrt(D_H))
    return {"x": x, "edge_index": edge_index, "Wl1": Wl1, "bl1": bl1, "Wr1": Wr1,
            "Wl2": Wl2, "bl2": bl2, "Wr2": Wr2}


def _sage_conv(h, edge_index, Wl, bl, Wr):
    n = h.shape[0]
    src = edge_index[0]
    dst = edge_index[1]
    msgs = h[src]  # gather source node features per edge
    agg = jax.ops.segment_sum(msgs, dst, num_segments=n)
    deg = jax.ops.segment_sum(jnp.ones((edge_index.shape[1],), dtype=h.dtype), dst, num_segments=n)
    agg = agg / jnp.clip(deg, 1.0, None)[:, None]  # mean aggregation
    return agg @ Wl.T + bl + h @ Wr.T


def reference(x, edge_index, Wl1, bl1, Wr1, Wl2, bl2, Wr2):
    # Layer 1 + ReLU (dropout is identity in eval mode)
    h = jax.nn.relu(_sage_conv(x, edge_index, Wl1, bl1, Wr1))
    # Layer 2 (output layer, no activation)
    out = _sage_conv(h, edge_index, Wl2, bl2, Wr2)
    return out

if __name__ == "__main__":
    import jax
    _d = setup_inputs()
    print(jax.jit(kernel)(*tuple(_d.values())))

</pallas_src>

<mosaic_0001>
#map = affine_map<(d0, d1) -> (0, 0)>
#map1 = affine_map<(d0, d1) -> (0, 0, 0, 0)>
module attributes {stable_mosaic.version = 14 : i64} {
  func.func @sc_segsum2(%arg0: i32, %arg1: i32, %arg2: memref<10240x128xf32, #tpu.memory_space<hbm>>, %arg3: memref<10240x128xf32, #tpu.memory_space<hbm>>, %arg4: memref<1280x128xi32, #tpu.memory_space<hbm>>, %arg5: memref<1280x128xi32, #tpu.memory_space<hbm>>, %arg6: memref<128x128xf32, #tpu.memory_space<hbm>>, %arg7: memref<128x128xf32, #tpu.memory_space<hbm>>, %arg8: memref<2x2x10240x128xf32, #tpu.memory_space<hbm>>, %arg9: memref<64x128xi32, #tpu.memory_space<vmem>>, %arg10: memref<64x128xi32, #tpu.memory_space<vmem>>, %arg11: memref<128x128xf32, #tpu.memory_space<vmem>>, %arg12: memref<128x128xf32, #tpu.memory_space<vmem>>, %arg13: memref<10240x128xf32, #tpu.memory_space<vmem_shared>>, %arg14: memref<!tpu.dma_semaphore, #tpu.memory_space<semaphore_mem>>, %arg15: memref<!tpu.dma_semaphore, #tpu.memory_space<semaphore_mem>>, %arg16: memref<!tpu.dma_semaphore, #tpu.memory_space<semaphore_mem>>, %arg17: memref<!tpu.dma_semaphore, #tpu.memory_space<semaphore_mem>>) attributes {dimension_semantics = [#tpu.dimension_semantics<core_parallel>, #tpu.dimension_semantics<subcore_parallel>], iteration_bounds = array<i64: 2, 16>, scalar_prefetch = 0 : i64, scratch_operands = 9 : i64, tpu.core_type = #tpu.core_type<sc_vector_subcore>, window_params = [{transform_indices = #map}, {transform_indices = #map}, {transform_indices = #map}, {transform_indices = #map}, {transform_indices = #map}, {transform_indices = #map}, {transform_indices = #map1}]} {
    %eq3A = arith.constant 0 : i32
    %eq3A_0 = arith.cmpi eq, %arg0, %eq3A : i32
    %jit3A = arith.constant 64 : i32
    %jit3A_1 = arith.constant 16 : i32
    %select_n3A = arith.select %eq3A_0, %jit3A, %jit3A_1 : i32
    %eq3A_2 = arith.constant 0 : i32
    %eq3A_3 = arith.cmpi eq, %arg0, %eq3A_2 : i32
    %convert_element_type3A = arith.extui %eq3A_3 : i1 to i32
    %cond3A = arith.constant 0 : i32
    %cond3A_4 = arith.cmpi ne, %convert_element_type3A, %cond3A : i32
    scf.if %cond3A_4 {
      %mul3A_118 = arith.constant 64 : i32
      %mul3A_119 = arith.muli %arg1, %mul3A_118 : i32
      "tpu.region"() ({
        %run_scoped3A_122 = tpu.sem_alloc : memref<!tpu.dma_semaphore, #tpu.memory_space<semaphore_mem>>
        %dma_start3A_123 = arith.constant 0 : i32
        %dma_start3A_124 = arith.constant 0 : i32
        %dma_start3A_125 = tpu.memref_slice %arg9[%dma_start3A_123, %dma_start3A_124] : memref<64x128xi32, #tpu.memory_space<vmem>> -> memref<64x128xi32, #tpu.memory_space<vmem>>
        %dma_start3A_126 = arith.constant 0 : i32
        %dma_start3A_127 = tpu.memref_slice %arg4[%mul3A_119, %dma_start3A_126] : memref<1280x128xi32, #tpu.memory_space<hbm>> -> memref<64x128xi32, #tpu.memory_space<hbm>>
        %dma_start3A_128 = arith.constant 0 : i32
        %dma_start3A_129 = arith.constant 0 : i32
        %dma_start3A_130 = tpu.memref_slice %arg9[%dma_start3A_128, %dma_start3A_129] : memref<64x128xi32, #tpu.memory_space<vmem>> -> memref<64x128xi32, #tpu.memory_space<vmem>>
        %dma_start3A_131 = arith.constant 0 : i32
        %dma_start3A_132 = tpu.memref_slice %arg4[%mul3A_119, %dma_start3A_131] : memref<1280x128xi32, #tpu.memory_space<hbm>> -> memref<64x128xi32, #tpu.memory_space<hbm>>
        tpu.enqueue_dma source(%dma_start3A_132 : memref<64x128xi32, #tpu.memory_space<hbm>>) target(%dma_start3A_130 : memref<64x128xi32, #tpu.memory_space<vmem>>) target_semaphore(%run_scoped3A_122 : memref<!tpu.dma_semaphore, #tpu.memory_space<semaphore_mem>>)
        %dma_wait3A = arith.constant 0 : i32
        %dma_wait3A_133 = arith.constant 0 : i32
        %dma_wait3A_134 = tpu.memref_slice %arg9[%dma_wait3A, %dma_wait3A_133] : memref<64x128xi32, #tpu.memory_space<vmem>> -> memref<64x128xi32, #tpu.memory_space<vmem>>
        %dma_wait3A_135 = arith.constant 0 : i32
        %dma_wait3A_136 = tpu.memref_slice %arg4[%mul3A_119, %dma_wait3A_135] : memref<1280x128xi32, #tpu.memory_space<hbm>> -> memref<64x128xi32, #tpu.memory_space<hbm>>
        %dma_wait3A_137 = arith.constant 0 : i32
        %dma_wait3A_138 = arith.constant 0 : i32
        %dma_wait3A_139 = tpu.memref_slice %arg9[%dma_wait3A_137, %dma_wait3A_138] : memref<64x128xi32, #tpu.memory_space<vmem>> -> memref<64x128xi32, #tpu.memory_space<vmem>>
        %dma_wait3A_140 = arith.constant 0 : i32
        %dma_wait3A_141 = tpu.memref_slice %arg4[%mul3A_119, %dma_wait3A_140] : memref<1280x128xi32, #tpu.memory_space<hbm>> -> memref<64x128xi32, #tpu.memory_space<hbm>>
        tpu.wait_dma2 semaphore(%run_scoped3A_122 : memref<!tpu.dma_semaphore, #tpu.memory_space<semaphore_mem>>) src(%dma_wait3A_141 : memref<64x128xi32, #tpu.memory_space<hbm>>) dst(%dma_wait3A_139 : memref<64x128xi32, #tpu.memory_space<vmem>>)
        tpu.yield
      }) : () -> ()
      %mul3A_120 = arith.constant 64 : i32
      %mul3A_121 = arith.muli %arg1, %mul3A_120 : i32
      "tpu.region"() ({
        %run_scoped3A_122 = tpu.sem_alloc : memref<!tpu.dma_semaphore, #tpu.memory_space<semaphore_mem>>
        %dma_start3A_123 = arith.constant 0 : i32
        %dma_start3A_124 = arith.constant 0 : i32
        %dma_start3A_125 = tpu.memref_slice %arg10[%dma_start3A_123, %dma_start3A_124] : memref<64x128xi32, #tpu.memory_space<vmem>> -> memref<64x128xi32, #tpu.memory_space<vmem>>
        %dma_start3A_126 = arith.constant 0 : i32
        %dma_start3A_127 = tpu.memref_slice %arg5[%mul3A_121, %dma_start3A_126] : memref<1280x128xi32, #tpu.memory_space<hbm>> -> memref<64x128xi32, #tpu.memory_space<hbm>>
        %dma_start3A_128 = arith.constant 0 : i32
        %dma_start3A_129 = arith.constant 0 : i32
        %dma_start3A_130 = tpu.memref_slice %arg10[%dma_start3A_128, %dma_start3A_129] : memref<64x128xi32, #tpu.memory_space<vmem>> -> memref<64x128xi32, #tpu.memory_space<vmem>>
        %dma_start3A_131 = arith.constant 0 : i32
        %dma_start3A_132 = tpu.memref_slice %arg5[%mul3A_121, %dma_start3A_131] : memref<1280x128xi32, #tpu.memory_space<hbm>> -> memref<64x128xi32, #tpu.memory_space<hbm>>
        tpu.enqueue_dma source(%dma_start3A_132 : memref<64x128xi32, #tpu.memory_space<hbm>>) target(%dma_start3A_130 : memref<64x128xi32, #tpu.memory_space<vmem>>) target_semaphore(%run_scoped3A_122 : memref<!tpu.dma_semaphore, #tpu.memory_space<semaphore_mem>>)
        %dma_wait3A = arith.constant 0 : i32
        %dma_wait3A_133 = arith.constant 0 : i32
        %dma_wait3A_134 = tpu.memref_slice %arg10[%dma_wait3A, %dma_wait3A_133] : memref<64x128xi32, #tpu.memory_space<vmem>> -> memref<64x128xi32, #tpu.memory_space<vmem>>
        %dma_wait3A_135 = arith.constant 0 : i32
        %dma_wait3A_136 = tpu.memref_slice %arg5[%mul3A_121, %dma_wait3A_135] : memref<1280x128xi32, #tpu.memory_space<hbm>> -> memref<64x128xi32, #tpu.memory_space<hbm>>
        %dma_wait3A_137 = arith.constant 0 : i32
        %dma_wait3A_138 = arith.constant 0 : i32
        %dma_wait3A_139 = tpu.memref_slice %arg10[%dma_wait3A_137, %dma_wait3A_138] : memref<64x128xi32, #tpu.memory_space<vmem>> -> memref<64x128xi32, #tpu.memory_space<vmem>>
        %dma_wait3A_140 = arith.constant 0 : i32
        %dma_wait3A_141 = tpu.memref_slice %arg5[%mul3A_121, %dma_wait3A_140] : memref<1280x128xi32, #tpu.memory_space<hbm>> -> memref<64x128xi32, #tpu.memory_space<hbm>>
        tpu.wait_dma2 semaphore(%run_scoped3A_122 : memref<!tpu.dma_semaphore, #tpu.memory_space<semaphore_mem>>) src(%dma_wait3A_141 : memref<64x128xi32, #tpu.memory_space<hbm>>) dst(%dma_wait3A_139 : memref<64x128xi32, #tpu.memory_space<vmem>>)
        tpu.yield
      }) : () -> ()
    } else {
    }
    %eq3A_5 = arith.constant 1 : i32
    %eq3A_6 = arith.cmpi eq, %arg0, %eq3A_5 : i32
    %convert_element_type3A_7 = arith.extui %eq3A_6 : i1 to i32
    %cond3A_8 = arith.constant 0 : i32
    %cond3A_9 = arith.cmpi ne, %convert_element_type3A_7, %cond3A_8 : i32
    scf.if %cond3A_9 {
      %mul3A_118 = arith.constant 16 : i32
      %mul3A_119 = arith.muli %arg1, %mul3A_118 : i32
      %add3A_120 = arith.constant 1024 : i32
      %add3A_121 = arith.addi %add3A_120, %mul3A_119 : i32
      "tpu.region"() ({
        %run_scoped3A_122 = tpu.sem_alloc : memref<!tpu.dma_semaphore, #tpu.memory_space<semaphore_mem>>
        %dma_start3A_123 = arith.constant 0 : i32
        %dma_start3A_124 = arith.constant 0 : i32
        %dma_start3A_125 = tpu.memref_slice %arg9[%dma_start3A_123, %dma_start3A_124] : memref<64x128xi32, #tpu.memory_space<vmem>> -> memref<16x128xi32, #tpu.memory_space<vmem>>
        %dma_start3A_126 = arith.constant 0 : i32
        %dma_start3A_127 = tpu.memref_slice %arg4[%add3A_121, %dma_start3A_126] : memref<1280x128xi32, #tpu.memory_space<hbm>> -> memref<16x128xi32, #tpu.memory_space<hbm>>
        %dma_start3A_128 = arith.constant 0 : i32
        %dma_start3A_129 = arith.constant 0 : i32
        %dma_start3A_130 = tpu.memref_slice %arg9[%dma_start3A_128, %dma_start3A_129] : memref<64x128xi32, #tpu.memory_space<vmem>> -> memref<16x128xi32, #tpu.memory_space<vmem>>
        %dma_start3A_131 = arith.constant 0 : i32
        %dma_start3A_132 = tpu.memref_slice %arg4[%add3A_121, %dma_start3A_131] : memref<1280x128xi32, #tpu.memory_space<hbm>> -> memref<16x128xi32, #tpu.memory_space<hbm>>
        tpu.enqueue_dma source(%dma_start3A_132 : memref<16x128xi32, #tpu.memory_space<hbm>>) target(%dma_start3A_130 : memref<16x128xi32, #tpu.memory_space<vmem>>) target_semaphore(%run_scoped3A_122 : memref<!tpu.dma_semaphore, #tpu.memory_space<semaphore_mem>>)
        %dma_wait3A = arith.constant 0 : i32
        %dma_wait3A_133 = arith.constant 0 : i32
        %dma_wait3A_134 = tpu.memref_slice %arg9[%dma_wait3A, %dma_wait3A_133] : memref<64x128xi32, #tpu.memory_space<vmem>> -> memref<16x128xi32, #tpu.memory_space<vmem>>
        %dma_wait3A_135 = arith.constant 0 : i32
        %dma_wait3A_136 = tpu.memref_slice %arg4[%add3A_121, %dma_wait3A_135] : memref<1280x128xi32, #tpu.memory_space<hbm>> -> memref<16x128xi32, #tpu.memory_space<hbm>>
        %dma_wait3A_137 = arith.constant 0 : i32
        %dma_wait3A_138 = arith.constant 0 : i32
        %dma_wait3A_139 = tpu.memref_slice %arg9[%dma_wait3A_137, %dma_wait3A_138] : memref<64x128xi32, #tpu.memory_space<vmem>> -> memref<16x128xi32, #tpu.memory_space<vmem>>
        %dma_wait3A_140 = arith.constant 0 : i32
        %dma_wait3A_141 = tpu.memref_slice %arg4[%add3A_121, %dma_wait3A_140] : memref<1280x128xi32, #tpu.memory_space<hbm>> -> memref<16x128xi32, #tpu.memory_space<hbm>>
        tpu.wait_dma2 semaphore(%run_scoped3A_122 : memref<!tpu.dma_semaphore, #tpu.memory_space<semaphore_mem>>) src(%dma_wait3A_141 : memref<16x128xi32, #tpu.memory_space<hbm>>) dst(%dma_wait3A_139 : memref<16x128xi32, #tpu.memory_space<vmem>>)
        tpu.yield
      }) : () -> ()
      "tpu.region"() ({
        %run_scoped3A_122 = tpu.sem_alloc : memref<!tpu.dma_semaphore, #tpu.memory_space<semaphore_mem>>
        %dma_start3A_123 = arith.constant 0 : i32
        %dma_start3A_124 = arith.constant 0 : i32
        %dma_start3A_125 = tpu.memref_slice %arg10[%dma_start3A_123, %dma_start3A_124] : memref<64x128xi32, #tpu.memory_space<vmem>> -> memref<16x128xi32, #tpu.memory_space<vmem>>
        %dma_start3A_126 = arith.constant 0 : i32
        %dma_start3A_127 = tpu.memref_slice %arg5[%add3A_121, %dma_start3A_126] : memref<1280x128xi32, #tpu.memory_space<hbm>> -> memref<16x128xi32, #tpu.memory_space<hbm>>
        %dma_start3A_128 = arith.constant 0 : i32
        %dma_start3A_129 = arith.constant 0 : i32
        %dma_start3A_130 = tpu.memref_slice %arg10[%dma_start3A_128, %dma_start3A_129] : memref<64x128xi32, #tpu.memory_space<vmem>> -> memref<16x128xi32, #tpu.memory_space<vmem>>
        %dma_start3A_131 = arith.constant 0 : i32
        %dma_start3A_132 = tpu.memref_slice %arg5[%add3A_121, %dma_start3A_131] : memref<1280x128xi32, #tpu.memory_space<hbm>> -> memref<16x128xi32, #tpu.memory_space<hbm>>
        tpu.enqueue_dma source(%dma_start3A_132 : memref<16x128xi32, #tpu.memory_space<hbm>>) target(%dma_start3A_130 : memref<16x128xi32, #tpu.memory_space<vmem>>) target_semaphore(%run_scoped3A_122 : memref<!tpu.dma_semaphore, #tpu.memory_space<semaphore_mem>>)
        %dma_wait3A = arith.constant 0 : i32
        %dma_wait3A_133 = arith.constant 0 : i32
        %dma_wait3A_134 = tpu.memref_slice %arg10[%dma_wait3A, %dma_wait3A_133] : memref<64x128xi32, #tpu.memory_space<vmem>> -> memref<16x128xi32, #tpu.memory_space<vmem>>
        %dma_wait3A_135 = arith.constant 0 : i32
        %dma_wait3A_136 = tpu.memref_slice %arg5[%add3A_121, %dma_wait3A_135] : memref<1280x128xi32, #tpu.memory_space<hbm>> -> memref<16x128xi32, #tpu.memory_space<hbm>>
        %dma_wait3A_137 = arith.constant 0 : i32
        %dma_wait3A_138 = arith.constant 0 : i32
        %dma_wait3A_139 = tpu.memref_slice %arg10[%dma_wait3A_137, %dma_wait3A_138] : memref<64x128xi32, #tpu.memory_space<vmem>> -> memref<16x128xi32, #tpu.memory_space<vmem>>
        %dma_wait3A_140 = arith.constant 0 : i32
        %dma_wait3A_141 = tpu.memref_slice %arg5[%add3A_121, %dma_wait3A_140] : memref<1280x128xi32, #tpu.memory_space<hbm>> -> memref<16x128xi32, #tpu.memory_space<hbm>>
        tpu.wait_dma2 semaphore(%run_scoped3A_122 : memref<!tpu.dma_semaphore, #tpu.memory_space<semaphore_mem>>) src(%dma_wait3A_141 : memref<16x128xi32, #tpu.memory_space<hbm>>) dst(%dma_wait3A_139 : memref<16x128xi32, #tpu.memory_space<vmem>>)
        tpu.yield
      }) : () -> ()
    } else {
    }
    "tpu.region"() ({
      %run_scoped3A_118 = tpu.sem_alloc : memref<!tpu.dma_semaphore, #tpu.memory_space<semaphore_mem>>
      tpu.enqueue_dma source(%arg6 : memref<128x128xf32, #tpu.memory_space<hbm>>) target(%arg11 : memref<128x128xf32, #tpu.memory_space<vmem>>) target_semaphore(%run_scoped3A_118 : memref<!tpu.dma_semaphore, #tpu.memory_space<semaphore_mem>>)
      tpu.wait_dma2 semaphore(%run_scoped3A_118 : memref<!tpu.dma_semaphore, #tpu.memory_space<semaphore_mem>>) src(%arg6 : memref<128x128xf32, #tpu.memory_space<hbm>>) dst(%arg11 : memref<128x128xf32, #tpu.memory_space<vmem>>)
      tpu.yield
    }) : () -> ()
    %mul3A = arith.constant 640 : i32
    %mul3A_10 = arith.muli %arg1, %mul3A : i32
    %add3A = arith.constant 0 : i32
    %add3A_11 = arith.addi %mul3A_10, %add3A : i32
    "tpu.region"() ({
      %run_scoped3A_118 = tpu.sem_alloc : memref<!tpu.dma_semaphore, #tpu.memory_space<semaphore_mem>>
      %dma_start3A_119 = arith.constant 0 : i32
      %dma_start3A_120 = tpu.memref_slice %arg13[%add3A_11, %dma_start3A_119] : memref<10240x128xf32, #tpu.memory_space<vmem_shared>> -> memref<128x128xf32, #tpu.memory_space<vmem_shared>>
      %dma_start3A_121 = arith.constant 0 : i32
      %dma_start3A_122 = tpu.memref_slice %arg13[%add3A_11, %dma_start3A_121] : memref<10240x128xf32, #tpu.memory_space<vmem_shared>> -> memref<128x128xf32, #tpu.memory_space<vmem_shared>>
      tpu.enqueue_dma source(%arg11 : memref<128x128xf32, #tpu.memory_space<vmem>>) target(%dma_start3A_122 : memref<128x128xf32, #tpu.memory_space<vmem_shared>>) target_semaphore(%run_scoped3A_118 : memref<!tpu.dma_semaphore, #tpu.memory_space<semaphore_mem>>)
      %dma_wait3A = arith.constant 0 : i32
      %dma_wait3A_123 = tpu.memref_slice %arg13[%add3A_11, %dma_wait3A] : memref<10240x128xf32, #tpu.memory_space<vmem_shared>> -> memref<128x128xf32, #tpu.memory_space<vmem_shared>>
      %dma_wait3A_124 = arith.constant 0 : i32
      %dma_wait3A_125 = tpu.memref_slice %arg13[%add3A_11, %dma_wait3A_124] : memref<10240x128xf32, #tpu.memory_space<vmem_shared>> -> memref<128x128xf32, #tpu.memory_space<vmem_shared>>
      tpu.wait_dma2 semaphore(%run_scoped3A_118 : memref<!tpu.dma_semaphore, #tpu.memory_space<semaphore_mem>>) src(%arg11 : memref<128x128xf32, #tpu.memory_space<vmem>>) dst(%dma_wait3A_125 : memref<128x128xf32, #tpu.memory_space<vmem_shared>>)
      tpu.yield
    }) : () -> ()
    %mul3A_12 = arith.constant 640 : i32
    %mul3A_13 = arith.muli %arg1, %mul3A_12 : i32
    %add3A_14 = arith.constant 128 : i32
    %add3A_15 = arith.addi %mul3A_13, %add3A_14 : i32
    "tpu.region"() ({
      %run_scoped3A_118 = tpu.sem_alloc : memref<!tpu.dma_semaphore, #tpu.memory_space<semaphore_mem>>
      %dma_start3A_119 = arith.constant 0 : i32
      %dma_start3A_120 = tpu.memref_slice %arg13[%add3A_15, %dma_start3A_119] : memref<10240x128xf32, #tpu.memory_space<vmem_shared>> -> memref<128x128xf32, #tpu.memory_space<vmem_shared>>
      %dma_start3A_121 = arith.constant 0 : i32
      %dma_start3A_122 = tpu.memref_slice %arg13[%add3A_15, %dma_start3A_121] : memref<10240x128xf32, #tpu.memory_space<vmem_shared>> -> memref<128x128xf32, #tpu.memory_space<vmem_shared>>
      tpu.enqueue_dma source(%arg11 : memref<128x128xf32, #tpu.memory_space<vmem>>) target(%dma_start3A_122 : memref<128x128xf32, #tpu.memory_space<vmem_shared>>) target_semaphore(%run_scoped3A_118 : memref<!tpu.dma_semaphore, #tpu.memory_space<semaphore_mem>>)
      %dma_wait3A = arith.constant 0 : i32
      %dma_wait3A_123 = tpu.memref_slice %arg13[%add3A_15, %dma_wait3A] : memref<10240x128xf32, #tpu.memory_space<vmem_shared>> -> memref<128x128xf32, #tpu.memory_space<vmem_shared>>
      %dma_wait3A_124 = arith.constant 0 : i32
      %dma_wait3A_125 = tpu.memref_slice %arg13[%add3A_15, %dma_wait3A_124] : memref<10240x128xf32, #tpu.memory_space<vmem_shared>> -> memref<128x128xf32, #tpu.memory_space<vmem_shared>>
      tpu.wait_dma2 semaphore(%run_scoped3A_118 : memref<!tpu.dma_semaphore, #tpu.memory_space<semaphore_mem>>) src(%arg11 : memref<128x128xf32, #tpu.memory_space<vmem>>) dst(%dma_wait3A_125 : memref<128x128xf32, #tpu.memory_space<vmem_shared>>)
      tpu.yield
    }) : () -> ()
    %mul3A_16 = arith.constant 640 : i32
    %mul3A_17 = arith.muli %arg1, %mul3A_16 : i32
    %add3A_18 = arith.constant 256 : i32
    %add3A_19 = arith.addi %mul3A_17, %add3A_18 : i32
    "tpu.region"() ({
      %run_scoped3A_118 = tpu.sem_alloc : memref<!tpu.dma_semaphore, #tpu.memory_space<semaphore_mem>>
      %dma_start3A_119 = arith.constant 0 : i32
      %dma_start3A_120 = tpu.memref_slice %arg13[%add3A_19, %dma_start3A_119] : memref<10240x128xf32, #tpu.memory_space<vmem_shared>> -> memref<128x128xf32, #tpu.memory_space<vmem_shared>>
      %dma_start3A_121 = arith.constant 0 : i32
      %dma_start3A_122 = tpu.memref_slice %arg13[%add3A_19, %dma_start3A_121] : memref<10240x128xf32, #tpu.memory_space<vmem_shared>> -> memref<128x128xf32, #tpu.memory_space<vmem_shared>>
      tpu.enqueue_dma source(%arg11 : memref<128x128xf32, #tpu.memory_space<vmem>>) target(%dma_start3A_122 : memref<128x128xf32, #tpu.memory_space<vmem_shared>>) target_semaphore(%run_scoped3A_118 : memref<!tpu.dma_semaphore, #tpu.memory_space<semaphore_mem>>)
      %dma_wait3A = arith.constant 0 : i32
      %dma_wait3A_123 = tpu.memref_slice %arg13[%add3A_19, %dma_wait3A] : memref<10240x128xf32, #tpu.memory_space<vmem_shared>> -> memref<128x128xf32, #tpu.memory_space<vmem_shared>>
      %dma_wait3A_124 = arith.constant 0 : i32
      %dma_wait3A_125 = tpu.memref_slice %arg13[%add3A_19, %dma_wait3A_124] : memref<10240x128xf32, #tpu.memory_space<vmem_shared>> -> memref<128x128xf32, #tpu.memory_space<vmem_shared>>
      tpu.wait_dma2 semaphore(%run_scoped3A_118 : memref<!tpu.dma_semaphore, #tpu.memory_space<semaphore_mem>>) src(%arg11 : memref<128x128xf32, #tpu.memory_space<vmem>>) dst(%dma_wait3A_125 : memref<128x128xf32, #tpu.memory_space<vmem_shared>>)
      tpu.yield
    }) : () -> ()
    %mul3A_20 = arith.constant 640 : i32
    %mul3A_21 = arith.muli %arg1, %mul3A_20 : i32
    %add3A_22 = arith.constant 384 : i32
    %add3A_23 = arith.addi %mul3A_21, %add3A_22 : i32
    "tpu.region"() ({
      %run_scoped3A_118 = tpu.sem_alloc : memref<!tpu.dma_semaphore, #tpu.memory_space<semaphore_mem>>
      %dma_start3A_119 = arith.constant 0 : i32
      %dma_start3A_120 = tpu.memref_slice %arg13[%add3A_23, %dma_start3A_119] : memref<10240x128xf32, #tpu.memory_space<vmem_shared>> -> memref<128x128xf32, #tpu.memory_space<vmem_shared>>
      %dma_start3A_121 = arith.constant 0 : i32
      %dma_start3A_122 = tpu.memref_slice %arg13[%add3A_23, %dma_start3A_121] : memref<10240x128xf32, #tpu.memory_space<vmem_shared>> -> memref<128x128xf32, #tpu.memory_space<vmem_shared>>
      tpu.enqueue_dma source(%arg11 : memref<128x128xf32, #tpu.memory_space<vmem>>) target(%dma_start3A_122 : memref<128x128xf32, #tpu.memory_space<vmem_shared>>) target_semaphore(%run_scoped3A_118 : memref<!tpu.dma_semaphore, #tpu.memory_space<semaphore_mem>>)
      %dma_wait3A = arith.constant 0 : i32
      %dma_wait3A_123 = tpu.memref_slice %arg13[%add3A_23, %dma_wait3A] : memref<10240x128xf32, #tpu.memory_space<vmem_shared>> -> memref<128x128xf32, #tpu.memory_space<vmem_shared>>
      %dma_wait3A_124 = arith.constant 0 : i32
      %dma_wait3A_125 = tpu.memref_slice %arg13[%add3A_23, %dma_wait3A_124] : memref<10240x128xf32, #tpu.memory_space<vmem_shared>> -> memref<128x128xf32, #tpu.memory_space<vmem_shared>>
      tpu.wait_dma2 semaphore(%run_scoped3A_118 : memref<!tpu.dma_semaphore, #tpu.memory_space<semaphore_mem>>) src(%arg11 : memref<128x128xf32, #tpu.memory_space<vmem>>) dst(%dma_wait3A_125 : memref<128x128xf32, #tpu.memory_space<vmem_shared>>)
      tpu.yield
    }) : () -> ()
    %mul3A_24 = arith.constant 640 : i32
    %mul3A_25 = arith.muli %arg1, %mul3A_24 : i32
    %add3A_26 = arith.constant 512 : i32
    %add3A_27 = arith.addi %mul3A_25, %add3A_26 : i32
    "tpu.region"() ({
      %run_scoped3A_118 = tpu.sem_alloc : memref<!tpu.dma_semaphore, #tpu.memory_space<semaphore_mem>>
      %dma_start3A_119 = arith.constant 0 : i32
      %dma_start3A_120 = tpu.memref_slice %arg13[%add3A_27, %dma_start3A_119] : memref<10240x128xf32, #tpu.memory_space<vmem_shared>> -> memref<128x128xf32, #tpu.memory_space<vmem_shared>>
      %dma_start3A_121 = arith.constant 0 : i32
      %dma_start3A_122 = tpu.memref_slice %arg13[%add3A_27, %dma_start3A_121] : memref<10240x128xf32, #tpu.memory_space<vmem_shared>> -> memref<128x128xf32, #tpu.memory_space<vmem_shared>>
      tpu.enqueue_dma source(%arg11 : memref<128x128xf32, #tpu.memory_space<vmem>>) target(%dma_start3A_122 : memref<128x128xf32, #tpu.memory_space<vmem_shared>>) target_semaphore(%run_scoped3A_118 : memref<!tpu.dma_semaphore, #tpu.memory_space<semaphore_mem>>)
      %dma_wait3A = arith.constant 0 : i32
      %dma_wait3A_123 = tpu.memref_slice %arg13[%add3A_27, %dma_wait3A] : memref<10240x128xf32, #tpu.memory_space<vmem_shared>> -> memref<128x128xf32, #tpu.memory_space<vmem_shared>>
      %dma_wait3A_124 = arith.constant 0 : i32
      %dma_wait3A_125 = tpu.memref_slice %arg13[%add3A_27, %dma_wait3A_124] : memref<10240x128xf32, #tpu.memory_space<vmem_shared>> -> memref<128x128xf32, #tpu.memory_space<vmem_shared>>
      tpu.wait_dma2 semaphore(%run_scoped3A_118 : memref<!tpu.dma_semaphore, #tpu.memory_space<semaphore_mem>>) src(%arg11 : memref<128x128xf32, #tpu.memory_space<vmem>>) dst(%dma_wait3A_125 : memref<128x128xf32, #tpu.memory_space<vmem_shared>>)
      tpu.yield
    }) : () -> ()
    %barrier3A = arith.constant 0 : index
    tpu.barrier barrier_id(%barrier3A)
    %dma_start3A = arith.constant 0 : i32
    %dma_start3A_28 = arith.constant 0 : i32
    %dma_start3A_29 = tpu.memref_slice %arg9[%dma_start3A, %dma_start3A_28] : memref<64x128xi32, #tpu.memory_space<vmem>> -> memref<1x128xi32, #tpu.memory_space<vmem>>
    %dma_start3A_30 = tpu.memref_squeeze %dma_start3A_29 : memref<1x128xi32, #tpu.memory_space<vmem>> -> memref<128xi32, #tpu.memory_space<vmem>>
    %dma_start3A_31 = arith.constant 0 : i32
    %dma_start3A_32 = arith.constant 0 : i32
    %dma_start3A_33 = tpu.memref_slice %arg2[%dma_start3A_31, %dma_start3A_32] : memref<10240x128xf32, #tpu.memory_space<hbm>> -> memref<10240x128xf32, #tpu.memory_space<hbm>>
    tpu.enqueue_indirect_dma source(%dma_start3A_33 : memref<10240x128xf32, #tpu.memory_space<hbm>>) target(%arg11 : memref<128x128xf32, #tpu.memory_space<vmem>>) offsets(%dma_start3A_30 : memref<128xi32, #tpu.memory_space<vmem>>) semaphore(%arg14 : memref<!tpu.dma_semaphore, #tpu.memory_space<semaphore_mem>>)
    %dma_start3A_34 = arith.constant 1 : i32
    %dma_start3A_35 = arith.constant 0 : i32
    %dma_start3A_36 = tpu.memref_slice %arg9[%dma_start3A_34, %dma_start3A_35] : memref<64x128xi32, #tpu.memory_space<vmem>> -> memref<1x128xi32, #tpu.memory_space<vmem>>
    %dma_start3A_37 = tpu.memref_squeeze %dma_start3A_36 : memref<1x128xi32, #tpu.memory_space<vmem>> -> memref<128xi32, #tpu.memory_space<vmem>>
    %dma_start3A_38 = arith.constant 0 : i32
    %dma_start3A_39 = arith.constant 0 : i32
    %dma_start3A_40 = tpu.memref_slice %arg2[%dma_start3A_38, %dma_start3A_39] : memref<10240x128xf32, #tpu.memory_space<hbm>> -> memref<10240x128xf32, #tpu.memory_space<hbm>>
    tpu.enqueue_indirect_dma source(%dma_start3A_40 : memref<10240x128xf32, #tpu.memory_space<hbm>>) target(%arg12 : memref<128x128xf32, #tpu.memory_space<vmem>>) offsets(%dma_start3A_37 : memref<128xi32, #tpu.memory_space<vmem>>) semaphore(%arg15 : memref<!tpu.dma_semaphore, #tpu.memory_space<semaphore_mem>>)
    %sub3A = arith.constant 0 : i32
    %sub3A_41 = arith.subi %select_n3A, %sub3A : i32
    %sub3A_42 = arith.constant 2 : i32
    %sub3A_43 = arith.constant 1 : i32
    %sub3A_44 = arith.subi %sub3A_42, %sub3A_43 : i32
    %add3A_45 = arith.addi %sub3A_41, %sub3A_44 : i32
    %div3A = arith.constant 2 : i32
    %div3A_46 = arith.divsi %add3A_45, %div3A : i32
    %while3A = arith.constant 2 : i32
    %while3A_47 = arith.constant 0 : i32
    %while3A_48 = arith.constant 0 : i32
    %while3A_49 = arith.subi %div3A_46, %while3A_48 : i32
    %while3A_50 = arith.addi %while3A_48, %while3A_49 : i32
    %while3A_51 = arith.constant 1 : i32
    %while3A_52 = arith.divsi %while3A_49, %while3A_51 : i32
    %while3A_53 = arith.muli %while3A_52, %while3A_51 : i32
    %while3A_54 = arith.addi %while3A_48, %while3A_53 : i32
    %while3A_55 = arith.constant 1 : i32
    scf.for %while3A_118 = %while3A_48 to %while3A_54 step %while3A_55  : i32 {
      %mul3A_119 = arith.muli %while3A_118, %while3A : i32
      %add3A_120 = arith.addi %while3A_47, %mul3A_119 : i32
      %dma_wait3A = arith.constant 0 : i32
      %dma_wait3A_121 = tpu.memref_slice %arg9[%add3A_120, %dma_wait3A] : memref<64x128xi32, #tpu.memory_space<vmem>> -> memref<1x128xi32, #tpu.memory_space<vmem>>
      %dma_wait3A_122 = tpu.memref_squeeze %dma_wait3A_121 : memref<1x128xi32, #tpu.memory_space<vmem>> -> memref<128xi32, #tpu.memory_space<vmem>>
      %dma_wait3A_123 = arith.constant 0 : i32
      %dma_wait3A_124 = arith.constant 0 : i32
      %dma_wait3A_125 = tpu.memref_slice %arg2[%dma_wait3A_123, %dma_wait3A_124] : memref<10240x128xf32, #tpu.memory_space<hbm>> -> memref<10240x128xf32, #tpu.memory_space<hbm>>
      tpu.wait_indirect_dma semaphore(%arg14 : memref<!tpu.dma_semaphore, #tpu.memory_space<semaphore_mem>>) src(%dma_wait3A_125 : memref<10240x128xf32, #tpu.memory_space<hbm>>) dst(%arg11 : memref<128x128xf32, #tpu.memory_space<vmem>>)
      %dma_start3A_126 = arith.constant 0 : i32
      %dma_start3A_127 = tpu.memref_slice %arg10[%add3A_120, %dma_start3A_126] : memref<64x128xi32, #tpu.memory_space<vmem>> -> memref<1x128xi32, #tpu.memory_space<vmem>>
      %dma_start3A_128 = tpu.memref_squeeze %dma_start3A_127 : memref<1x128xi32, #tpu.memory_space<vmem>> -> memref<128xi32, #tpu.memory_space<vmem>>
      %dma_start3A_129 = arith.constant 0 : i32
      %dma_start3A_130 = arith.constant 0 : i32
      %dma_start3A_131 = tpu.memref_slice %arg13[%dma_start3A_129, %dma_start3A_130] : memref<10240x128xf32, #tpu.memory_space<vmem_shared>> -> memref<10240x128xf32, #tpu.memory_space<vmem_shared>>
      tpu.enqueue_indirect_dma source(%arg11 : memref<128x128xf32, #tpu.memory_space<vmem>>) target(%dma_start3A_131 : memref<10240x128xf32, #tpu.memory_space<vmem_shared>>) offsets(%dma_start3A_128 : memref<128xi32, #tpu.memory_space<vmem>>) semaphore(%arg16 : memref<!tpu.dma_semaphore, #tpu.memory_space<semaphore_mem>>) {add = true}
      %add3A_132 = arith.constant 1 : i32
      %add3A_133 = arith.addi %add3A_120, %add3A_132 : i32
      %dma_wait3A_134 = arith.constant 0 : i32
      %dma_wait3A_135 = tpu.memref_slice %arg9[%add3A_133, %dma_wait3A_134] : memref<64x128xi32, #tpu.memory_space<vmem>> -> memref<1x128xi32, #tpu.memory_space<vmem>>
      %dma_wait3A_136 = tpu.memref_squeeze %dma_wait3A_135 : memref<1x128xi32, #tpu.memory_space<vmem>> -> memref<128xi32, #tpu.memory_space<vmem>>
      %dma_wait3A_137 = arith.constant 0 : i32
      %dma_wait3A_138 = arith.constant 0 : i32
      %dma_wait3A_139 = tpu.memref_slice %arg2[%dma_wait3A_137, %dma_wait3A_138] : memref<10240x128xf32, #tpu.memory_space<hbm>> -> memref<10240x128xf32, #tpu.memory_space<hbm>>
      tpu.wait_indirect_dma semaphore(%arg15 : memref<!tpu.dma_semaphore, #tpu.memory_space<semaphore_mem>>) src(%dma_wait3A_139 : memref<10240x128xf32, #tpu.memory_space<hbm>>) dst(%arg12 : memref<128x128xf32, #tpu.memory_space<vmem>>)
      %add3A_140 = arith.constant 1 : i32
      %add3A_141 = arith.addi %add3A_120, %add3A_140 : i32
      %dma_start3A_142 = arith.constant 0 : i32
      %dma_start3A_143 = tpu.memref_slice %arg10[%add3A_141, %dma_start3A_142] : memref<64x128xi32, #tpu.memory_space<vmem>> -> memref<1x128xi32, #tpu.memory_space<vmem>>
      %dma_start3A_144 = tpu.memref_squeeze %dma_start3A_143 : memref<1x128xi32, #tpu.memory_space<vmem>> -> memref<128xi32, #tpu.memory_space<vmem>>
      %dma_start3A_145 = arith.constant 0 : i32
      %dma_start3A_146 = arith.constant 0 : i32
      %dma_start3A_147 = tpu.memref_slice %arg13[%dma_start3A_145, %dma_start3A_146] : memref<10240x128xf32, #tpu.memory_space<vmem_shared>> -> memref<10240x128xf32, #tpu.memory_space<vmem_shared>>
      tpu.enqueue_indirect_dma source(%arg12 : memref<128x128xf32, #tpu.memory_space<vmem>>) target(%dma_start3A_147 : memref<10240x128xf32, #tpu.memory_space<vmem_shared>>) offsets(%dma_start3A_144 : memref<128xi32, #tpu.memory_space<vmem>>) semaphore(%arg17 : memref<!tpu.dma_semaphore, #tpu.memory_space<semaphore_mem>>) {add = true}
      %dma_wait3A_148 = arith.constant 0 : i32
      %dma_wait3A_149 = tpu.memref_slice %arg10[%add3A_120, %dma_wait3A_148] : memref<64x128xi32, #tpu.memory_space<vmem>> -> memref<1x128xi32, #tpu.memory_space<vmem>>
      %dma_wait3A_150 = tpu.memref_squeeze %dma_wait3A_149 : memref<1x128xi32, #tpu.memory_space<vmem>> -> memref<128xi32, #tpu.memory_space<vmem>>
      %dma_wait3A_151 = arith.constant 0 : i32
      %dma_wait3A_152 = arith.constant 0 : i32
      %dma_wait3A_153 = tpu.memref_slice %arg13[%dma_wait3A_151, %dma_wait3A_152] : memref<10240x128xf32, #tpu.memory_space<vmem_shared>> -> memref<10240x128xf32, #tpu.memory_space<vmem_shared>>
      tpu.wait_indirect_dma semaphore(%arg16 : memref<!tpu.dma_semaphore, #tpu.memory_space<semaphore_mem>>) src(%arg11 : memref<128x128xf32, #tpu.memory_space<vmem>>) dst(%dma_wait3A_153 : memref<10240x128xf32, #tpu.memory_space<vmem_shared>>)
      %add3A_154 = arith.constant 2 : i32
      %add3A_155 = arith.addi %add3A_120, %add3A_154 : i32
      %lt3A = arith.cmpi slt, %add3A_155, %select_n3A : i32
      %convert_element_type3A_156 = arith.extui %lt3A : i1 to i32
      %cond3A_157 = arith.constant 0 : i32
      %cond3A_158 = arith.cmpi ne, %convert_element_type3A_156, %cond3A_157 : i32
      scf.if %cond3A_158 {
        %add3A_173 = arith.constant 2 : i32
        %add3A_174 = arith.addi %add3A_120, %add3A_173 : i32
        %dma_start3A_175 = arith.constant 0 : i32
        %dma_start3A_176 = tpu.memref_slice %arg9[%add3A_174, %dma_start3A_175] : memref<64x128xi32, #tpu.memory_space<vmem>> -> memref<1x128xi32, #tpu.memory_space<vmem>>
        %dma_start3A_177 = tpu.memref_squeeze %dma_start3A_176 : memref<1x128xi32, #tpu.memory_space<vmem>> -> memref<128xi32, #tpu.memory_space<vmem>>
        %dma_start3A_178 = arith.constant 0 : i32
        %dma_start3A_179 = arith.constant 0 : i32
        %dma_start3A_180 = tpu.memref_slice %arg2[%dma_start3A_178, %dma_start3A_179] : memref<10240x128xf32, #tpu.memory_space<hbm>> -> memref<10240x128xf32, #tpu.memory_space<hbm>>
        tpu.enqueue_indirect_dma source(%dma_start3A_180 : memref<10240x128xf32, #tpu.memory_space<hbm>>) target(%arg11 : memref<128x128xf32, #tpu.memory_space<vmem>>) offsets(%dma_start3A_177 : memref<128xi32, #tpu.memory_space<vmem>>) semaphore(%arg14 : memref<!tpu.dma_semaphore, #tpu.memory_space<semaphore_mem>>)
      } else {
      }
      %add3A_159 = arith.constant 1 : i32
      %add3A_160 = arith.addi %add3A_120, %add3A_159 : i32
      %dma_wait3A_161 = arith.constant 0 : i32
      %dma_wait3A_162 = tpu.memref_slice %arg10[%add3A_160, %dma_wait3A_161] : memref<64x128xi32, #tpu.memory_space<vmem>> -> memref<1x128xi32, #tpu.memory_space<vmem>>
      %dma_wait3A_163 = tpu.memref_squeeze %dma_wait3A_162 : memref<1x128xi32, #tpu.memory_space<vmem>> -> memref<128xi32, #tpu.memory_space<vmem>>
      %dma_wait3A_164 = arith.constant 0 : i32
      %dma_wait3A_165 = arith.constant 0 : i32
      %dma_wait3A_166 = tpu.memref_slice %arg13[%dma_wait3A_164, %dma_wait3A_165] : memref<10240x128xf32, #tpu.memory_space<vmem_shared>> -> memref<10240x128xf32, #tpu.memory_space<vmem_shared>>
      tpu.wait_indirect_dma semaphore(%arg17 : memref<!tpu.dma_semaphore, #tpu.memory_space<semaphore_mem>>) src(%arg12 : memref<128x128xf32, #tpu.memory_space<vmem>>) dst(%dma_wait3A_166 : memref<10240x128xf32, #tpu.memory_space<vmem_shared>>)
      %add3A_167 = arith.constant 3 : i32
      %add3A_168 = arith.addi %add3A_120, %add3A_167 : i32
      %lt3A_169 = arith.cmpi slt, %add3A_168, %select_n3A : i32
      %convert_element_type3A_170 = arith.extui %lt3A_169 : i1 to i32
      %cond3A_171 = arith.constant 0 : i32
      %cond3A_172 = arith.cmpi ne, %convert_element_type3A_170, %cond3A_171 : i32
      scf.if %cond3A_172 {
        %add3A_173 = arith.constant 3 : i32
        %add3A_174 = arith.addi %add3A_120, %add3A_173 : i32
        %dma_start3A_175 = arith.constant 0 : i32
        %dma_start3A_176 = tpu.memref_slice %arg9[%add3A_174, %dma_start3A_175] : memref<64x128xi32, #tpu.memory_space<vmem>> -> memref<1x128xi32, #tpu.memory_space<vmem>>
        %dma_start3A_177 = tpu.memref_squeeze %dma_start3A_176 : memref<1x128xi32, #tpu.memory_space<vmem>> -> memref<128xi32, #tpu.memory_space<vmem>>
        %dma_start3A_178 = arith.constant 0 : i32
        %dma_start3A_179 = arith.constant 0 : i32
        %dma_start3A_180 = tpu.memref_slice %arg2[%dma_start3A_178, %dma_start3A_179] : memref<10240x128xf32, #tpu.memory_space<hbm>> -> memref<10240x128xf32, #tpu.memory_space<hbm>>
        tpu.enqueue_indirect_dma source(%dma_start3A_180 : memref<10240x128xf32, #tpu.memory_space<hbm>>) target(%arg12 : memref<128x128xf32, #tpu.memory_space<vmem>>) offsets(%dma_start3A_177 : memref<128xi32, #tpu.memory_space<vmem>>) semaphore(%arg15 : memref<!tpu.dma_semaphore, #tpu.memory_space<semaphore_mem>>)
      } else {
      }
    }
    %while3A_56 = arith.constant 1 : i32
    scf.for %while3A_118 = %while3A_54 to %while3A_50 step %while3A_56  : i32 {
      %mul3A_119 = arith.muli %while3A_118, %while3A : i32
      %add3A_120 = arith.addi %while3A_47, %mul3A_119 : i32
      %dma_wait3A = arith.constant 0 : i32
      %dma_wait3A_121 = tpu.memref_slice %arg9[%add3A_120, %dma_wait3A] : memref<64x128xi32, #tpu.memory_space<vmem>> -> memref<1x128xi32, #tpu.memory_space<vmem>>
      %dma_wait3A_122 = tpu.memref_squeeze %dma_wait3A_121 : memref<1x128xi32, #tpu.memory_space<vmem>> -> memref<128xi32, #tpu.memory_space<vmem>>
      %dma_wait3A_123 = arith.constant 0 : i32
      %dma_wait3A_124 = arith.constant 0 : i32
      %dma_wait3A_125 = tpu.memref_slice %arg2[%dma_wait3A_123, %dma_wait3A_124] : memref<10240x128xf32, #tpu.memory_space<hbm>> -> memref<10240x128xf32, #tpu.memory_space<hbm>>
      tpu.wait_indirect_dma semaphore(%arg14 : memref<!tpu.dma_semaphore, #tpu.memory_space<semaphore_mem>>) src(%dma_wait3A_125 : memref<10240x128xf32, #tpu.memory_space<hbm>>) dst(%arg11 : memref<128x128xf32, #tpu.memory_space<vmem>>)
      %dma_start3A_126 = arith.constant 0 : i32
      %dma_start3A_127 = tpu.memref_slice %arg10[%add3A_120, %dma_start3A_126] : memref<64x128xi32, #tpu.memory_space<vmem>> -> memref<1x128xi32, #tpu.memory_space<vmem>>
      %dma_start3A_128 = tpu.memref_squeeze %dma_start3A_127 : memref<1x128xi32, #tpu.memory_space<vmem>> -> memref<128xi32, #tpu.memory_space<vmem>>
      %dma_start3A_129 = arith.constant 0 : i32
      %dma_start3A_130 = arith.constant 0 : i32
      %dma_start3A_131 = tpu.memref_slice %arg13[%dma_start3A_129, %dma_start3A_130] : memref<10240x128xf32, #tpu.memory_space<vmem_shared>> -> memref<10240x128xf32, #tpu.memory_space<vmem_shared>>
      tpu.enqueue_indirect_dma source(%arg11 : memref<128x128xf32, #tpu.memory_space<vmem>>) target(%dma_start3A_131 : memref<10240x128xf32, #tpu.memory_space<vmem_shared>>) offsets(%dma_start3A_128 : memref<128xi32, #tpu.memory_space<vmem>>) semaphore(%arg16 : memref<!tpu.dma_semaphore, #tpu.memory_space<semaphore_mem>>) {add = true}
      %add3A_132 = arith.constant 1 : i32
      %add3A_133 = arith.addi %add3A_120, %add3A_132 : i32
      %dma_wait3A_134 = arith.constant 0 : i32
      %dma_wait3A_135 = tpu.memref_slice %arg9[%add3A_133, %dma_wait3A_134] : memref<64x128xi32, #tpu.memory_space<vmem>> -> memref<1x128xi32, #tpu.memory_space<vmem>>
      %dma_wait3A_136 = tpu.memref_squeeze %dma_wait3A_135 : memref<1x128xi32, #tpu.memory_space<vmem>> -> memref<128xi32, #tpu.memory_space<vmem>>
      %dma_wait3A_137 = arith.constant 0 : i32
      %dma_wait3A_138 = arith.constant 0 : i32
      %dma_wait3A_139 = tpu.memref_slice %arg2[%dma_wait3A_137, %dma_wait3A_138] : memref<10240x128xf32, #tpu.memory_space<hbm>> -> memref<10240x128xf32, #tpu.memory_space<hbm>>
      tpu.wait_indirect_dma semaphore(%arg15 : memref<!tpu.dma_semaphore, #tpu.memory_space<semaphore_mem>>) src(%dma_wait3A_139 : memref<10240x128xf32, #tpu.memory_space<hbm>>) dst(%arg12 : memref<128x128xf32, #tpu.memory_space<vmem>>)
      %add3A_140 = arith.constant 1 : i32
      %add3A_141 = arith.addi %add3A_120, %add3A_140 : i32
      %dma_start3A_142 = arith.constant 0 : i32
      %dma_start3A_143 = tpu.memref_slice %arg10[%add3A_141, %dma_start3A_142] : memref<64x128xi32, #tpu.memory_space<vmem>> -> memref<1x128xi32, #tpu.memory_space<vmem>>
      %dma_start3A_144 = tpu.memref_squeeze %dma_start3A_143 : memref<1x128xi32, #tpu.memory_space<vmem>> -> memref<128xi32, #tpu.memory_space<vmem>>
      %dma_start3A_145 = arith.constant 0 : i32
      %dma_start3A_146 = arith.constant 0 : i32
      %dma_start3A_147 = tpu.memref_slice %arg13[%dma_start3A_145, %dma_start3A_146] : memref<10240x128xf32, #tpu.memory_space<vmem_shared>> -> memref<10240x128xf32, #tpu.memory_space<vmem_shared>>
      tpu.enqueue_indirect_dma source(%arg12 : memref<128x128xf32, #tpu.memory_space<vmem>>) target(%dma_start3A_147 : memref<10240x128xf32, #tpu.memory_space<vmem_shared>>) offsets(%dma_start3A_144 : memref<128xi32, #tpu.memory_space<vmem>>) semaphore(%arg17 : memref<!tpu.dma_semaphore, #tpu.memory_space<semaphore_mem>>) {add = true}
      %dma_wait3A_148 = arith.constant 0 : i32
      %dma_wait3A_149 = tpu.memref_slice %arg10[%add3A_120, %dma_wait3A_148] : memref<64x128xi32, #tpu.memory_space<vmem>> -> memref<1x128xi32, #tpu.memory_space<vmem>>
      %dma_wait3A_150 = tpu.memref_squeeze %dma_wait3A_149 : memref<1x128xi32, #tpu.memory_space<vmem>> -> memref<128xi32, #tpu.memory_space<vmem>>
      %dma_wait3A_151 = arith.constant 0 : i32
      %dma_wait3A_152 = arith.constant 0 : i32
      %dma_wait3A_153 = tpu.memref_slice %arg13[%dma_wait3A_151, %dma_wait3A_152] : memref<10240x128xf32, #tpu.memory_space<vmem_shared>> -> memref<10240x128xf32, #tpu.memory_space<vmem_shared>>
      tpu.wait_indirect_dma semaphore(%arg16 : memref<!tpu.dma_semaphore, #tpu.memory_space<semaphore_mem>>) src(%arg11 : memref<128x128xf32, #tpu.memory_space<vmem>>) dst(%dma_wait3A_153 : memref<10240x128xf32, #tpu.memory_space<vmem_shared>>)
      %add3A_154 = arith.constant 2 : i32
      %add3A_155 = arith.addi %add3A_120, %add3A_154 : i32
      %lt3A = arith.cmpi slt, %add3A_155, %select_n3A : i32
      %convert_element_type3A_156 = arith.extui %lt3A : i1 to i32
      %cond3A_157 = arith.constant 0 : i32
      %cond3A_158 = arith.cmpi ne, %convert_element_type3A_156, %cond3A_157 : i32
      scf.if %cond3A_158 {
        %add3A_173 = arith.constant 2 : i32
        %add3A_174 = arith.addi %add3A_120, %add3A_173 : i32
        %dma_start3A_175 = arith.constant 0 : i32
        %dma_start3A_176 = tpu.memref_slice %arg9[%add3A_174, %dma_start3A_175] : memref<64x128xi32, #tpu.memory_space<vmem>> -> memref<1x128xi32, #tpu.memory_space<vmem>>
        %dma_start3A_177 = tpu.memref_squeeze %dma_start3A_176 : memref<1x128xi32, #tpu.memory_space<vmem>> -> memref<128xi32, #tpu.memory_space<vmem>>
        %dma_start3A_178 = arith.constant 0 : i32
        %dma_start3A_179 = arith.constant 0 : i32
        %dma_start3A_180 = tpu.memref_slice %arg2[%dma_start3A_178, %dma_start3A_179] : memref<10240x128xf32, #tpu.memory_space<hbm>> -> memref<10240x128xf32, #tpu.memory_space<hbm>>
        tpu.enqueue_indirect_dma source(%dma_start3A_180 : memref<10240x128xf32, #tpu.memory_space<hbm>>) target(%arg11 : memref<128x128xf32, #tpu.memory_space<vmem>>) offsets(%dma_start3A_177 : memref<128xi32, #tpu.memory_space<vmem>>) semaphore(%arg14 : memref<!tpu.dma_semaphore, #tpu.memory_space<semaphore_mem>>)
      } else {
      }
      %add3A_159 = arith.constant 1 : i32
      %add3A_160 = arith.addi %add3A_120, %add3A_159 : i32
      %dma_wait3A_161 = arith.constant 0 : i32
      %dma_wait3A_162 = tpu.memref_slice %arg10[%add3A_160, %dma_wait3A_161] : memref<64x128xi32, #tpu.memory_space<vmem>> -> memref<1x128xi32, #tpu.memory_space<vmem>>
      %dma_wait3A_163 = tpu.memref_squeeze %dma_wait3A_162 : memref<1x128xi32, #tpu.memory_space<vmem>> -> memref<128xi32, #tpu.memory_space<vmem>>
      %dma_wait3A_164 = arith.constant 0 : i32
      %dma_wait3A_165 = arith.constant 0 : i32
      %dma_wait3A_166 = tpu.memref_slice %arg13[%dma_wait3A_164, %dma_wait3A_165] : memref<10240x128xf32, #tpu.memory_space<vmem_shared>> -> memref<10240x128xf32, #tpu.memory_space<vmem_shared>>
      tpu.wait_indirect_dma semaphore(%arg17 : memref<!tpu.dma_semaphore, #tpu.memory_space<semaphore_mem>>) src(%arg12 : memref<128x128xf32, #tpu.memory_space<vmem>>) dst(%dma_wait3A_166 : memref<10240x128xf32, #tpu.memory_space<vmem_shared>>)
      %add3A_167 = arith.constant 3 : i32
      %add3A_168 = arith.addi %add3A_120, %add3A_167 : i32
      %lt3A_169 = arith.cmpi slt, %add3A_168, %select_n3A : i32
      %convert_element_type3A_170 = arith.extui %lt3A_169 : i1 to i32
      %cond3A_171 = arith.constant 0 : i32
      %cond3A_172 = arith.cmpi ne, %convert_element_type3A_170, %cond3A_171 : i32
      scf.if %cond3A_172 {
        %add3A_173 = arith.constant 3 : i32
        %add3A_174 = arith.addi %add3A_120, %add3A_173 : i32
        %dma_start3A_175 = arith.constant 0 : i32
        %dma_start3A_176 = tpu.memref_slice %arg9[%add3A_174, %dma_start3A_175] : memref<64x128xi32, #tpu.memory_space<vmem>> -> memref<1x128xi32, #tpu.memory_space<vmem>>
        %dma_start3A_177 = tpu.memref_squeeze %dma_start3A_176 : memref<1x128xi32, #tpu.memory_space<vmem>> -> memref<128xi32, #tpu.memory_space<vmem>>
        %dma_start3A_178 = arith.constant 0 : i32
        %dma_start3A_179 = arith.constant 0 : i32
        %dma_start3A_180 = tpu.memref_slice %arg2[%dma_start3A_178, %dma_start3A_179] : memref<10240x128xf32, #tpu.memory_space<hbm>> -> memref<10240x128xf32, #tpu.memory_space<hbm>>
        tpu.enqueue_indirect_dma source(%dma_start3A_180 : memref<10240x128xf32, #tpu.memory_space<hbm>>) target(%arg12 : memref<128x128xf32, #tpu.memory_space<vmem>>) offsets(%dma_start3A_177 : memref<128xi32, #tpu.memory_space<vmem>>) semaphore(%arg15 : memref<!tpu.dma_semaphore, #tpu.memory_space<semaphore_mem>>)
      } else {
      }
    }
    %barrier3A_57 = arith.constant 0 : index
    tpu.barrier barrier_id(%barrier3A_57)
    %mul3A_58 = arith.constant 640 : i32
    %mul3A_59 = arith.muli %arg1, %mul3A_58 : i32
    %run_scoped3A = arith.constant 0 : i32
    "tpu.region"() ({
      %run_scoped3A_118 = tpu.sem_alloc : memref<!tpu.dma_semaphore, #tpu.memory_space<semaphore_mem>>
      %dma_start3A_119 = arith.constant 0 : i32
      %dma_start3A_120 = tpu.memref_slice %arg8[%arg0, %run_scoped3A, %mul3A_59, %dma_start3A_119] : memref<2x2x10240x128xf32, #tpu.memory_space<hbm>> -> memref<1x1x640x128xf32, #tpu.memory_space<hbm>>
      %dma_start3A_121 = tpu.memref_squeeze %dma_start3A_120 : memref<1x1x640x128xf32, #tpu.memory_space<hbm>> -> memref<640x128xf32, #tpu.memory_space<hbm>>
      %dma_start3A_122 = arith.constant 0 : i32
      %dma_start3A_123 = tpu.memref_slice %arg13[%mul3A_59, %dma_start3A_122] : memref<10240x128xf32, #tpu.memory_space<vmem_shared>> -> memref<640x128xf32, #tpu.memory_space<vmem_shared>>
      tpu.enqueue_dma source(%dma_start3A_123 : memref<640x128xf32, #tpu.memory_space<vmem_shared>>) target(%dma_start3A_121 : memref<640x128xf32, #tpu.memory_space<hbm>>) target_semaphore(%run_scoped3A_118 : memref<!tpu.dma_semaphore, #tpu.memory_space<semaphore_mem>>)
      %dma_wait3A = arith.constant 0 : i32
      %dma_wait3A_124 = tpu.memref_slice %arg8[%arg0, %run_scoped3A, %mul3A_59, %dma_wait3A] : memref<2x2x10240x128xf32, #tpu.memory_space<hbm>> -> memref<1x1x640x128xf32, #tpu.memory_space<hbm>>
      %dma_wait3A_125 = tpu.memref_squeeze %dma_wait3A_124 : memref<1x1x640x128xf32, #tpu.memory_space<hbm>> -> memref<640x128xf32, #tpu.memory_space<hbm>>
      %dma_wait3A_126 = arith.constant 0 : i32
      %dma_wait3A_127 = tpu.memref_slice %arg13[%mul3A_59, %dma_wait3A_126] : memref<10240x128xf32, #tpu.memory_space<vmem_shared>> -> memref<640x128xf32, #tpu.memory_space<vmem_shared>>
      tpu.wait_dma2 semaphore(%run_scoped3A_118 : memref<!tpu.dma_semaphore, #tpu.memory_space<semaphore_mem>>) src(%dma_wait3A_127 : memref<640x128xf32, #tpu.memory_space<vmem_shared>>) dst(%dma_wait3A_125 : memref<640x128xf32, #tpu.memory_space<hbm>>)
      tpu.yield
    }) : () -> ()
    "tpu.region"() ({
      %run_scoped3A_118 = tpu.sem_alloc : memref<!tpu.dma_semaphore, #tpu.memory_space<semaphore_mem>>
      tpu.enqueue_dma source(%arg6 : memref<128x128xf32, #tpu.memory_space<hbm>>) target(%arg11 : memref<128x128xf32, #tpu.memory_space<vmem>>) target_semaphore(%run_scoped3A_118 : memref<!tpu.dma_semaphore, #tpu.memory_space<semaphore_mem>>)
      tpu.wait_dma2 semaphore(%run_scoped3A_118 : memref<!tpu.dma_semaphore, #tpu.memory_space<semaphore_mem>>) src(%arg6 : memref<128x128xf32, #tpu.memory_space<hbm>>) dst(%arg11 : memref<128x128xf32, #tpu.memory_space<vmem>>)
      tpu.yield
    }) : () -> ()
    %mul3A_60 = arith.constant 640 : i32
    %mul3A_61 = arith.muli %arg1, %mul3A_60 : i32
    %add3A_62 = arith.constant 0 : i32
    %add3A_63 = arith.addi %mul3A_61, %add3A_62 : i32
    "tpu.region"() ({
      %run_scoped3A_118 = tpu.sem_alloc : memref<!tpu.dma_semaphore, #tpu.memory_space<semaphore_mem>>
      %dma_start3A_119 = arith.constant 0 : i32
      %dma_start3A_120 = tpu.memref_slice %arg13[%add3A_63, %dma_start3A_119] : memref<10240x128xf32, #tpu.memory_space<vmem_shared>> -> memref<128x128xf32, #tpu.memory_space<vmem_shared>>
      %dma_start3A_121 = arith.constant 0 : i32
      %dma_start3A_122 = tpu.memref_slice %arg13[%add3A_63, %dma_start3A_121] : memref<10240x128xf32, #tpu.memory_space<vmem_shared>> -> memref<128x128xf32, #tpu.memory_space<vmem_shared>>
      tpu.enqueue_dma source(%arg11 : memref<128x128xf32, #tpu.memory_space<vmem>>) target(%dma_start3A_122 : memref<128x128xf32, #tpu.memory_space<vmem_shared>>) target_semaphore(%run_scoped3A_118 : memref<!tpu.dma_semaphore, #tpu.memory_space<semaphore_mem>>)
      %dma_wait3A = arith.constant 0 : i32
      %dma_wait3A_123 = tpu.memref_slice %arg13[%add3A_63, %dma_wait3A] : memref<10240x128xf32, #tpu.memory_space<vmem_shared>> -> memref<128x128xf32, #tpu.memory_space<vmem_shared>>
      %dma_wait3A_124 = arith.constant 0 : i32
      %dma_wait3A_125 = tpu.memref_slice %arg13[%add3A_63, %dma_wait3A_124] : memref<10240x128xf32, #tpu.memory_space<vmem_shared>> -> memref<128x128xf32, #tpu.memory_space<vmem_shared>>
      tpu.wait_dma2 semaphore(%run_scoped3A_118 : memref<!tpu.dma_semaphore, #tpu.memory_space<semaphore_mem>>) src(%arg11 : memref<128x128xf32, #tpu.memory_space<vmem>>) dst(%dma_wait3A_125 : memref<128x128xf32, #tpu.memory_space<vmem_shared>>)
      tpu.yield
    }) : () -> ()
    %mul3A_64 = arith.constant 640 : i32
    %mul3A_65 = arith.muli %arg1, %mul3A_64 : i32
    %add3A_66 = arith.constant 128 : i32
    %add3A_67 = arith.addi %mul3A_65, %add3A_66 : i32
    "tpu.region"() ({
      %run_scoped3A_118 = tpu.sem_alloc : memref<!tpu.dma_semaphore, #tpu.memory_space<semaphore_mem>>
      %dma_start3A_119 = arith.constant 0 : i32
      %dma_start3A_120 = tpu.memref_slice %arg13[%add3A_67, %dma_start3A_119] : memref<10240x128xf32, #tpu.memory_space<vmem_shared>> -> memref<128x128xf32, #tpu.memory_space<vmem_shared>>
      %dma_start3A_121 = arith.constant 0 : i32
      %dma_start3A_122 = tpu.memref_slice %arg13[%add3A_67, %dma_start3A_121] : memref<10240x128xf32, #tpu.memory_space<vmem_shared>> -> memref<128x128xf32, #tpu.memory_space<vmem_shared>>
      tpu.enqueue_dma source(%arg11 : memref<128x128xf32, #tpu.memory_space<vmem>>) target(%dma_start3A_122 : memref<128x128xf32, #tpu.memory_space<vmem_shared>>) target_semaphore(%run_scoped3A_118 : memref<!tpu.dma_semaphore, #tpu.memory_space<semaphore_mem>>)
      %dma_wait3A = arith.constant 0 : i32
      %dma_wait3A_123 = tpu.memref_slice %arg13[%add3A_67, %dma_wait3A] : memref<10240x128xf32, #tpu.memory_space<vmem_shared>> -> memref<128x128xf32, #tpu.memory_space<vmem_shared>>
      %dma_wait3A_124 = arith.constant 0 : i32
      %dma_wait3A_125 = tpu.memref_slice %arg13[%add3A_67, %dma_wait3A_124] : memref<10240x128xf32, #tpu.memory_space<vmem_shared>> -> memref<128x128xf32, #tpu.memory_space<vmem_shared>>
      tpu.wait_dma2 semaphore(%run_scoped3A_118 : memref<!tpu.dma_semaphore, #tpu.memory_space<semaphore_mem>>) src(%arg11 : memref<128x128xf32, #tpu.memory_space<vmem>>) dst(%dma_wait3A_125 : memref<128x128xf32, #tpu.memory_space<vmem_shared>>)
      tpu.yield
    }) : () -> ()
    %mul3A_68 = arith.constant 640 : i32
    %mul3A_69 = arith.muli %arg1, %mul3A_68 : i32
    %add3A_70 = arith.constant 256 : i32
    %add3A_71 = arith.addi %mul3A_69, %add3A_70 : i32
    "tpu.region"() ({
      %run_scoped3A_118 = tpu.sem_alloc : memref<!tpu.dma_semaphore, #tpu.memory_space<semaphore_mem>>
      %dma_start3A_119 = arith.constant 0 : i32
      %dma_start3A_120 = tpu.memref_slice %arg13[%add3A_71, %dma_start3A_119] : memref<10240x128xf32, #tpu.memory_space<vmem_shared>> -> memref<128x128xf32, #tpu.memory_space<vmem_shared>>
      %dma_start3A_121 = arith.constant 0 : i32
      %dma_start3A_122 = tpu.memref_slice %arg13[%add3A_71, %dma_start3A_121] : memref<10240x128xf32, #tpu.memory_space<vmem_shared>> -> memref<128x128xf32, #tpu.memory_space<vmem_shared>>
      tpu.enqueue_dma source(%arg11 : memref<128x128xf32, #tpu.memory_space<vmem>>) target(%dma_start3A_122 : memref<128x128xf32, #tpu.memory_space<vmem_shared>>) target_semaphore(%run_scoped3A_118 : memref<!tpu.dma_semaphore, #tpu.memory_space<semaphore_mem>>)
      %dma_wait3A = arith.constant 0 : i32
      %dma_wait3A_123 = tpu.memref_slice %arg13[%add3A_71, %dma_wait3A] : memref<10240x128xf32, #tpu.memory_space<vmem_shared>> -> memref<128x128xf32, #tpu.memory_space<vmem_shared>>
      %dma_wait3A_124 = arith.constant 0 : i32
      %dma_wait3A_125 = tpu.memref_slice %arg13[%add3A_71, %dma_wait3A_124] : memref<10240x128xf32, #tpu.memory_space<vmem_shared>> -> memref<128x128xf32, #tpu.memory_space<vmem_shared>>
      tpu.wait_dma2 semaphore(%run_scoped3A_118 : memref<!tpu.dma_semaphore, #tpu.memory_space<semaphore_mem>>) src(%arg11 : memref<128x128xf32, #tpu.memory_space<vmem>>) dst(%dma_wait3A_125 : memref<128x128xf32, #tpu.memory_space<vmem_shared>>)
      tpu.yield
    }) : () -> ()
    %mul3A_72 = arith.constant 640 : i32
    %mul3A_73 = arith.muli %arg1, %mul3A_72 : i32
    %add3A_74 = arith.constant 384 : i32
    %add3A_75 = arith.addi %mul3A_73, %add3A_74 : i32
    "tpu.region"() ({
      %run_scoped3A_118 = tpu.sem_alloc : memref<!tpu.dma_semaphore, #tpu.memory_space<semaphore_mem>>
      %dma_start3A_119 = arith.constant 0 : i32
      %dma_start3A_120 = tpu.memref_slice %arg13[%add3A_75, %dma_start3A_119] : memref<10240x128xf32, #tpu.memory_space<vmem_shared>> -> memref<128x128xf32, #tpu.memory_space<vmem_shared>>
      %dma_start3A_121 = arith.constant 0 : i32
      %dma_start3A_122 = tpu.memref_slice %arg13[%add3A_75, %dma_start3A_121] : memref<10240x128xf32, #tpu.memory_space<vmem_shared>> -> memref<128x128xf32, #tpu.memory_space<vmem_shared>>
      tpu.enqueue_dma source(%arg11 : memref<128x128xf32, #tpu.memory_space<vmem>>) target(%dma_start3A_122 : memref<128x128xf32, #tpu.memory_space<vmem_shared>>) target_semaphore(%run_scoped3A_118 : memref<!tpu.dma_semaphore, #tpu.memory_space<semaphore_mem>>)
      %dma_wait3A = arith.constant 0 : i32
      %dma_wait3A_123 = tpu.memref_slice %arg13[%add3A_75, %dma_wait3A] : memref<10240x128xf32, #tpu.memory_space<vmem_shared>> -> memref<128x128xf32, #tpu.memory_space<vmem_shared>>
      %dma_wait3A_124 = arith.constant 0 : i32
      %dma_wait3A_125 = tpu.memref_slice %arg13[%add3A_75, %dma_wait3A_124] : memref<10240x128xf32, #tpu.memory_space<vmem_shared>> -> memref<128x128xf32, #tpu.memory_space<vmem_shared>>
      tpu.wait_dma2 semaphore(%run_scoped3A_118 : memref<!tpu.dma_semaphore, #tpu.memory_space<semaphore_mem>>) src(%arg11 : memref<128x128xf32, #tpu.memory_space<vmem>>) dst(%dma_wait3A_125 : memref<128x128xf32, #tpu.memory_space<vmem_shared>>)
      tpu.yield
    }) : () -> ()
    %mul3A_76 = arith.constant 640 : i32
    %mul3A_77 = arith.muli %arg1, %mul3A_76 : i32
    %add3A_78 = arith.constant 512 : i32
    %add3A_79 = arith.addi %mul3A_77, %add3A_78 : i32
    "tpu.region"() ({
      %run_scoped3A_118 = tpu.sem_alloc : memref<!tpu.dma_semaphore, #tpu.memory_space<semaphore_mem>>
      %dma_start3A_119 = arith.constant 0 : i32
      %dma_start3A_120 = tpu.memref_slice %arg13[%add3A_79, %dma_start3A_119] : memref<10240x128xf32, #tpu.memory_space<vmem_shared>> -> memref<128x128xf32, #tpu.memory_space<vmem_shared>>
      %dma_start3A_121 = arith.constant 0 : i32
      %dma_start3A_122 = tpu.memref_slice %arg13[%add3A_79, %dma_start3A_121] : memref<10240x128xf32, #tpu.memory_space<vmem_shared>> -> memref<128x128xf32, #tpu.memory_space<vmem_shared>>
      tpu.enqueue_dma source(%arg11 : memref<128x128xf32, #tpu.memory_space<vmem>>) target(%dma_start3A_122 : memref<128x128xf32, #tpu.memory_space<vmem_shared>>) target_semaphore(%run_scoped3A_118 : memref<!tpu.dma_semaphore, #tpu.memory_space<semaphore_mem>>)
      %dma_wait3A = arith.constant 0 : i32
      %dma_wait3A_123 = tpu.memref_slice %arg13[%add3A_79, %dma_wait3A] : memref<10240x128xf32, #tpu.memory_space<vmem_shared>> -> memref<128x128xf32, #tpu.memory_space<vmem_shared>>
      %dma_wait3A_124 = arith.constant 0 : i32
      %dma_wait3A_125 = tpu.memref_slice %arg13[%add3A_79, %dma_wait3A_124] : memref<10240x128xf32, #tpu.memory_space<vmem_shared>> -> memref<128x128xf32, #tpu.memory_space<vmem_shared>>
      tpu.wait_dma2 semaphore(%run_scoped3A_118 : memref<!tpu.dma_semaphore, #tpu.memory_space<semaphore_mem>>) src(%arg11 : memref<128x128xf32, #tpu.memory_space<vmem>>) dst(%dma_wait3A_125 : memref<128x128xf32, #tpu.memory_space<vmem_shared>>)
      tpu.yield
    }) : () -> ()
    %barrier3A_80 = arith.constant 0 : index
    tpu.barrier barrier_id(%barrier3A_80)
    %dma_start3A_81 = arith.constant 0 : i32
    %dma_start3A_82 = arith.constant 0 : i32
    %dma_start3A_83 = tpu.memref_slice %arg9[%dma_start3A_81, %dma_start3A_82] : memref<64x128xi32, #tpu.memory_space<vmem>> -> memref<1x128xi32, #tpu.memory_space<vmem>>
    %dma_start3A_84 = tpu.memref_squeeze %dma_start3A_83 : memref<1x128xi32, #tpu.memory_space<vmem>> -> memref<128xi32, #tpu.memory_space<vmem>>
    %dma_start3A_85 = arith.constant 0 : i32
    %dma_start3A_86 = arith.constant 0 : i32
    %dma_start3A_87 = tpu.memref_slice %arg3[%dma_start3A_85, %dma_start3A_86] : memref<10240x128xf32, #tpu.memory_space<hbm>> -> memref<10240x128xf32, #tpu.memory_space<hbm>>
    tpu.enqueue_indirect_dma source(%dma_start3A_87 : memref<10240x128xf32, #tpu.memory_space<hbm>>) target(%arg11 : memref<128x128xf32, #tpu.memory_space<vmem>>) offsets(%dma_start3A_84 : memref<128xi32, #tpu.memory_space<vmem>>) semaphore(%arg14 : memref<!tpu.dma_semaphore, #tpu.memory_space<semaphore_mem>>)
    %dma_start3A_88 = arith.constant 1 : i32
    %dma_start3A_89 = arith.constant 0 : i32
    %dma_start3A_90 = tpu.memref_slice %arg9[%dma_start3A_88, %dma_start3A_89] : memref<64x128xi32, #tpu.memory_space<vmem>> -> memref<1x128xi32, #tpu.memory_space<vmem>>
    %dma_start3A_91 = tpu.memref_squeeze %dma_start3A_90 : memref<1x128xi32, #tpu.memory_space<vmem>> -> memref<128xi32, #tpu.memory_space<vmem>>
    %dma_start3A_92 = arith.constant 0 : i32
    %dma_start3A_93 = arith.constant 0 : i32
    %dma_start3A_94 = tpu.memref_slice %arg3[%dma_start3A_92, %dma_start3A_93] : memref<10240x128xf32, #tpu.memory_space<hbm>> -> memref<10240x128xf32, #tpu.memory_space<hbm>>
    tpu.enqueue_indirect_dma source(%dma_start3A_94 : memref<10240x128xf32, #tpu.memory_space<hbm>>) target(%arg12 : memref<128x128xf32, #tpu.memory_space<vmem>>) offsets(%dma_start3A_91 : memref<128xi32, #tpu.memory_space<vmem>>) semaphore(%arg15 : memref<!tpu.dma_semaphore, #tpu.memory_space<semaphore_mem>>)
    %sub3A_95 = arith.constant 0 : i32
    %sub3A_96 = arith.subi %select_n3A, %sub3A_95 : i32
    %sub3A_97 = arith.constant 2 : i32
    %sub3A_98 = arith.constant 1 : i32
    %sub3A_99 = arith.subi %sub3A_97, %sub3A_98 : i32
    %add3A_100 = arith.addi %sub3A_96, %sub3A_99 : i32
    %div3A_101 = arith.constant 2 : i32
    %div3A_102 = arith.divsi %add3A_100, %div3A_101 : i32
    %while3A_103 = arith.constant 2 : i32
    %while3A_104 = arith.constant 0 : i32
    %while3A_105 = arith.constant 0 : i32
    %while3A_106 = arith.subi %div3A_102, %while3A_105 : i32
    %while3A_107 = arith.addi %while3A_105, %while3A_106 : i32
    %while3A_108 = arith.constant 1 : i32
    %while3A_109 = arith.divsi %while3A_106, %while3A_108 : i32
    %while3A_110 = arith.muli %while3A_109, %while3A_108 : i32
    %while3A_111 = arith.addi %while3A_105, %while3A_110 : i32
    %while3A_112 = arith.constant 1 : i32
    scf.for %while3A_118 = %while3A_105 to %while3A_111 step %while3A_112  : i32 {
      %mul3A_119 = arith.muli %while3A_118, %while3A_103 : i32
      %add3A_120 = arith.addi %while3A_104, %mul3A_119 : i32
      %dma_wait3A = arith.constant 0 : i32
      %dma_wait3A_121 = tpu.memref_slice %arg9[%add3A_120, %dma_wait3A] : memref<64x128xi32, #tpu.memory_space<vmem>> -> memref<1x128xi32, #tpu.memory_space<vmem>>
      %dma_wait3A_122 = tpu.memref_squeeze %dma_wait3A_121 : memref<1x128xi32, #tpu.memory_space<vmem>> -> memref<128xi32, #tpu.memory_space<vmem>>
      %dma_wait3A_123 = arith.constant 0 : i32
      %dma_wait3A_124 = arith.constant 0 : i32
      %dma_wait3A_125 = tpu.memref_slice %arg3[%dma_wait3A_123, %dma_wait3A_124] : memref<10240x128xf32, #tpu.memory_space<hbm>> -> memref<10240x128xf32, #tpu.memory_space<hbm>>
      tpu.wait_indirect_dma semaphore(%arg14 : memref<!tpu.dma_semaphore, #tpu.memory_space<semaphore_mem>>) src(%dma_wait3A_125 : memref<10240x128xf32, #tpu.memory_space<hbm>>) dst(%arg11 : memref<128x128xf32, #tpu.memory_space<vmem>>)
      %dma_start3A_126 = arith.constant 0 : i32
      %dma_start3A_127 = tpu.memref_slice %arg10[%add3A_120, %dma_start3A_126] : memref<64x128xi32, #tpu.memory_space<vmem>> -> memref<1x128xi32, #tpu.memory_space<vmem>>
      %dma_start3A_128 = tpu.memref_squeeze %dma_start3A_127 : memref<1x128xi32, #tpu.memory_space<vmem>> -> memref<128xi32, #tpu.memory_space<vmem>>
      %dma_start3A_129 = arith.constant 0 : i32
      %dma_start3A_130 = arith.constant 0 : i32
      %dma_start3A_131 = tpu.memref_slice %arg13[%dma_start3A_129, %dma_start3A_130] : memref<10240x128xf32, #tpu.memory_space<vmem_shared>> -> memref<10240x128xf32, #tpu.memory_space<vmem_shared>>
      tpu.enqueue_indirect_dma source(%arg11 : memref<128x128xf32, #tpu.memory_space<vmem>>) target(%dma_start3A_131 : memref<10240x128xf32, #tpu.memory_space<vmem_shared>>) offsets(%dma_start3A_128 : memref<128xi32, #tpu.memory_space<vmem>>) semaphore(%arg16 : memref<!tpu.dma_semaphore, #tpu.memory_space<semaphore_mem>>) {add = true}
      %add3A_132 = arith.constant 1 : i32
      %add3A_133 = arith.addi %add3A_120, %add3A_132 : i32
      %dma_wait3A_134 = arith.constant 0 : i32
      %dma_wait3A_135 = tpu.memref_slice %arg9[%add3A_133, %dma_wait3A_134] : memref<64x128xi32, #tpu.memory_space<vmem>> -> memref<1x128xi32, #tpu.memory_space<vmem>>
      %dma_wait3A_136 = tpu.memref_squeeze %dma_wait3A_135 : memref<1x128xi32, #tpu.memory_space<vmem>> -> memref<128xi32, #tpu.memory_space<vmem>>
      %dma_wait3A_137 = arith.constant 0 : i32
      %dma_wait3A_138 = arith.constant 0 : i32
      %dma_wait3A_139 = tpu.memref_slice %arg3[%dma_wait3A_137, %dma_wait3A_138] : memref<10240x128xf32, #tpu.memory_space<hbm>> -> memref<10240x128xf32, #tpu.memory_space<hbm>>
      tpu.wait_indirect_dma semaphore(%arg15 : memref<!tpu.dma_semaphore, #tpu.memory_space<semaphore_mem>>) src(%dma_wait3A_139 : memref<10240x128xf32, #tpu.memory_space<hbm>>) dst(%arg12 : memref<128x128xf32, #tpu.memory_space<vmem>>)
      %add3A_140 = arith.constant 1 : i32
      %add3A_141 = arith.addi %add3A_120, %add3A_140 : i32
      %dma_start3A_142 = arith.constant 0 : i32
      %dma_start3A_143 = tpu.memref_slice %arg10[%add3A_141, %dma_start3A_142] : memref<64x128xi32, #tpu.memory_space<vmem>> -> memref<1x128xi32, #tpu.memory_space<vmem>>
      %dma_start3A_144 = tpu.memref_squeeze %dma_start3A_143 : memref<1x128xi32, #tpu.memory_space<vmem>> -> memref<128xi32, #tpu.memory_space<vmem>>
      %dma_start3A_145 = arith.constant 0 : i32
      %dma_start3A_146 = arith.constant 0 : i32
      %dma_start3A_147 = tpu.memref_slice %arg13[%dma_start3A_145, %dma_start3A_146] : memref<10240x128xf32, #tpu.memory_space<vmem_shared>> -> memref<10240x128xf32, #tpu.memory_space<vmem_shared>>
      tpu.enqueue_indirect_dma source(%arg12 : memref<128x128xf32, #tpu.memory_space<vmem>>) target(%dma_start3A_147 : memref<10240x128xf32, #tpu.memory_space<vmem_shared>>) offsets(%dma_start3A_144 : memref<128xi32, #tpu.memory_space<vmem>>) semaphore(%arg17 : memref<!tpu.dma_semaphore, #tpu.memory_space<semaphore_mem>>) {add = true}
      %dma_wait3A_148 = arith.constant 0 : i32
      %dma_wait3A_149 = tpu.memref_slice %arg10[%add3A_120, %dma_wait3A_148] : memref<64x128xi32, #tpu.memory_space<vmem>> -> memref<1x128xi32, #tpu.memory_space<vmem>>
      %dma_wait3A_150 = tpu.memref_squeeze %dma_wait3A_149 : memref<1x128xi32, #tpu.memory_space<vmem>> -> memref<128xi32, #tpu.memory_space<vmem>>
      %dma_wait3A_151 = arith.constant 0 : i32
      %dma_wait3A_152 = arith.constant 0 : i32
      %dma_wait3A_153 = tpu.memref_slice %arg13[%dma_wait3A_151, %dma_wait3A_152] : memref<10240x128xf32, #tpu.memory_space<vmem_shared>> -> memref<10240x128xf32, #tpu.memory_space<vmem_shared>>
      tpu.wait_indirect_dma semaphore(%arg16 : memref<!tpu.dma_semaphore, #tpu.memory_space<semaphore_mem>>) src(%arg11 : memref<128x128xf32, #tpu.memory_space<vmem>>) dst(%dma_wait3A_153 : memref<10240x128xf32, #tpu.memory_space<vmem_shared>>)
      %add3A_154 = arith.constant 2 : i32
      %add3A_155 = arith.addi %add3A_120, %add3A_154 : i32
      %lt3A = arith.cmpi slt, %add3A_155, %select_n3A : i32
      %convert_element_type3A_156 = arith.extui %lt3A : i1 to i32
      %cond3A_157 = arith.constant 0 : i32
      %cond3A_158 = arith.cmpi ne, %convert_element_type3A_156, %cond3A_157 : i32
      scf.if %cond3A_158 {
        %add3A_173 = arith.constant 2 : i32
        %add3A_174 = arith.addi %add3A_120, %add3A_173 : i32
        %dma_start3A_175 = arith.constant 0 : i32
        %dma_start3A_176 = tpu.memref_slice %arg9[%add3A_174, %dma_start3A_175] : memref<64x128xi32, #tpu.memory_space<vmem>> -> memref<1x128xi32, #tpu.memory_space<vmem>>
        %dma_start3A_177 = tpu.memref_squeeze %dma_start3A_176 : memref<1x128xi32, #tpu.memory_space<vmem>> -> memref<128xi32, #tpu.memory_space<vmem>>
        %dma_start3A_178 = arith.constant 0 : i32
        %dma_start3A_179 = arith.constant 0 : i32
        %dma_start3A_180 = tpu.memref_slice %arg3[%dma_start3A_178, %dma_start3A_179] : memref<10240x128xf32, #tpu.memory_space<hbm>> -> memref<10240x128xf32, #tpu.memory_space<hbm>>
        tpu.enqueue_indirect_dma source(%dma_start3A_180 : memref<10240x128xf32, #tpu.memory_space<hbm>>) target(%arg11 : memref<128x128xf32, #tpu.memory_space<vmem>>) offsets(%dma_start3A_177 : memref<128xi32, #tpu.memory_space<vmem>>) semaphore(%arg14 : memref<!tpu.dma_semaphore, #tpu.memory_space<semaphore_mem>>)
      } else {
      }
      %add3A_159 = arith.constant 1 : i32
      %add3A_160 = arith.addi %add3A_120, %add3A_159 : i32
      %dma_wait3A_161 = arith.constant 0 : i32
      %dma_wait3A_162 = tpu.memref_slice %arg10[%add3A_160, %dma_wait3A_161] : memref<64x128xi32, #tpu.memory_space<vmem>> -> memref<1x128xi32, #tpu.memory_space<vmem>>
      %dma_wait3A_163 = tpu.memref_squeeze %dma_wait3A_162 : memref<1x128xi32, #tpu.memory_space<vmem>> -> memref<128xi32, #tpu.memory_space<vmem>>
      %dma_wait3A_164 = arith.constant 0 : i32
      %dma_wait3A_165 = arith.constant 0 : i32
      %dma_wait3A_166 = tpu.memref_slice %arg13[%dma_wait3A_164, %dma_wait3A_165] : memref<10240x128xf32, #tpu.memory_space<vmem_shared>> -> memref<10240x128xf32, #tpu.memory_space<vmem_shared>>
      tpu.wait_indirect_dma semaphore(%arg17 : memref<!tpu.dma_semaphore, #tpu.memory_space<semaphore_mem>>) src(%arg12 : memref<128x128xf32, #tpu.memory_space<vmem>>) dst(%dma_wait3A_166 : memref<10240x128xf32, #tpu.memory_space<vmem_shared>>)
      %add3A_167 = arith.constant 3 : i32
      %add3A_168 = arith.addi %add3A_120, %add3A_167 : i32
      %lt3A_169 = arith.cmpi slt, %add3A_168, %select_n3A : i32
      %convert_element_type3A_170 = arith.extui %lt3A_169 : i1 to i32
      %cond3A_171 = arith.constant 0 : i32
      %cond3A_172 = arith.cmpi ne, %convert_element_type3A_170, %cond3A_171 : i32
      scf.if %cond3A_172 {
        %add3A_173 = arith.constant 3 : i32
        %add3A_174 = arith.addi %add3A_120, %add3A_173 : i32
        %dma_start3A_175 = arith.constant 0 : i32
        %dma_start3A_176 = tpu.memref_slice %arg9[%add3A_174, %dma_start3A_175] : memref<64x128xi32, #tpu.memory_space<vmem>> -> memref<1x128xi32, #tpu.memory_space<vmem>>
        %dma_start3A_177 = tpu.memref_squeeze %dma_start3A_176 : memref<1x128xi32, #tpu.memory_space<vmem>> -> memref<128xi32, #tpu.memory_space<vmem>>
        %dma_start3A_178 = arith.constant 0 : i32
        %dma_start3A_179 = arith.constant 0 : i32
        %dma_start3A_180 = tpu.memref_slice %arg3[%dma_start3A_178, %dma_start3A_179] : memref<10240x128xf32, #tpu.memory_space<hbm>> -> memref<10240x128xf32, #tpu.memory_space<hbm>>
        tpu.enqueue_indirect_dma source(%dma_start3A_180 : memref<10240x128xf32, #tpu.memory_space<hbm>>) target(%arg12 : memref<128x128xf32, #tpu.memory_space<vmem>>) offsets(%dma_start3A_177 : memref<128xi32, #tpu.memory_space<vmem>>) semaphore(%arg15 : memref<!tpu.dma_semaphore, #tpu.memory_space<semaphore_mem>>)
      } else {
      }
    }
    %while3A_113 = arith.constant 1 : i32
    scf.for %while3A_118 = %while3A_111 to %while3A_107 step %while3A_113  : i32 {
      %mul3A_119 = arith.muli %while3A_118, %while3A_103 : i32
      %add3A_120 = arith.addi %while3A_104, %mul3A_119 : i32
      %dma_wait3A = arith.constant 0 : i32
      %dma_wait3A_121 = tpu.memref_slice %arg9[%add3A_120, %dma_wait3A] : memref<64x128xi32, #tpu.memory_space<vmem>> -> memref<1x128xi32, #tpu.memory_space<vmem>>
      %dma_wait3A_122 = tpu.memref_squeeze %dma_wait3A_121 : memref<1x128xi32, #tpu.memory_space<vmem>> -> memref<128xi32, #tpu.memory_space<vmem>>
      %dma_wait3A_123 = arith.constant 0 : i32
      %dma_wait3A_124 = arith.constant 0 : i32
      %dma_wait3A_125 = tpu.memref_slice %arg3[%dma_wait3A_123, %dma_wait3A_124] : memref<10240x128xf32, #tpu.memory_space<hbm>> -> memref<10240x128xf32, #tpu.memory_space<hbm>>
      tpu.wait_indirect_dma semaphore(%arg14 : memref<!tpu.dma_semaphore, #tpu.memory_space<semaphore_mem>>) src(%dma_wait3A_125 : memref<10240x128xf32, #tpu.memory_space<hbm>>) dst(%arg11 : memref<128x128xf32, #tpu.memory_space<vmem>>)
      %dma_start3A_126 = arith.constant 0 : i32
      %dma_start3A_127 = tpu.memref_slice %arg10[%add3A_120, %dma_start3A_126] : memref<64x128xi32, #tpu.memory_space<vmem>> -> memref<1x128xi32, #tpu.memory_space<vmem>>
      %dma_start3A_128 = tpu.memref_squeeze %dma_start3A_127 : memref<1x128xi32, #tpu.memory_space<vmem>> -> memref<128xi32, #tpu.memory_space<vmem>>
      %dma_start3A_129 = arith.constant 0 : i32
      %dma_start3A_130 = arith.constant 0 : i32
      %dma_start3A_131 = tpu.memref_slice %arg13[%dma_start3A_129, %dma_start3A_130] : memref<10240x128xf32, #tpu.memory_space<vmem_shared>> -> memref<10240x128xf32, #tpu.memory_space<vmem_shared>>
      tpu.enqueue_indirect_dma source(%arg11 : memref<128x128xf32, #tpu.memory_space<vmem>>) target(%dma_start3A_131 : memref<10240x128xf32, #tpu.memory_space<vmem_shared>>) offsets(%dma_start3A_128 : memref<128xi32, #tpu.memory_space<vmem>>) semaphore(%arg16 : memref<!tpu.dma_semaphore, #tpu.memory_space<semaphore_mem>>) {add = true}
      %add3A_132 = arith.constant 1 : i32
      %add3A_133 = arith.addi %add3A_120, %add3A_132 : i32
      %dma_wait3A_134 = arith.constant 0 : i32
      %dma_wait3A_135 = tpu.memref_slice %arg9[%add3A_133, %dma_wait3A_134] : memref<64x128xi32, #tpu.memory_space<vmem>> -> memref<1x128xi32, #tpu.memory_space<vmem>>
      %dma_wait3A_136 = tpu.memref_squeeze %dma_wait3A_135 : memref<1x128xi32, #tpu.memory_space<vmem>> -> memref<128xi32, #tpu.memory_space<vmem>>
      %dma_wait3A_137 = arith.constant 0 : i32
      %dma_wait3A_138 = arith.constant 0 : i32
      %dma_wait3A_139 = tpu.memref_slice %arg3[%dma_wait3A_137, %dma_wait3A_138] : memref<10240x128xf32, #tpu.memory_space<hbm>> -> memref<10240x128xf32, #tpu.memory_space<hbm>>
      tpu.wait_indirect_dma semaphore(%arg15 : memref<!tpu.dma_semaphore, #tpu.memory_space<semaphore_mem>>) src(%dma_wait3A_139 : memref<10240x128xf32, #tpu.memory_space<hbm>>) dst(%arg12 : memref<128x128xf32, #tpu.memory_space<vmem>>)
      %add3A_140 = arith.constant 1 : i32
      %add3A_141 = arith.addi %add3A_120, %add3A_140 : i32
      %dma_start3A_142 = arith.constant 0 : i32
      %dma_start3A_143 = tpu.memref_slice %arg10[%add3A_141, %dma_start3A_142] : memref<64x128xi32, #tpu.memory_space<vmem>> -> memref<1x128xi32, #tpu.memory_space<vmem>>
      %dma_start3A_144 = tpu.memref_squeeze %dma_start3A_143 : memref<1x128xi32, #tpu.memory_space<vmem>> -> memref<128xi32, #tpu.memory_space<vmem>>
      %dma_start3A_145 = arith.constant 0 : i32
      %dma_start3A_146 = arith.constant 0 : i32
      %dma_start3A_147 = tpu.memref_slice %arg13[%dma_start3A_145, %dma_start3A_146] : memref<10240x128xf32, #tpu.memory_space<vmem_shared>> -> memref<10240x128xf32, #tpu.memory_space<vmem_shared>>
      tpu.enqueue_indirect_dma source(%arg12 : memref<128x128xf32, #tpu.memory_space<vmem>>) target(%dma_start3A_147 : memref<10240x128xf32, #tpu.memory_space<vmem_shared>>) offsets(%dma_start3A_144 : memref<128xi32, #tpu.memory_space<vmem>>) semaphore(%arg17 : memref<!tpu.dma_semaphore, #tpu.memory_space<semaphore_mem>>) {add = true}
      %dma_wait3A_148 = arith.constant 0 : i32
      %dma_wait3A_149 = tpu.memref_slice %arg10[%add3A_120, %dma_wait3A_148] : memref<64x128xi32, #tpu.memory_space<vmem>> -> memref<1x128xi32, #tpu.memory_space<vmem>>
      %dma_wait3A_150 = tpu.memref_squeeze %dma_wait3A_149 : memref<1x128xi32, #tpu.memory_space<vmem>> -> memref<128xi32, #tpu.memory_space<vmem>>
      %dma_wait3A_151 = arith.constant 0 : i32
      %dma_wait3A_152 = arith.constant 0 : i32
      %dma_wait3A_153 = tpu.memref_slice %arg13[%dma_wait3A_151, %dma_wait3A_152] : memref<10240x128xf32, #tpu.memory_space<vmem_shared>> -> memref<10240x128xf32, #tpu.memory_space<vmem_shared>>
      tpu.wait_indirect_dma semaphore(%arg16 : memref<!tpu.dma_semaphore, #tpu.memory_space<semaphore_mem>>) src(%arg11 : memref<128x128xf32, #tpu.memory_space<vmem>>) dst(%dma_wait3A_153 : memref<10240x128xf32, #tpu.memory_space<vmem_shared>>)
      %add3A_154 = arith.constant 2 : i32
      %add3A_155 = arith.addi %add3A_120, %add3A_154 : i32
      %lt3A = arith.cmpi slt, %add3A_155, %select_n3A : i32
      %convert_element_type3A_156 = arith.extui %lt3A : i1 to i32
      %cond3A_157 = arith.constant 0 : i32
      %cond3A_158 = arith.cmpi ne, %convert_element_type3A_156, %cond3A_157 : i32
      scf.if %cond3A_158 {
        %add3A_173 = arith.constant 2 : i32
        %add3A_174 = arith.addi %add3A_120, %add3A_173 : i32
        %dma_start3A_175 = arith.constant 0 : i32
        %dma_start3A_176 = tpu.memref_slice %arg9[%add3A_174, %dma_start3A_175] : memref<64x128xi32, #tpu.memory_space<vmem>> -> memref<1x128xi32, #tpu.memory_space<vmem>>
        %dma_start3A_177 = tpu.memref_squeeze %dma_start3A_176 : memref<1x128xi32, #tpu.memory_space<vmem>> -> memref<128xi32, #tpu.memory_space<vmem>>
        %dma_start3A_178 = arith.constant 0 : i32
        %dma_start3A_179 = arith.constant 0 : i32
        %dma_start3A_180 = tpu.memref_slice %arg3[%dma_start3A_178, %dma_start3A_179] : memref<10240x128xf32, #tpu.memory_space<hbm>> -> memref<10240x128xf32, #tpu.memory_space<hbm>>
        tpu.enqueue_indirect_dma source(%dma_start3A_180 : memref<10240x128xf32, #tpu.memory_space<hbm>>) target(%arg11 : memref<128x128xf32, #tpu.memory_space<vmem>>) offsets(%dma_start3A_177 : memref<128xi32, #tpu.memory_space<vmem>>) semaphore(%arg14 : memref<!tpu.dma_semaphore, #tpu.memory_space<semaphore_mem>>)
      } else {
      }
      %add3A_159 = arith.constant 1 : i32
      %add3A_160 = arith.addi %add3A_120, %add3A_159 : i32
      %dma_wait3A_161 = arith.constant 0 : i32
      %dma_wait3A_162 = tpu.memref_slice %arg10[%add3A_160, %dma_wait3A_161] : memref<64x128xi32, #tpu.memory_space<vmem>> -> memref<1x128xi32, #tpu.memory_space<vmem>>
      %dma_wait3A_163 = tpu.memref_squeeze %dma_wait3A_162 : memref<1x128xi32, #tpu.memory_space<vmem>> -> memref<128xi32, #tpu.memory_space<vmem>>
      %dma_wait3A_164 = arith.constant 0 : i32
      %dma_wait3A_165 = arith.constant 0 : i32
      %dma_wait3A_166 = tpu.memref_slice %arg13[%dma_wait3A_164, %dma_wait3A_165] : memref<10240x128xf32, #tpu.memory_space<vmem_shared>> -> memref<10240x128xf32, #tpu.memory_space<vmem_shared>>
      tpu.wait_indirect_dma semaphore(%arg17 : memref<!tpu.dma_semaphore, #tpu.memory_space<semaphore_mem>>) src(%arg12 : memref<128x128xf32, #tpu.memory_space<vmem>>) dst(%dma_wait3A_166 : memref<10240x128xf32, #tpu.memory_space<vmem_shared>>)
      %add3A_167 = arith.constant 3 : i32
      %add3A_168 = arith.addi %add3A_120, %add3A_167 : i32
      %lt3A_169 = arith.cmpi slt, %add3A_168, %select_n3A : i32
      %convert_element_type3A_170 = arith.extui %lt3A_169 : i1 to i32
      %cond3A_171 = arith.constant 0 : i32
      %cond3A_172 = arith.cmpi ne, %convert_element_type3A_170, %cond3A_171 : i32
      scf.if %cond3A_172 {
        %add3A_173 = arith.constant 3 : i32
        %add3A_174 = arith.addi %add3A_120, %add3A_173 : i32
        %dma_start3A_175 = arith.constant 0 : i32
        %dma_start3A_176 = tpu.memref_slice %arg9[%add3A_174, %dma_start3A_175] : memref<64x128xi32, #tpu.memory_space<vmem>> -> memref<1x128xi32, #tpu.memory_space<vmem>>
        %dma_start3A_177 = tpu.memref_squeeze %dma_start3A_176 : memref<1x128xi32, #tpu.memory_space<vmem>> -> memref<128xi32, #tpu.memory_space<vmem>>
        %dma_start3A_178 = arith.constant 0 : i32
        %dma_start3A_179 = arith.constant 0 : i32
        %dma_start3A_180 = tpu.memref_slice %arg3[%dma_start3A_178, %dma_start3A_179] : memref<10240x128xf32, #tpu.memory_space<hbm>> -> memref<10240x128xf32, #tpu.memory_space<hbm>>
        tpu.enqueue_indirect_dma source(%dma_start3A_180 : memref<10240x128xf32, #tpu.memory_space<hbm>>) target(%arg12 : memref<128x128xf32, #tpu.memory_space<vmem>>) offsets(%dma_start3A_177 : memref<128xi32, #tpu.memory_space<vmem>>) semaphore(%arg15 : memref<!tpu.dma_semaphore, #tpu.memory_space<semaphore_mem>>)
      } else {
      }
    }
    %barrier3A_114 = arith.constant 0 : index
    tpu.barrier barrier_id(%barrier3A_114)
    %mul3A_115 = arith.constant 640 : i32
    %mul3A_116 = arith.muli %arg1, %mul3A_115 : i32
    %run_scoped3A_117 = arith.constant 1 : i32
    "tpu.region"() ({
      %run_scoped3A_118 = tpu.sem_alloc : memref<!tpu.dma_semaphore, #tpu.memory_space<semaphore_mem>>
      %dma_start3A_119 = arith.constant 0 : i32
      %dma_start3A_120 = tpu.memref_slice %arg8[%arg0, %run_scoped3A_117, %mul3A_116, %dma_start3A_119] : memref<2x2x10240x128xf32, #tpu.memory_space<hbm>> -> memref<1x1x640x128xf32, #tpu.memory_space<hbm>>
      %dma_start3A_121 = tpu.memref_squeeze %dma_start3A_120 : memref<1x1x640x128xf32, #tpu.memory_space<hbm>> -> memref<640x128xf32, #tpu.memory_space<hbm>>
      %dma_start3A_122 = arith.constant 0 : i32
      %dma_start3A_123 = tpu.memref_slice %arg13[%mul3A_116, %dma_start3A_122] : memref<10240x128xf32, #tpu.memory_space<vmem_shared>> -> memref<640x128xf32, #tpu.memory_space<vmem_shared>>
      tpu.enqueue_dma source(%dma_start3A_123 : memref<640x128xf32, #tpu.memory_space<vmem_shared>>) target(%dma_start3A_121 : memref<640x128xf32, #tpu.memory_space<hbm>>) target_semaphore(%run_scoped3A_118 : memref<!tpu.dma_semaphore, #tpu.memory_space<semaphore_mem>>)
      %dma_wait3A = arith.constant 0 : i32
      %dma_wait3A_124 = tpu.memref_slice %arg8[%arg0, %run_scoped3A_117, %mul3A_116, %dma_wait3A] : memref<2x2x10240x128xf32, #tpu.memory_space<hbm>> -> memref<1x1x640x128xf32, #tpu.memory_space<hbm>>
      %dma_wait3A_125 = tpu.memref_squeeze %dma_wait3A_124 : memref<1x1x640x128xf32, #tpu.memory_space<hbm>> -> memref<640x128xf32, #tpu.memory_space<hbm>>
      %dma_wait3A_126 = arith.constant 0 : i32
      %dma_wait3A_127 = tpu.memref_slice %arg13[%mul3A_116, %dma_wait3A_126] : memref<10240x128xf32, #tpu.memory_space<vmem_shared>> -> memref<640x128xf32, #tpu.memory_space<vmem_shared>>
      tpu.wait_dma2 semaphore(%run_scoped3A_118 : memref<!tpu.dma_semaphore, #tpu.memory_space<semaphore_mem>>) src(%dma_wait3A_127 : memref<640x128xf32, #tpu.memory_space<vmem_shared>>) dst(%dma_wait3A_125 : memref<640x128xf32, #tpu.memory_space<hbm>>)
      tpu.yield
    }) : () -> ()
    return
  }
}

#map = affine_map<(d0, d1) -> (0, 0)>
#map1 = affine_map<(d0, d1) -> (0, 0, 0, 0)>
module attributes {stable_mosaic.version = 14 : i64} {
  func.func @sc_segsum2d(%arg0: i32, %arg1: i32, %arg2: memref<10000x128xf32, #tpu.memory_space<hbm>>, %arg3: memref<10000x128xf32, #tpu.memory_space<hbm>>, %arg4: memref<1280x128xi32, #tpu.memory_space<hbm>>, %arg5: memref<1280x128xi32, #tpu.memory_space<hbm>>, %arg6: memref<128x128xf32, #tpu.memory_space<hbm>>, %arg7: memref<128x128xf32, #tpu.memory_space<hbm>>, %arg8: memref<2x3x10240x128xf32, #tpu.memory_space<hbm>>, %arg9: memref<64x128xi32, #tpu.memory_space<vmem>>, %arg10: memref<64x128xi32, #tpu.memory_space<vmem>>, %arg11: memref<128x128xf32, #tpu.memory_space<vmem>>, %arg12: memref<128x128xf32, #tpu.memory_space<vmem>>, %arg13: memref<10240x128xf32, #tpu.memory_space<vmem_shared>>, %arg14: memref<!tpu.dma_semaphore, #tpu.memory_space<semaphore_mem>>, %arg15: memref<!tpu.dma_semaphore, #tpu.memory_space<semaphore_mem>>, %arg16: memref<!tpu.dma_semaphore, #tpu.memory_space<semaphore_mem>>, %arg17: memref<!tpu.dma_semaphore, #tpu.memory_space<semaphore_mem>>) attributes {dimension_semantics = [#tpu.dimension_semantics<core_parallel>, #tpu.dimension_semantics<subcore_parallel>], iteration_bounds = array<i64: 2, 16>, scalar_prefetch = 0 : i64, scratch_operands = 9 : i64, tpu.core_type = #tpu.core_type<sc_vector_subcore>, window_params = [{transform_indices = #map}, {transform_indices = #map}, {transform_indices = #map}, {transform_indices = #map}, {transform_indices = #map}, {transform_indices = #map}, {transform_indices = #map1}]} {
    %eq3A = arith.constant 0 : i32
    %eq3A_0 = arith.cmpi eq, %arg0, %eq3A : i32
    %jit3A = arith.constant 64 : i32
    %jit3A_1 = arith.constant 16 : i32
    %select_n3A = arith.select %eq3A_0, %jit3A, %jit3A_1 : i32
    %eq3A_2 = arith.constant 0 : i32
    %eq3A_3 = arith.cmpi eq, %arg0, %eq3A_2 : i32
    %convert_element_type3A = arith.extui %eq3A_3 : i1 to i32
    %cond3A = arith.constant 0 : i32
    %cond3A_4 = arith.cmpi ne, %convert_element_type3A, %cond3A : i32
    scf.if %cond3A_4 {
      %mul3A_162 = arith.constant 64 : i32
      %mul3A_163 = arith.muli %arg1, %mul3A_162 : i32
      "tpu.region"() ({
        %run_scoped3A_166 = tpu.sem_alloc : memref<!tpu.dma_semaphore, #tpu.memory_space<semaphore_mem>>
        %dma_start3A_167 = arith.constant 0 : i32
        %dma_start3A_168 = arith.constant 0 : i32
        %dma_start3A_169 = tpu.memref_slice %arg9[%dma_start3A_167, %dma_start3A_168] : memref<64x128xi32, #tpu.memory_space<vmem>> -> memref<64x128xi32, #tpu.memory_space<vmem>>
        %dma_start3A_170 = arith.constant 0 : i32
        %dma_start3A_171 = tpu.memref_slice %arg4[%mul3A_163, %dma_start3A_170] : memref<1280x128xi32, #tpu.memory_space<hbm>> -> memref<64x128xi32, #tpu.memory_space<hbm>>
        %dma_start3A_172 = arith.constant 0 : i32
        %dma_start3A_173 = arith.constant 0 : i32
        %dma_start3A_174 = tpu.memref_slice %arg9[%dma_start3A_172, %dma_start3A_173] : memref<64x128xi32, #tpu.memory_space<vmem>> -> memref<64x128xi32, #tpu.memory_space<vmem>>
        %dma_start3A_175 = arith.constant 0 : i32
        %dma_start3A_176 = tpu.memref_slice %arg4[%mul3A_163, %dma_start3A_175] : memref<1280x128xi32, #tpu.memory_space<hbm>> -> memref<64x128xi32, #tpu.memory_space<hbm>>
        tpu.enqueue_dma source(%dma_start3A_176 : memref<64x128xi32, #tpu.memory_space<hbm>>) target(%dma_start3A_174 : memref<64x128xi32, #tpu.memory_space<vmem>>) target_semaphore(%run_scoped3A_166 : memref<!tpu.dma_semaphore, #tpu.memory_space<semaphore_mem>>)
        %dma_wait3A = arith.constant 0 : i32
        %dma_wait3A_177 = arith.constant 0 : i32
        %dma_wait3A_178 = tpu.memref_slice %arg9[%dma_wait3A, %dma_wait3A_177] : memref<64x128xi32, #tpu.memory_space<vmem>> -> memref<64x128xi32, #tpu.memory_space<vmem>>
        %dma_wait3A_179 = arith.constant 0 : i32
        %dma_wait3A_180 = tpu.memref_slice %arg4[%mul3A_163, %dma_wait3A_179] : memref<1280x128xi32, #tpu.memory_space<hbm>> -> memref<64x128xi32, #tpu.memory_space<hbm>>
        %dma_wait3A_181 = arith.constant 0 : i32
        %dma_wait3A_182 = arith.constant 0 : i32
        %dma_wait3A_183 = tpu.memref_slice %arg9[%dma_wait3A_181, %dma_wait3A_182] : memref<64x128xi32, #tpu.memory_space<vmem>> -> memref<64x128xi32, #tpu.memory_space<vmem>>
        %dma_wait3A_184 = arith.constant 0 : i32
        %dma_wait3A_185 = tpu.memref_slice %arg4[%mul3A_163, %dma_wait3A_184] : memref<1280x128xi32, #tpu.memory_space<hbm>> -> memref<64x128xi32, #tpu.memory_space<hbm>>
        tpu.wait_dma2 semaphore(%run_scoped3A_166 : memref<!tpu.dma_semaphore, #tpu.memory_space<semaphore_mem>>) src(%dma_wait3A_185 : memref<64x128xi32, #tpu.memory_space<hbm>>) dst(%dma_wait3A_183 : memref<64x128xi32, #tpu.memory_space<vmem>>)
        tpu.yield
      }) : () -> ()
      %mul3A_164 = arith.constant 64 : i32
      %mul3A_165 = arith.muli %arg1, %mul3A_164 : i32
      "tpu.region"() ({
        %run_scoped3A_166 = tpu.sem_alloc : memref<!tpu.dma_semaphore, #tpu.memory_space<semaphore_mem>>
        %dma_start3A_167 = arith.constant 0 : i32
        %dma_start3A_168 = arith.constant 0 : i32
        %dma_start3A_169 = tpu.memref_slice %arg10[%dma_start3A_167, %dma_start3A_168] : memref<64x128xi32, #tpu.memory_space<vmem>> -> memref<64x128xi32, #tpu.memory_space<vmem>>
        %dma_start3A_170 = arith.constant 0 : i32
        %dma_start3A_171 = tpu.memref_slice %arg5[%mul3A_165, %dma_start3A_170] : memref<1280x128xi32, #tpu.memory_space<hbm>> -> memref<64x128xi32, #tpu.memory_space<hbm>>
        %dma_start3A_172 = arith.constant 0 : i32
        %dma_start3A_173 = arith.constant 0 : i32
        %dma_start3A_174 = tpu.memref_slice %arg10[%dma_start3A_172, %dma_start3A_173] : memref<64x128xi32, #tpu.memory_space<vmem>> -> memref<64x128xi32, #tpu.memory_space<vmem>>
        %dma_start3A_175 = arith.constant 0 : i32
        %dma_start3A_176 = tpu.memref_slice %arg5[%mul3A_165, %dma_start3A_175] : memref<1280x128xi32, #tpu.memory_space<hbm>> -> memref<64x128xi32, #tpu.memory_space<hbm>>
        tpu.enqueue_dma source(%dma_start3A_176 : memref<64x128xi32, #tpu.memory_space<hbm>>) target(%dma_start3A_174 : memref<64x128xi32, #tpu.memory_space<vmem>>) target_semaphore(%run_scoped3A_166 : memref<!tpu.dma_semaphore, #tpu.memory_space<semaphore_mem>>)
        %dma_wait3A = arith.constant 0 : i32
        %dma_wait3A_177 = arith.constant 0 : i32
        %dma_wait3A_178 = tpu.memref_slice %arg10[%dma_wait3A, %dma_wait3A_177] : memref<64x128xi32, #tpu.memory_space<vmem>> -> memref<64x128xi32, #tpu.memory_space<vmem>>
        %dma_wait3A_179 = arith.constant 0 : i32
        %dma_wait3A_180 = tpu.memref_slice %arg5[%mul3A_165, %dma_wait3A_179] : memref<1280x128xi32, #tpu.memory_space<hbm>> -> memref<64x128xi32, #tpu.memory_space<hbm>>
        %dma_wait3A_181 = arith.constant 0 : i32
        %dma_wait3A_182 = arith.constant 0 : i32
        %dma_wait3A_183 = tpu.memref_slice %arg10[%dma_wait3A_181, %dma_wait3A_182] : memref<64x128xi32, #tpu.memory_space<vmem>> -> memref<64x128xi32, #tpu.memory_space<vmem>>
        %dma_wait3A_184 = arith.constant 0 : i32
        %dma_wait3A_185 = tpu.memref_slice %arg5[%mul3A_165, %dma_wait3A_184] : memref<1280x128xi32, #tpu.memory_space<hbm>> -> memref<64x128xi32, #tpu.memory_space<hbm>>
        tpu.wait_dma2 semaphore(%run_scoped3A_166 : memref<!tpu.dma_semaphore, #tpu.memory_space<semaphore_mem>>) src(%dma_wait3A_185 : memref<64x128xi32, #tpu.memory_space<hbm>>) dst(%dma_wait3A_183 : memref<64x128xi32, #tpu.memory_space<vmem>>)
        tpu.yield
      }) : () -> ()
    } else {
    }
    %eq3A_5 = arith.constant 1 : i32
    %eq3A_6 = arith.cmpi eq, %arg0, %eq3A_5 : i32
    %convert_element_type3A_7 = arith.extui %eq3A_6 : i1 to i32
    %cond3A_8 = arith.constant 0 : i32
    %cond3A_9 = arith.cmpi ne, %convert_element_type3A_7, %cond3A_8 : i32
    scf.if %cond3A_9 {
      %mul3A_162 = arith.constant 16 : i32
      %mul3A_163 = arith.muli %arg1, %mul3A_162 : i32
      %add3A_164 = arith.constant 1024 : i32
      %add3A_165 = arith.addi %add3A_164, %mul3A_163 : i32
      "tpu.region"() ({
        %run_scoped3A_166 = tpu.sem_alloc : memref<!tpu.dma_semaphore, #tpu.memory_space<semaphore_mem>>
        %dma_start3A_167 = arith.constant 0 : i32
        %dma_start3A_168 = arith.constant 0 : i32
        %dma_start3A_169 = tpu.memref_slice %arg9[%dma_start3A_167, %dma_start3A_168] : memref<64x128xi32, #tpu.memory_space<vmem>> -> memref<16x128xi32, #tpu.memory_space<vmem>>
        %dma_start3A_170 = arith.constant 0 : i32
        %dma_start3A_171 = tpu.memref_slice %arg4[%add3A_165, %dma_start3A_170] : memref<1280x128xi32, #tpu.memory_space<hbm>> -> memref<16x128xi32, #tpu.memory_space<hbm>>
        %dma_start3A_172 = arith.constant 0 : i32
        %dma_start3A_173 = arith.constant 0 : i32
        %dma_start3A_174 = tpu.memref_slice %arg9[%dma_start3A_172, %dma_start3A_173] : memref<64x128xi32, #tpu.memory_space<vmem>> -> memref<16x128xi32, #tpu.memory_space<vmem>>
        %dma_start3A_175 = arith.constant 0 : i32
        %dma_start3A_176 = tpu.memref_slice %arg4[%add3A_165, %dma_start3A_175] : memref<1280x128xi32, #tpu.memory_space<hbm>> -> memref<16x128xi32, #tpu.memory_space<hbm>>
        tpu.enqueue_dma source(%dma_start3A_176 : memref<16x128xi32, #tpu.memory_space<hbm>>) target(%dma_start3A_174 : memref<16x128xi32, #tpu.memory_space<vmem>>) target_semaphore(%run_scoped3A_166 : memref<!tpu.dma_semaphore, #tpu.memory_space<semaphore_mem>>)
        %dma_wait3A = arith.constant 0 : i32
        %dma_wait3A_177 = arith.constant 0 : i32
        %dma_wait3A_178 = tpu.memref_slice %arg9[%dma_wait3A, %dma_wait3A_177] : memref<64x128xi32, #tpu.memory_space<vmem>> -> memref<16x128xi32, #tpu.memory_space<vmem>>
        %dma_wait3A_179 = arith.constant 0 : i32
        %dma_wait3A_180 = tpu.memref_slice %arg4[%add3A_165, %dma_wait3A_179] : memref<1280x128xi32, #tpu.memory_space<hbm>> -> memref<16x128xi32, #tpu.memory_space<hbm>>
        %dma_wait3A_181 = arith.constant 0 : i32
        %dma_wait3A_182 = arith.constant 0 : i32
        %dma_wait3A_183 = tpu.memref_slice %arg9[%dma_wait3A_181, %dma_wait3A_182] : memref<64x128xi32, #tpu.memory_space<vmem>> -> memref<16x128xi32, #tpu.memory_space<vmem>>
        %dma_wait3A_184 = arith.constant 0 : i32
        %dma_wait3A_185 = tpu.memref_slice %arg4[%add3A_165, %dma_wait3A_184] : memref<1280x128xi32, #tpu.memory_space<hbm>> -> memref<16x128xi32, #tpu.memory_space<hbm>>
        tpu.wait_dma2 semaphore(%run_scoped3A_166 : memref<!tpu.dma_semaphore, #tpu.memory_space<semaphore_mem>>) src(%dma_wait3A_185 : memref<16x128xi32, #tpu.memory_space<hbm>>) dst(%dma_wait3A_183 : memref<16x128xi32, #tpu.memory_space<vmem>>)
        tpu.yield
      }) : () -> ()
      "tpu.region"() ({
        %run_scoped3A_166 = tpu.sem_alloc : memref<!tpu.dma_semaphore, #tpu.memory_space<semaphore_mem>>
        %dma_start3A_167 = arith.constant 0 : i32
        %dma_start3A_168 = arith.constant 0 : i32
        %dma_start3A_169 = tpu.memref_slice %arg10[%dma_start3A_167, %dma_start3A_168] : memref<64x128xi32, #tpu.memory_space<vmem>> -> memref<16x128xi32, #tpu.memory_space<vmem>>
        %dma_start3A_170 = arith.constant 0 : i32
        %dma_start3A_171 = tpu.memref_slice %arg5[%add3A_165, %dma_start3A_170] : memref<1280x128xi32, #tpu.memory_space<hbm>> -> memref<16x128xi32, #tpu.memory_space<hbm>>
        %dma_start3A_172 = arith.constant 0 : i32
        %dma_start3A_173 = arith.constant 0 : i32
        %dma_start3A_174 = tpu.memref_slice %arg10[%dma_start3A_172, %dma_start3A_173] : memref<64x128xi32, #tpu.memory_space<vmem>> -> memref<16x128xi32, #tpu.memory_space<vmem>>
        %dma_start3A_175 = arith.constant 0 : i32
        %dma_start3A_176 = tpu.memref_slice %arg5[%add3A_165, %dma_start3A_175] : memref<1280x128xi32, #tpu.memory_space<hbm>> -> memref<16x128xi32, #tpu.memory_space<hbm>>
        tpu.enqueue_dma source(%dma_start3A_176 : memref<16x128xi32, #tpu.memory_space<hbm>>) target(%dma_start3A_174 : memref<16x128xi32, #tpu.memory_space<vmem>>) target_semaphore(%run_scoped3A_166 : memref<!tpu.dma_semaphore, #tpu.memory_space<semaphore_mem>>)
        %dma_wait3A = arith.constant 0 : i32
        %dma_wait3A_177 = arith.constant 0 : i32
        %dma_wait3A_178 = tpu.memref_slice %arg10[%dma_wait3A, %dma_wait3A_177] : memref<64x128xi32, #tpu.memory_space<vmem>> -> memref<16x128xi32, #tpu.memory_space<vmem>>
        %dma_wait3A_179 = arith.constant 0 : i32
        %dma_wait3A_180 = tpu.memref_slice %arg5[%add3A_165, %dma_wait3A_179] : memref<1280x128xi32, #tpu.memory_space<hbm>> -> memref<16x128xi32, #tpu.memory_space<hbm>>
        %dma_wait3A_181 = arith.constant 0 : i32
        %dma_wait3A_182 = arith.constant 0 : i32
        %dma_wait3A_183 = tpu.memref_slice %arg10[%dma_wait3A_181, %dma_wait3A_182] : memref<64x128xi32, #tpu.memory_space<vmem>> -> memref<16x128xi32, #tpu.memory_space<vmem>>
        %dma_wait3A_184 = arith.constant 0 : i32
        %dma_wait3A_185 = tpu.memref_slice %arg5[%add3A_165, %dma_wait3A_184] : memref<1280x128xi32, #tpu.memory_space<hbm>> -> memref<16x128xi32, #tpu.memory_space<hbm>>
        tpu.wait_dma2 semaphore(%run_scoped3A_166 : memref<!tpu.dma_semaphore, #tpu.memory_space<semaphore_mem>>) src(%dma_wait3A_185 : memref<16x128xi32, #tpu.memory_space<hbm>>) dst(%dma_wait3A_183 : memref<16x128xi32, #tpu.memory_space<vmem>>)
        tpu.yield
      }) : () -> ()
    } else {
    }
    "tpu.region"() ({
      %run_scoped3A_162 = tpu.sem_alloc : memref<!tpu.dma_semaphore, #tpu.memory_space<semaphore_mem>>
      tpu.enqueue_dma source(%arg6 : memref<128x128xf32, #tpu.memory_space<hbm>>) target(%arg11 : memref<128x128xf32, #tpu.memory_space<vmem>>) target_semaphore(%run_scoped3A_162 : memref<!tpu.dma_semaphore, #tpu.memory_space<semaphore_mem>>)
      tpu.wait_dma2 semaphore(%run_scoped3A_162 : memref<!tpu.dma_semaphore, #tpu.memory_space<semaphore_mem>>) src(%arg6 : memref<128x128xf32, #tpu.memory_space<hbm>>) dst(%arg11 : memref<128x128xf32, #tpu.memory_space<vmem>>)
      tpu.yield
    }) : () -> ()
    %mul3A = arith.constant 640 : i32
    %mul3A_10 = arith.muli %arg1, %mul3A : i32
    %add3A = arith.constant 0 : i32
    %add3A_11 = arith.addi %mul3A_10, %add3A : i32
    "tpu.region"() ({
      %run_scoped3A_162 = tpu.sem_alloc : memref<!tpu.dma_semaphore, #tpu.memory_space<semaphore_mem>>
      %dma_start3A_163 = arith.constant 0 : i32
      %dma_start3A_164 = tpu.memref_slice %arg13[%add3A_11, %dma_start3A_163] : memref<10240x128xf32, #tpu.memory_space<vmem_shared>> -> memref<128x128xf32, #tpu.memory_space<vmem_shared>>
      %dma_start3A_165 = arith.constant 0 : i32
      %dma_start3A_166 = tpu.memref_slice %arg13[%add3A_11, %dma_start3A_165] : memref<10240x128xf32, #tpu.memory_space<vmem_shared>> -> memref<128x128xf32, #tpu.memory_space<vmem_shared>>
      tpu.enqueue_dma source(%arg11 : memref<128x128xf32, #tpu.memory_space<vmem>>) target(%dma_start3A_166 : memref<128x128xf32, #tpu.memory_space<vmem_shared>>) target_semaphore(%run_scoped3A_162 : memref<!tpu.dma_semaphore, #tpu.memory_space<semaphore_mem>>)
      %dma_wait3A = arith.constant 0 : i32
      %dma_wait3A_167 = tpu.memref_slice %arg13[%add3A_11, %dma_wait3A] : memref<10240x128xf32, #tpu.memory_space<vmem_shared>> -> memref<128x128xf32, #tpu.memory_space<vmem_shared>>
      %dma_wait3A_168 = arith.constant 0 : i32
      %dma_wait3A_169 = tpu.memref_slice %arg13[%add3A_11, %dma_wait3A_168] : memref<10240x128xf32, #tpu.memory_space<vmem_shared>> -> memref<128x128xf32, #tpu.memory_space<vmem_shared>>
      tpu.wait_dma2 semaphore(%run_scoped3A_162 : memref<!tpu.dma_semaphore, #tpu.memory_space<semaphore_mem>>) src(%arg11 : memref<128x128xf32, #tpu.memory_space<vmem>>) dst(%dma_wait3A_169 : memref<128x128xf32, #tpu.memory_space<vmem_shared>>)
      tpu.yield
    }) : () -> ()
    %mul3A_12 = arith.constant 640 : i32
    %mul3A_13 = arith.muli %arg1, %mul3A_12 : i32
    %add3A_14 = arith.constant 128 : i32
    %add3A_15 = arith.addi %mul3A_13, %add3A_14 : i32
    "tpu.region"() ({
      %run_scoped3A_162 = tpu.sem_alloc : memref<!tpu.dma_semaphore, #tpu.memory_space<semaphore_mem>>
      %dma_start3A_163 = arith.constant 0 : i32
      %dma_start3A_164 = tpu.memref_slice %arg13[%add3A_15, %dma_start3A_163] : memref<10240x128xf32, #tpu.memory_space<vmem_shared>> -> memref<128x128xf32, #tpu.memory_space<vmem_shared>>
      %dma_start3A_165 = arith.constant 0 : i32
      %dma_start3A_166 = tpu.memref_slice %arg13[%add3A_15, %dma_start3A_165] : memref<10240x128xf32, #tpu.memory_space<vmem_shared>> -> memref<128x128xf32, #tpu.memory_space<vmem_shared>>
      tpu.enqueue_dma source(%arg11 : memref<128x128xf32, #tpu.memory_space<vmem>>) target(%dma_start3A_166 : memref<128x128xf32, #tpu.memory_space<vmem_shared>>) target_semaphore(%run_scoped3A_162 : memref<!tpu.dma_semaphore, #tpu.memory_space<semaphore_mem>>)
      %dma_wait3A = arith.constant 0 : i32
      %dma_wait3A_167 = tpu.memref_slice %arg13[%add3A_15, %dma_wait3A] : memref<10240x128xf32, #tpu.memory_space<vmem_shared>> -> memref<128x128xf32, #tpu.memory_space<vmem_shared>>
      %dma_wait3A_168 = arith.constant 0 : i32
      %dma_wait3A_169 = tpu.memref_slice %arg13[%add3A_15, %dma_wait3A_168] : memref<10240x128xf32, #tpu.memory_space<vmem_shared>> -> memref<128x128xf32, #tpu.memory_space<vmem_shared>>
      tpu.wait_dma2 semaphore(%run_scoped3A_162 : memref<!tpu.dma_semaphore, #tpu.memory_space<semaphore_mem>>) src(%arg11 : memref<128x128xf32, #tpu.memory_space<vmem>>) dst(%dma_wait3A_169 : memref<128x128xf32, #tpu.memory_space<vmem_shared>>)
      tpu.yield
    }) : () -> ()
    %mul3A_16 = arith.constant 640 : i32
    %mul3A_17 = arith.muli %arg1, %mul3A_16 : i32
    %add3A_18 = arith.constant 256 : i32
    %add3A_19 = arith.addi %mul3A_17, %add3A_18 : i32
    "tpu.region"() ({
      %run_scoped3A_162 = tpu.sem_alloc : memref<!tpu.dma_semaphore, #tpu.memory_space<semaphore_mem>>
      %dma_start3A_163 = arith.constant 0 : i32
      %dma_start3A_164 = tpu.memref_slice %arg13[%add3A_19, %dma_start3A_163] : memref<10240x128xf32, #tpu.memory_space<vmem_shared>> -> memref<128x128xf32, #tpu.memory_space<vmem_shared>>
      %dma_start3A_165 = arith.constant 0 : i32
      %dma_start3A_166 = tpu.memref_slice %arg13[%add3A_19, %dma_start3A_165] : memref<10240x128xf32, #tpu.memory_space<vmem_shared>> -> memref<128x128xf32, #tpu.memory_space<vmem_shared>>
      tpu.enqueue_dma source(%arg11 : memref<128x128xf32, #tpu.memory_space<vmem>>) target(%dma_start3A_166 : memref<128x128xf32, #tpu.memory_space<vmem_shared>>) target_semaphore(%run_scoped3A_162 : memref<!tpu.dma_semaphore, #tpu.memory_space<semaphore_mem>>)
      %dma_wait3A = arith.constant 0 : i32
      %dma_wait3A_167 = tpu.memref_slice %arg13[%add3A_19, %dma_wait3A] : memref<10240x128xf32, #tpu.memory_space<vmem_shared>> -> memref<128x128xf32, #tpu.memory_space<vmem_shared>>
      %dma_wait3A_168 = arith.constant 0 : i32
      %dma_wait3A_169 = tpu.memref_slice %arg13[%add3A_19, %dma_wait3A_168] : memref<10240x128xf32, #tpu.memory_space<vmem_shared>> -> memref<128x128xf32, #tpu.memory_space<vmem_shared>>
      tpu.wait_dma2 semaphore(%run_scoped3A_162 : memref<!tpu.dma_semaphore, #tpu.memory_space<semaphore_mem>>) src(%arg11 : memref<128x128xf32, #tpu.memory_space<vmem>>) dst(%dma_wait3A_169 : memref<128x128xf32, #tpu.memory_space<vmem_shared>>)
      tpu.yield
    }) : () -> ()
    %mul3A_20 = arith.constant 640 : i32
    %mul3A_21 = arith.muli %arg1, %mul3A_20 : i32
    %add3A_22 = arith.constant 384 : i32
    %add3A_23 = arith.addi %mul3A_21, %add3A_22 : i32
    "tpu.region"() ({
      %run_scoped3A_162 = tpu.sem_alloc : memref<!tpu.dma_semaphore, #tpu.memory_space<semaphore_mem>>
      %dma_start3A_163 = arith.constant 0 : i32
      %dma_start3A_164 = tpu.memref_slice %arg13[%add3A_23, %dma_start3A_163] : memref<10240x128xf32, #tpu.memory_space<vmem_shared>> -> memref<128x128xf32, #tpu.memory_space<vmem_shared>>
      %dma_start3A_165 = arith.constant 0 : i32
      %dma_start3A_166 = tpu.memref_slice %arg13[%add3A_23, %dma_start3A_165] : memref<10240x128xf32, #tpu.memory_space<vmem_shared>> -> memref<128x128xf32, #tpu.memory_space<vmem_shared>>
      tpu.enqueue_dma source(%arg11 : memref<128x128xf32, #tpu.memory_space<vmem>>) target(%dma_start3A_166 : memref<128x128xf32, #tpu.memory_space<vmem_shared>>) target_semaphore(%run_scoped3A_162 : memref<!tpu.dma_semaphore, #tpu.memory_space<semaphore_mem>>)
      %dma_wait3A = arith.constant 0 : i32
      %dma_wait3A_167 = tpu.memref_slice %arg13[%add3A_23, %dma_wait3A] : memref<10240x128xf32, #tpu.memory_space<vmem_shared>> -> memref<128x128xf32, #tpu.memory_space<vmem_shared>>
      %dma_wait3A_168 = arith.constant 0 : i32
      %dma_wait3A_169 = tpu.memref_slice %arg13[%add3A_23, %dma_wait3A_168] : memref<10240x128xf32, #tpu.memory_space<vmem_shared>> -> memref<128x128xf32, #tpu.memory_space<vmem_shared>>
      tpu.wait_dma2 semaphore(%run_scoped3A_162 : memref<!tpu.dma_semaphore, #tpu.memory_space<semaphore_mem>>) src(%arg11 : memref<128x128xf32, #tpu.memory_space<vmem>>) dst(%dma_wait3A_169 : memref<128x128xf32, #tpu.memory_space<vmem_shared>>)
      tpu.yield
    }) : () -> ()
    %mul3A_24 = arith.constant 640 : i32
    %mul3A_25 = arith.muli %arg1, %mul3A_24 : i32
    %add3A_26 = arith.constant 512 : i32
    %add3A_27 = arith.addi %mul3A_25, %add3A_26 : i32
    "tpu.region"() ({
      %run_scoped3A_162 = tpu.sem_alloc : memref<!tpu.dma_semaphore, #tpu.memory_space<semaphore_mem>>
      %dma_start3A_163 = arith.constant 0 : i32
      %dma_start3A_164 = tpu.memref_slice %arg13[%add3A_27, %dma_start3A_163] : memref<10240x128xf32, #tpu.memory_space<vmem_shared>> -> memref<128x128xf32, #tpu.memory_space<vmem_shared>>
      %dma_start3A_165 = arith.constant 0 : i32
      %dma_start3A_166 = tpu.memref_slice %arg13[%add3A_27, %dma_start3A_165] : memref<10240x128xf32, #tpu.memory_space<vmem_shared>> -> memref<128x128xf32, #tpu.memory_space<vmem_shared>>
      tpu.enqueue_dma source(%arg11 : memref<128x128xf32, #tpu.memory_space<vmem>>) target(%dma_start3A_166 : memref<128x128xf32, #tpu.memory_space<vmem_shared>>) target_semaphore(%run_scoped3A_162 : memref<!tpu.dma_semaphore, #tpu.memory_space<semaphore_mem>>)
      %dma_wait3A = arith.constant 0 : i32
      %dma_wait3A_167 = tpu.memref_slice %arg13[%add3A_27, %dma_wait3A] : memref<10240x128xf32, #tpu.memory_space<vmem_shared>> -> memref<128x128xf32, #tpu.memory_space<vmem_shared>>
      %dma_wait3A_168 = arith.constant 0 : i32
      %dma_wait3A_169 = tpu.memref_slice %arg13[%add3A_27, %dma_wait3A_168] : memref<10240x128xf32, #tpu.memory_space<vmem_shared>> -> memref<128x128xf32, #tpu.memory_space<vmem_shared>>
      tpu.wait_dma2 semaphore(%run_scoped3A_162 : memref<!tpu.dma_semaphore, #tpu.memory_space<semaphore_mem>>) src(%arg11 : memref<128x128xf32, #tpu.memory_space<vmem>>) dst(%dma_wait3A_169 : memref<128x128xf32, #tpu.memory_space<vmem_shared>>)
      tpu.yield
    }) : () -> ()
    %barrier3A = arith.constant 0 : index
    tpu.barrier barrier_id(%barrier3A)
    %dma_start3A = arith.constant 0 : i32
    %dma_start3A_28 = arith.constant 0 : i32
    %dma_start3A_29 = tpu.memref_slice %arg9[%dma_start3A, %dma_start3A_28] : memref<64x128xi32, #tpu.memory_space<vmem>> -> memref<1x128xi32, #tpu.memory_space<vmem>>
    %dma_start3A_30 = tpu.memref_squeeze %dma_start3A_29 : memref<1x128xi32, #tpu.memory_space<vmem>> -> memref<128xi32, #tpu.memory_space<vmem>>
    %dma_start3A_31 = arith.constant 0 : i32
    %dma_start3A_32 = arith.constant 0 : i32
    %dma_start3A_33 = tpu.memref_slice %arg2[%dma_start3A_31, %dma_start3A_32] : memref<10000x128xf32, #tpu.memory_space<hbm>> -> memref<10000x128xf32, #tpu.memory_space<hbm>>
    tpu.enqueue_indirect_dma source(%dma_start3A_33 : memref<10000x128xf32, #tpu.memory_space<hbm>>) target(%arg11 : memref<128x128xf32, #tpu.memory_space<vmem>>) offsets(%dma_start3A_30 : memref<128xi32, #tpu.memory_space<vmem>>) semaphore(%arg14 : memref<!tpu.dma_semaphore, #tpu.memory_space<semaphore_mem>>)
    %dma_start3A_34 = arith.constant 1 : i32
    %dma_start3A_35 = arith.constant 0 : i32
    %dma_start3A_36 = tpu.memref_slice %arg9[%dma_start3A_34, %dma_start3A_35] : memref<64x128xi32, #tpu.memory_space<vmem>> -> memref<1x128xi32, #tpu.memory_space<vmem>>
    %dma_start3A_37 = tpu.memref_squeeze %dma_start3A_36 : memref<1x128xi32, #tpu.memory_space<vmem>> -> memref<128xi32, #tpu.memory_space<vmem>>
    %dma_start3A_38 = arith.constant 0 : i32
    %dma_start3A_39 = arith.constant 0 : i32
    %dma_start3A_40 = tpu.memref_slice %arg2[%dma_start3A_38, %dma_start3A_39] : memref<10000x128xf32, #tpu.memory_space<hbm>> -> memref<10000x128xf32, #tpu.memory_space<hbm>>
    tpu.enqueue_indirect_dma source(%dma_start3A_40 : memref<10000x128xf32, #tpu.memory_space<hbm>>) target(%arg12 : memref<128x128xf32, #tpu.memory_space<vmem>>) offsets(%dma_start3A_37 : memref<128xi32, #tpu.memory_space<vmem>>) semaphore(%arg15 : memref<!tpu.dma_semaphore, #tpu.memory_space<semaphore_mem>>)
    %sub3A = arith.constant 0 : i32
    %sub3A_41 = arith.subi %select_n3A, %sub3A : i32
    %sub3A_42 = arith.constant 2 : i32
    %sub3A_43 = arith.constant 1 : i32
    %sub3A_44 = arith.subi %sub3A_42, %sub3A_43 : i32
    %add3A_45 = arith.addi %sub3A_41, %sub3A_44 : i32
    %div3A = arith.constant 2 : i32
    %div3A_46 = arith.divsi %add3A_45, %div3A : i32
    %while3A = arith.constant 2 : i32
    %while3A_47 = arith.constant 0 : i32
    %while3A_48 = arith.constant 0 : i32
    %while3A_49 = arith.subi %div3A_46, %while3A_48 : i32
    %while3A_50 = arith.addi %while3A_48, %while3A_49 : i32
    %while3A_51 = arith.constant 1 : i32
    %while3A_52 = arith.divsi %while3A_49, %while3A_51 : i32
    %while3A_53 = arith.muli %while3A_52, %while3A_51 : i32
    %while3A_54 = arith.addi %while3A_48, %while3A_53 : i32
    %while3A_55 = arith.constant 1 : i32
    scf.for %while3A_162 = %while3A_48 to %while3A_54 step %while3A_55  : i32 {
      %mul3A_163 = arith.muli %while3A_162, %while3A : i32
      %add3A_164 = arith.addi %while3A_47, %mul3A_163 : i32
      %dma_wait3A = arith.constant 0 : i32
      %dma_wait3A_165 = tpu.memref_slice %arg9[%add3A_164, %dma_wait3A] : memref<64x128xi32, #tpu.memory_space<vmem>> -> memref<1x128xi32, #tpu.memory_space<vmem>>
      %dma_wait3A_166 = tpu.memref_squeeze %dma_wait3A_165 : memref<1x128xi32, #tpu.memory_space<vmem>> -> memref<128xi32, #tpu.memory_space<vmem>>
      %dma_wait3A_167 = arith.constant 0 : i32
      %dma_wait3A_168 = arith.constant 0 : i32
      %dma_wait3A_169 = tpu.memref_slice %arg2[%dma_wait3A_167, %dma_wait3A_168] : memref<10000x128xf32, #tpu.memory_space<hbm>> -> memref<10000x128xf32, #tpu.memory_space<hbm>>
      tpu.wait_indirect_dma semaphore(%arg14 : memref<!tpu.dma_semaphore, #tpu.memory_space<semaphore_mem>>) src(%dma_wait3A_169 : memref<10000x128xf32, #tpu.memory_space<hbm>>) dst(%arg11 : memref<128x128xf32, #tpu.memory_space<vmem>>)
      %dma_start3A_170 = arith.constant 0 : i32
      %dma_start3A_171 = tpu.memref_slice %arg10[%add3A_164, %dma_start3A_170] : memref<64x128xi32, #tpu.memory_space<vmem>> -> memref<1x128xi32, #tpu.memory_space<vmem>>
      %dma_start3A_172 = tpu.memref_squeeze %dma_start3A_171 : memref<1x128xi32, #tpu.memory_space<vmem>> -> memref<128xi32, #tpu.memory_space<vmem>>
      %dma_start3A_173 = arith.constant 0 : i32
      %dma_start3A_174 = arith.constant 0 : i32
      %dma_start3A_175 = tpu.memref_slice %arg13[%dma_start3A_173, %dma_start3A_174] : memref<10240x128xf32, #tpu.memory_space<vmem_shared>> -> memref<10240x128xf32, #tpu.memory_space<vmem_shared>>
      tpu.enqueue_indirect_dma source(%arg11 : memref<128x128xf32, #tpu.memory_space<vmem>>) target(%dma_start3A_175 : memref<10240x128xf32, #tpu.memory_space<vmem_shared>>) offsets(%dma_start3A_172 : memref<128xi32, #tpu.memory_space<vmem>>) semaphore(%arg16 : memref<!tpu.dma_semaphore, #tpu.memory_space<semaphore_mem>>) {add = true}
      %add3A_176 = arith.constant 1 : i32
      %add3A_177 = arith.addi %add3A_164, %add3A_176 : i32
      %dma_wait3A_178 = arith.constant 0 : i32
      %dma_wait3A_179 = tpu.memref_slice %arg9[%add3A_177, %dma_wait3A_178] : memref<64x128xi32, #tpu.memory_space<vmem>> -> memref<1x128xi32, #tpu.memory_space<vmem>>
      %dma_wait3A_180 = tpu.memref_squeeze %dma_wait3A_179 : memref<1x128xi32, #tpu.memory_space<vmem>> -> memref<128xi32, #tpu.memory_space<vmem>>
      %dma_wait3A_181 = arith.constant 0 : i32
      %dma_wait3A_182 = arith.constant 0 : i32
      %dma_wait3A_183 = tpu.memref_slice %arg2[%dma_wait3A_181, %dma_wait3A_182] : memref<10000x128xf32, #tpu.memory_space<hbm>> -> memref<10000x128xf32, #tpu.memory_space<hbm>>
      tpu.wait_indirect_dma semaphore(%arg15 : memref<!tpu.dma_semaphore, #tpu.memory_space<semaphore_mem>>) src(%dma_wait3A_183 : memref<10000x128xf32, #tpu.memory_space<hbm>>) dst(%arg12 : memref<128x128xf32, #tpu.memory_space<vmem>>)
      %add3A_184 = arith.constant 1 : i32
      %add3A_185 = arith.addi %add3A_164, %add3A_184 : i32
      %dma_start3A_186 = arith.constant 0 : i32
      %dma_start3A_187 = tpu.memref_slice %arg10[%add3A_185, %dma_start3A_186] : memref<64x128xi32, #tpu.memory_space<vmem>> -> memref<1x128xi32, #tpu.memory_space<vmem>>
      %dma_start3A_188 = tpu.memref_squeeze %dma_start3A_187 : memref<1x128xi32, #tpu.memory_space<vmem>> -> memref<128xi32, #tpu.memory_space<vmem>>
      %dma_start3A_189 = arith.constant 0 : i32
      %dma_start3A_190 = arith.constant 0 : i32
      %dma_start3A_191 = tpu.memref_slice %arg13[%dma_start3A_189, %dma_start3A_190] : memref<10240x128xf32, #tpu.memory_space<vmem_shared>> -> memref<10240x128xf32, #tpu.memory_space<vmem_shared>>
      tpu.enqueue_indirect_dma source(%arg12 : memref<128x128xf32, #tpu.memory_space<vmem>>) target(%dma_start3A_191 : memref<10240x128xf32, #tpu.memory_space<vmem_shared>>) offsets(%dma_start3A_188 : memref<128xi32, #tpu.memory_space<vmem>>) semaphore(%arg17 : memref<!tpu.dma_semaphore, #tpu.memory_space<semaphore_mem>>) {add = true}
      %dma_wait3A_192 = arith.constant 0 : i32
      %dma_wait3A_193 = tpu.memref_slice %arg10[%add3A_164, %dma_wait3A_192] : memref<64x128xi32, #tpu.memory_space<vmem>> -> memref<1x128xi32, #tpu.memory_space<vmem>>
      %dma_wait3A_194 = tpu.memref_squeeze %dma_wait3A_193 : memref<1x128xi32, #tpu.memory_space<vmem>> -> memref<128xi32, #tpu.memory_space<vmem>>
      %dma_wait3A_195 = arith.constant 0 : i32
      %dma_wait3A_196 = arith.constant 0 : i32
      %dma_wait3A_197 = tpu.memref_slice %arg13[%dma_wait3A_195, %dma_wait3A_196] : memref<10240x128xf32, #tpu.memory_space<vmem_shared>> -> memref<10240x128xf32, #tpu.memory_space<vmem_shared>>
      tpu.wait_indirect_dma semaphore(%arg16 : memref<!tpu.dma_semaphore, #tpu.memory_space<semaphore_mem>>) src(%arg11 : memref<128x128xf32, #tpu.memory_space<vmem>>) dst(%dma_wait3A_197 : memref<10240x128xf32, #tpu.memory_space<vmem_shared>>)
      %add3A_198 = arith.constant 2 : i32
      %add3A_199 = arith.addi %add3A_164, %add3A_198 : i32
      %lt3A = arith.cmpi slt, %add3A_199, %select_n3A : i32
      %convert_element_type3A_200 = arith.extui %lt3A : i1 to i32
      %cond3A_201 = arith.constant 0 : i32
      %cond3A_202 = arith.cmpi ne, %convert_element_type3A_200, %cond3A_201 : i32
      scf.if %cond3A_202 {
        %add3A_217 = arith.constant 2 : i32
        %add3A_218 = arith.addi %add3A_164, %add3A_217 : i32
        %dma_start3A_219 = arith.constant 0 : i32
        %dma_start3A_220 = tpu.memref_slice %arg9[%add3A_218, %dma_start3A_219] : memref<64x128xi32, #tpu.memory_space<vmem>> -> memref<1x128xi32, #tpu.memory_space<vmem>>
        %dma_start3A_221 = tpu.memref_squeeze %dma_start3A_220 : memref<1x128xi32, #tpu.memory_space<vmem>> -> memref<128xi32, #tpu.memory_space<vmem>>
        %dma_start3A_222 = arith.constant 0 : i32
        %dma_start3A_223 = arith.constant 0 : i32
        %dma_start3A_224 = tpu.memref_slice %arg2[%dma_start3A_222, %dma_start3A_223] : memref<10000x128xf32, #tpu.memory_space<hbm>> -> memref<10000x128xf32, #tpu.memory_space<hbm>>
        tpu.enqueue_indirect_dma source(%dma_start3A_224 : memref<10000x128xf32, #tpu.memory_space<hbm>>) target(%arg11 : memref<128x128xf32, #tpu.memory_space<vmem>>) offsets(%dma_start3A_221 : memref<128xi32, #tpu.memory_space<vmem>>) semaphore(%arg14 : memref<!tpu.dma_semaphore, #tpu.memory_space<semaphore_mem>>)
      } else {
      }
      %add3A_203 = arith.constant 1 : i32
      %add3A_204 = arith.addi %add3A_164, %add3A_203 : i32
      %dma_wait3A_205 = arith.constant 0 : i32
      %dma_wait3A_206 = tpu.memref_slice %arg10[%add3A_204, %dma_wait3A_205] : memref<64x128xi32, #tpu.memory_space<vmem>> -> memref<1x128xi32, #tpu.memory_space<vmem>>
      %dma_wait3A_207 = tpu.memref_squeeze %dma_wait3A_206 : memref<1x128xi32, #tpu.memory_space<vmem>> -> memref<128xi32, #tpu.memory_space<vmem>>
      %dma_wait3A_208 = arith.constant 0 : i32
      %dma_wait3A_209 = arith.constant 0 : i32
      %dma_wait3A_210 = tpu.memref_slice %arg13[%dma_wait3A_208, %dma_wait3A_209] : memref<10240x128xf32, #tpu.memory_space<vmem_shared>> -> memref<10240x128xf32, #tpu.memory_space<vmem_shared>>
      tpu.wait_indirect_dma semaphore(%arg17 : memref<!tpu.dma_semaphore, #tpu.memory_space<semaphore_mem>>) src(%arg12 : memref<128x128xf32, #tpu.memory_space<vmem>>) dst(%dma_wait3A_210 : memref<10240x128xf32, #tpu.memory_space<vmem_shared>>)
      %add3A_211 = arith.constant 3 : i32
      %add3A_212 = arith.addi %add3A_164, %add3A_211 : i32
      %lt3A_213 = arith.cmpi slt, %add3A_212, %select_n3A : i32
      %convert_element_type3A_214 = arith.extui %lt3A_213 : i1 to i32
      %cond3A_215 = arith.constant 0 : i32
      %cond3A_216 = arith.cmpi ne, %convert_element_type3A_214, %cond3A_215 : i32
      scf.if %cond3A_216 {
        %add3A_217 = arith.constant 3 : i32
        %add3A_218 = arith.addi %add3A_164, %add3A_217 : i32
        %dma_start3A_219 = arith.constant 0 : i32
        %dma_start3A_220 = tpu.memref_slice %arg9[%add3A_218, %dma_start3A_219] : memref<64x128xi32, #tpu.memory_space<vmem>> -> memref<1x128xi32, #tpu.memory_space<vmem>>
        %dma_start3A_221 = tpu.memref_squeeze %dma_start3A_220 : memref<1x128xi32, #tpu.memory_space<vmem>> -> memref<128xi32, #tpu.memory_space<vmem>>
        %dma_start3A_222 = arith.constant 0 : i32
        %dma_start3A_223 = arith.constant 0 : i32
        %dma_start3A_224 = tpu.memref_slice %arg2[%dma_start3A_222, %dma_start3A_223] : memref<10000x128xf32, #tpu.memory_space<hbm>> -> memref<10000x128xf32, #tpu.memory_space<hbm>>
        tpu.enqueue_indirect_dma source(%dma_start3A_224 : memref<10000x128xf32, #tpu.memory_space<hbm>>) target(%arg12 : memref<128x128xf32, #tpu.memory_space<vmem>>) offsets(%dma_start3A_221 : memref<128xi32, #tpu.memory_space<vmem>>) semaphore(%arg15 : memref<!tpu.dma_semaphore, #tpu.memory_space<semaphore_mem>>)
      } else {
      }
    }
    %while3A_56 = arith.constant 1 : i32
    scf.for %while3A_162 = %while3A_54 to %while3A_50 step %while3A_56  : i32 {
      %mul3A_163 = arith.muli %while3A_162, %while3A : i32
      %add3A_164 = arith.addi %while3A_47, %mul3A_163 : i32
      %dma_wait3A = arith.constant 0 : i32
      %dma_wait3A_165 = tpu.memref_slice %arg9[%add3A_164, %dma_wait3A] : memref<64x128xi32, #tpu.memory_space<vmem>> -> memref<1x128xi32, #tpu.memory_space<vmem>>
      %dma_wait3A_166 = tpu.memref_squeeze %dma_wait3A_165 : memref<1x128xi32, #tpu.memory_space<vmem>> -> memref<128xi32, #tpu.memory_space<vmem>>
      %dma_wait3A_167 = arith.constant 0 : i32
      %dma_wait3A_168 = arith.constant 0 : i32
      %dma_wait3A_169 = tpu.memref_slice %arg2[%dma_wait3A_167, %dma_wait3A_168] : memref<10000x128xf32, #tpu.memory_space<hbm>> -> memref<10000x128xf32, #tpu.memory_space<hbm>>
      tpu.wait_indirect_dma semaphore(%arg14 : memref<!tpu.dma_semaphore, #tpu.memory_space<semaphore_mem>>) src(%dma_wait3A_169 : memref<10000x128xf32, #tpu.memory_space<hbm>>) dst(%arg11 : memref<128x128xf32, #tpu.memory_space<vmem>>)
      %dma_start3A_170 = arith.constant 0 : i32
      %dma_start3A_171 = tpu.memref_slice %arg10[%add3A_164, %dma_start3A_170] : memref<64x128xi32, #tpu.memory_space<vmem>> -> memref<1x128xi32, #tpu.memory_space<vmem>>
      %dma_start3A_172 = tpu.memref_squeeze %dma_start3A_171 : memref<1x128xi32, #tpu.memory_space<vmem>> -> memref<128xi32, #tpu.memory_space<vmem>>
      %dma_start3A_173 = arith.constant 0 : i32
      %dma_start3A_174 = arith.constant 0 : i32
      %dma_start3A_175 = tpu.memref_slice %arg13[%dma_start3A_173, %dma_start3A_174] : memref<10240x128xf32, #tpu.memory_space<vmem_shared>> -> memref<10240x128xf32, #tpu.memory_space<vmem_shared>>
      tpu.enqueue_indirect_dma source(%arg11 : memref<128x128xf32, #tpu.memory_space<vmem>>) target(%dma_start3A_175 : memref<10240x128xf32, #tpu.memory_space<vmem_shared>>) offsets(%dma_start3A_172 : memref<128xi32, #tpu.memory_space<vmem>>) semaphore(%arg16 : memref<!tpu.dma_semaphore, #tpu.memory_space<semaphore_mem>>) {add = true}
      %add3A_176 = arith.constant 1 : i32
      %add3A_177 = arith.addi %add3A_164, %add3A_176 : i32
      %dma_wait3A_178 = arith.constant 0 : i32
      %dma_wait3A_179 = tpu.memref_slice %arg9[%add3A_177, %dma_wait3A_178] : memref<64x128xi32, #tpu.memory_space<vmem>> -> memref<1x128xi32, #tpu.memory_space<vmem>>
      %dma_wait3A_180 = tpu.memref_squeeze %dma_wait3A_179 : memref<1x128xi32, #tpu.memory_space<vmem>> -> memref<128xi32, #tpu.memory_space<vmem>>
      %dma_wait3A_181 = arith.constant 0 : i32
      %dma_wait3A_182 = arith.constant 0 : i32
      %dma_wait3A_183 = tpu.memref_slice %arg2[%dma_wait3A_181, %dma_wait3A_182] : memref<10000x128xf32, #tpu.memory_space<hbm>> -> memref<10000x128xf32, #tpu.memory_space<hbm>>
      tpu.wait_indirect_dma semaphore(%arg15 : memref<!tpu.dma_semaphore, #tpu.memory_space<semaphore_mem>>) src(%dma_wait3A_183 : memref<10000x128xf32, #tpu.memory_space<hbm>>) dst(%arg12 : memref<128x128xf32, #tpu.memory_space<vmem>>)
      %add3A_184 = arith.constant 1 : i32
      %add3A_185 = arith.addi %add3A_164, %add3A_184 : i32
      %dma_start3A_186 = arith.constant 0 : i32
      %dma_start3A_187 = tpu.memref_slice %arg10[%add3A_185, %dma_start3A_186] : memref<64x128xi32, #tpu.memory_space<vmem>> -> memref<1x128xi32, #tpu.memory_space<vmem>>
      %dma_start3A_188 = tpu.memref_squeeze %dma_start3A_187 : memref<1x128xi32, #tpu.memory_space<vmem>> -> memref<128xi32, #tpu.memory_space<vmem>>
      %dma_start3A_189 = arith.constant 0 : i32
      %dma_start3A_190 = arith.constant 0 : i32
      %dma_start3A_191 = tpu.memref_slice %arg13[%dma_start3A_189, %dma_start3A_190] : memref<10240x128xf32, #tpu.memory_space<vmem_shared>> -> memref<10240x128xf32, #tpu.memory_space<vmem_shared>>
      tpu.enqueue_indirect_dma source(%arg12 : memref<128x128xf32, #tpu.memory_space<vmem>>) target(%dma_start3A_191 : memref<10240x128xf32, #tpu.memory_space<vmem_shared>>) offsets(%dma_start3A_188 : memref<128xi32, #tpu.memory_space<vmem>>) semaphore(%arg17 : memref<!tpu.dma_semaphore, #tpu.memory_space<semaphore_mem>>) {add = true}
      %dma_wait3A_192 = arith.constant 0 : i32
      %dma_wait3A_193 = tpu.memref_slice %arg10[%add3A_164, %dma_wait3A_192] : memref<64x128xi32, #tpu.memory_space<vmem>> -> memref<1x128xi32, #tpu.memory_space<vmem>>
      %dma_wait3A_194 = tpu.memref_squeeze %dma_wait3A_193 : memref<1x128xi32, #tpu.memory_space<vmem>> -> memref<128xi32, #tpu.memory_space<vmem>>
      %dma_wait3A_195 = arith.constant 0 : i32
      %dma_wait3A_196 = arith.constant 0 : i32
      %dma_wait3A_197 = tpu.memref_slice %arg13[%dma_wait3A_195, %dma_wait3A_196] : memref<10240x128xf32, #tpu.memory_space<vmem_shared>> -> memref<10240x128xf32, #tpu.memory_space<vmem_shared>>
      tpu.wait_indirect_dma semaphore(%arg16 : memref<!tpu.dma_semaphore, #tpu.memory_space<semaphore_mem>>) src(%arg11 : memref<128x128xf32, #tpu.memory_space<vmem>>) dst(%dma_wait3A_197 : memref<10240x128xf32, #tpu.memory_space<vmem_shared>>)
      %add3A_198 = arith.constant 2 : i32
      %add3A_199 = arith.addi %add3A_164, %add3A_198 : i32
      %lt3A = arith.cmpi slt, %add3A_199, %select_n3A : i32
      %convert_element_type3A_200 = arith.extui %lt3A : i1 to i32
      %cond3A_201 = arith.constant 0 : i32
      %cond3A_202 = arith.cmpi ne, %convert_element_type3A_200, %cond3A_201 : i32
      scf.if %cond3A_202 {
        %add3A_217 = arith.constant 2 : i32
        %add3A_218 = arith.addi %add3A_164, %add3A_217 : i32
        %dma_start3A_219 = arith.constant 0 : i32
        %dma_start3A_220 = tpu.memref_slice %arg9[%add3A_218, %dma_start3A_219] : memref<64x128xi32, #tpu.memory_space<vmem>> -> memref<1x128xi32, #tpu.memory_space<vmem>>
        %dma_start3A_221 = tpu.memref_squeeze %dma_start3A_220 : memref<1x128xi32, #tpu.memory_space<vmem>> -> memref<128xi32, #tpu.memory_space<vmem>>
        %dma_start3A_222 = arith.constant 0 : i32
        %dma_start3A_223 = arith.constant 0 : i32
        %dma_start3A_224 = tpu.memref_slice %arg2[%dma_start3A_222, %dma_start3A_223] : memref<10000x128xf32, #tpu.memory_space<hbm>> -> memref<10000x128xf32, #tpu.memory_space<hbm>>
        tpu.enqueue_indirect_dma source(%dma_start3A_224 : memref<10000x128xf32, #tpu.memory_space<hbm>>) target(%arg11 : memref<128x128xf32, #tpu.memory_space<vmem>>) offsets(%dma_start3A_221 : memref<128xi32, #tpu.memory_space<vmem>>) semaphore(%arg14 : memref<!tpu.dma_semaphore, #tpu.memory_space<semaphore_mem>>)
      } else {
      }
      %add3A_203 = arith.constant 1 : i32
      %add3A_204 = arith.addi %add3A_164, %add3A_203 : i32
      %dma_wait3A_205 = arith.constant 0 : i32
      %dma_wait3A_206 = tpu.memref_slice %arg10[%add3A_204, %dma_wait3A_205] : memref<64x128xi32, #tpu.memory_space<vmem>> -> memref<1x128xi32, #tpu.memory_space<vmem>>
      %dma_wait3A_207 = tpu.memref_squeeze %dma_wait3A_206 : memref<1x128xi32, #tpu.memory_space<vmem>> -> memref<128xi32, #tpu.memory_space<vmem>>
      %dma_wait3A_208 = arith.constant 0 : i32
      %dma_wait3A_209 = arith.constant 0 : i32
      %dma_wait3A_210 = tpu.memref_slice %arg13[%dma_wait3A_208, %dma_wait3A_209] : memref<10240x128xf32, #tpu.memory_space<vmem_shared>> -> memref<10240x128xf32, #tpu.memory_space<vmem_shared>>
      tpu.wait_indirect_dma semaphore(%arg17 : memref<!tpu.dma_semaphore, #tpu.memory_space<semaphore_mem>>) src(%arg12 : memref<128x128xf32, #tpu.memory_space<vmem>>) dst(%dma_wait3A_210 : memref<10240x128xf32, #tpu.memory_space<vmem_shared>>)
      %add3A_211 = arith.constant 3 : i32
      %add3A_212 = arith.addi %add3A_164, %add3A_211 : i32
      %lt3A_213 = arith.cmpi slt, %add3A_212, %select_n3A : i32
      %convert_element_type3A_214 = arith.extui %lt3A_213 : i1 to i32
      %cond3A_215 = arith.constant 0 : i32
      %cond3A_216 = arith.cmpi ne, %convert_element_type3A_214, %cond3A_215 : i32
      scf.if %cond3A_216 {
        %add3A_217 = arith.constant 3 : i32
        %add3A_218 = arith.addi %add3A_164, %add3A_217 : i32
        %dma_start3A_219 = arith.constant 0 : i32
        %dma_start3A_220 = tpu.memref_slice %arg9[%add3A_218, %dma_start3A_219] : memref<64x128xi32, #tpu.memory_space<vmem>> -> memref<1x128xi32, #tpu.memory_space<vmem>>
        %dma_start3A_221 = tpu.memref_squeeze %dma_start3A_220 : memref<1x128xi32, #tpu.memory_space<vmem>> -> memref<128xi32, #tpu.memory_space<vmem>>
        %dma_start3A_222 = arith.constant 0 : i32
        %dma_start3A_223 = arith.constant 0 : i32
        %dma_start3A_224 = tpu.memref_slice %arg2[%dma_start3A_222, %dma_start3A_223] : memref<10000x128xf32, #tpu.memory_space<hbm>> -> memref<10000x128xf32, #tpu.memory_space<hbm>>
        tpu.enqueue_indirect_dma source(%dma_start3A_224 : memref<10000x128xf32, #tpu.memory_space<hbm>>) target(%arg12 : memref<128x128xf32, #tpu.memory_space<vmem>>) offsets(%dma_start3A_221 : memref<128xi32, #tpu.memory_space<vmem>>) semaphore(%arg15 : memref<!tpu.dma_semaphore, #tpu.memory_space<semaphore_mem>>)
      } else {
      }
    }
    %barrier3A_57 = arith.constant 0 : index
    tpu.barrier barrier_id(%barrier3A_57)
    %mul3A_58 = arith.constant 640 : i32
    %mul3A_59 = arith.muli %arg1, %mul3A_58 : i32
    %run_scoped3A = arith.constant 0 : i32
    "tpu.region"() ({
      %run_scoped3A_162 = tpu.sem_alloc : memref<!tpu.dma_semaphore, #tpu.memory_space<semaphore_mem>>
      %dma_start3A_163 = arith.constant 0 : i32
      %dma_start3A_164 = tpu.memref_slice %arg8[%arg0, %run_scoped3A, %mul3A_59, %dma_start3A_163] : memref<2x3x10240x128xf32, #tpu.memory_space<hbm>> -> memref<1x1x640x128xf32, #tpu.memory_space<hbm>>
      %dma_start3A_165 = tpu.memref_squeeze %dma_start3A_164 : memref<1x1x640x128xf32, #tpu.memory_space<hbm>> -> memref<640x128xf32, #tpu.memory_space<hbm>>
      %dma_start3A_166 = arith.constant 0 : i32
      %dma_start3A_167 = tpu.memref_slice %arg13[%mul3A_59, %dma_start3A_166] : memref<10240x128xf32, #tpu.memory_space<vmem_shared>> -> memref<640x128xf32, #tpu.memory_space<vmem_shared>>
      tpu.enqueue_dma source(%dma_start3A_167 : memref<640x128xf32, #tpu.memory_space<vmem_shared>>) target(%dma_start3A_165 : memref<640x128xf32, #tpu.memory_space<hbm>>) target_semaphore(%run_scoped3A_162 : memref<!tpu.dma_semaphore, #tpu.memory_space<semaphore_mem>>)
      %dma_wait3A = arith.constant 0 : i32
      %dma_wait3A_168 = tpu.memref_slice %arg8[%arg0, %run_scoped3A, %mul3A_59, %dma_wait3A] : memref<2x3x10240x128xf32, #tpu.memory_space<hbm>> -> memref<1x1x640x128xf32, #tpu.memory_space<hbm>>
      %dma_wait3A_169 = tpu.memref_squeeze %dma_wait3A_168 : memref<1x1x640x128xf32, #tpu.memory_space<hbm>> -> memref<640x128xf32, #tpu.memory_space<hbm>>
      %dma_wait3A_170 = arith.constant 0 : i32
      %dma_wait3A_171 = tpu.memref_slice %arg13[%mul3A_59, %dma_wait3A_170] : memref<10240x128xf32, #tpu.memory_space<vmem_shared>> -> memref<640x128xf32, #tpu.memory_space<vmem_shared>>
      tpu.wait_dma2 semaphore(%run_scoped3A_162 : memref<!tpu.dma_semaphore, #tpu.memory_space<semaphore_mem>>) src(%dma_wait3A_171 : memref<640x128xf32, #tpu.memory_space<vmem_shared>>) dst(%dma_wait3A_169 : memref<640x128xf32, #tpu.memory_space<hbm>>)
      tpu.yield
    }) : () -> ()
    "tpu.region"() ({
      %run_scoped3A_162 = tpu.sem_alloc : memref<!tpu.dma_semaphore, #tpu.memory_space<semaphore_mem>>
      tpu.enqueue_dma source(%arg6 : memref<128x128xf32, #tpu.memory_space<hbm>>) target(%arg11 : memref<128x128xf32, #tpu.memory_space<vmem>>) target_semaphore(%run_scoped3A_162 : memref<!tpu.dma_semaphore, #tpu.memory_space<semaphore_mem>>)
      tpu.wait_dma2 semaphore(%run_scoped3A_162 : memref<!tpu.dma_semaphore, #tpu.memory_space<semaphore_mem>>) src(%arg6 : memref<128x128xf32, #tpu.memory_space<hbm>>) dst(%arg11 : memref<128x128xf32, #tpu.memory_space<vmem>>)
      tpu.yield
    }) : () -> ()
    %mul3A_60 = arith.constant 640 : i32
    %mul3A_61 = arith.muli %arg1, %mul3A_60 : i32
    %add3A_62 = arith.constant 0 : i32
    %add3A_63 = arith.addi %mul3A_61, %add3A_62 : i32
    "tpu.region"() ({
      %run_scoped3A_162 = tpu.sem_alloc : memref<!tpu.dma_semaphore, #tpu.memory_space<semaphore_mem>>
      %dma_start3A_163 = arith.constant 0 : i32
      %dma_start3A_164 = tpu.memref_slice %arg13[%add3A_63, %dma_start3A_163] : memref<10240x128xf32, #tpu.memory_space<vmem_shared>> -> memref<128x128xf32, #tpu.memory_space<vmem_shared>>
      %dma_start3A_165 = arith.constant 0 : i32
      %dma_start3A_166 = tpu.memref_slice %arg13[%add3A_63, %dma_start3A_165] : memref<10240x128xf32, #tpu.memory_space<vmem_shared>> -> memref<128x128xf32, #tpu.memory_space<vmem_shared>>
      tpu.enqueue_dma source(%arg11 : memref<128x128xf32, #tpu.memory_space<vmem>>) target(%dma_start3A_166 : memref<128x128xf32, #tpu.memory_space<vmem_shared>>) target_semaphore(%run_scoped3A_162 : memref<!tpu.dma_semaphore, #tpu.memory_space<semaphore_mem>>)
      %dma_wait3A = arith.constant 0 : i32
      %dma_wait3A_167 = tpu.memref_slice %arg13[%add3A_63, %dma_wait3A] : memref<10240x128xf32, #tpu.memory_space<vmem_shared>> -> memref<128x128xf32, #tpu.memory_space<vmem_shared>>
      %dma_wait3A_168 = arith.constant 0 : i32
      %dma_wait3A_169 = tpu.memref_slice %arg13[%add3A_63, %dma_wait3A_168] : memref<10240x128xf32, #tpu.memory_space<vmem_shared>> -> memref<128x128xf32, #tpu.memory_space<vmem_shared>>
      tpu.wait_dma2 semaphore(%run_scoped3A_162 : memref<!tpu.dma_semaphore, #tpu.memory_space<semaphore_mem>>) src(%arg11 : memref<128x128xf32, #tpu.memory_space<vmem>>) dst(%dma_wait3A_169 : memref<128x128xf32, #tpu.memory_space<vmem_shared>>)
      tpu.yield
    }) : () -> ()
    %mul3A_64 = arith.constant 640 : i32
    %mul3A_65 = arith.muli %arg1, %mul3A_64 : i32
    %add3A_66 = arith.constant 128 : i32
    %add3A_67 = arith.addi %mul3A_65, %add3A_66 : i32
    "tpu.region"() ({
      %run_scoped3A_162 = tpu.sem_alloc : memref<!tpu.dma_semaphore, #tpu.memory_space<semaphore_mem>>
      %dma_start3A_163 = arith.constant 0 : i32
      %dma_start3A_164 = tpu.memref_slice %arg13[%add3A_67, %dma_start3A_163] : memref<10240x128xf32, #tpu.memory_space<vmem_shared>> -> memref<128x128xf32, #tpu.memory_space<vmem_shared>>
      %dma_start3A_165 = arith.constant 0 : i32
      %dma_start3A_166 = tpu.memref_slice %arg13[%add3A_67, %dma_start3A_165] : memref<10240x128xf32, #tpu.memory_space<vmem_shared>> -> memref<128x128xf32, #tpu.memory_space<vmem_shared>>
      tpu.enqueue_dma source(%arg11 : memref<128x128xf32, #tpu.memory_space<vmem>>) target(%dma_start3A_166 : memref<128x128xf32, #tpu.memory_space<vmem_shared>>) target_semaphore(%run_scoped3A_162 : memref<!tpu.dma_semaphore, #tpu.memory_space<semaphore_mem>>)
      %dma_wait3A = arith.constant 0 : i32
      %dma_wait3A_167 = tpu.memref_slice %arg13[%add3A_67, %dma_wait3A] : memref<10240x128xf32, #tpu.memory_space<vmem_shared>> -> memref<128x128xf32, #tpu.memory_space<vmem_shared>>
      %dma_wait3A_168 = arith.constant 0 : i32
      %dma_wait3A_169 = tpu.memref_slice %arg13[%add3A_67, %dma_wait3A_168] : memref<10240x128xf32, #tpu.memory_space<vmem_shared>> -> memref<128x128xf32, #tpu.memory_space<vmem_shared>>
      tpu.wait_dma2 semaphore(%run_scoped3A_162 : memref<!tpu.dma_semaphore, #tpu.memory_space<semaphore_mem>>) src(%arg11 : memref<128x128xf32, #tpu.memory_space<vmem>>) dst(%dma_wait3A_169 : memref<128x128xf32, #tpu.memory_space<vmem_shared>>)
      tpu.yield
    }) : () -> ()
    %mul3A_68 = arith.constant 640 : i32
    %mul3A_69 = arith.muli %arg1, %mul3A_68 : i32
    %add3A_70 = arith.constant 256 : i32
    %add3A_71 = arith.addi %mul3A_69, %add3A_70 : i32
    "tpu.region"() ({
      %run_scoped3A_162 = tpu.sem_alloc : memref<!tpu.dma_semaphore, #tpu.memory_space<semaphore_mem>>
      %dma_start3A_163 = arith.constant 0 : i32
      %dma_start3A_164 = tpu.memref_slice %arg13[%add3A_71, %dma_start3A_163] : memref<10240x128xf32, #tpu.memory_space<vmem_shared>> -> memref<128x128xf32, #tpu.memory_space<vmem_shared>>
      %dma_start3A_165 = arith.constant 0 : i32
      %dma_start3A_166 = tpu.memref_slice %arg13[%add3A_71, %dma_start3A_165] : memref<10240x128xf32, #tpu.memory_space<vmem_shared>> -> memref<128x128xf32, #tpu.memory_space<vmem_shared>>
      tpu.enqueue_dma source(%arg11 : memref<128x128xf32, #tpu.memory_space<vmem>>) target(%dma_start3A_166 : memref<128x128xf32, #tpu.memory_space<vmem_shared>>) target_semaphore(%run_scoped3A_162 : memref<!tpu.dma_semaphore, #tpu.memory_space<semaphore_mem>>)
      %dma_wait3A = arith.constant 0 : i32
      %dma_wait3A_167 = tpu.memref_slice %arg13[%add3A_71, %dma_wait3A] : memref<10240x128xf32, #tpu.memory_space<vmem_shared>> -> memref<128x128xf32, #tpu.memory_space<vmem_shared>>
      %dma_wait3A_168 = arith.constant 0 : i32
      %dma_wait3A_169 = tpu.memref_slice %arg13[%add3A_71, %dma_wait3A_168] : memref<10240x128xf32, #tpu.memory_space<vmem_shared>> -> memref<128x128xf32, #tpu.memory_space<vmem_shared>>
      tpu.wait_dma2 semaphore(%run_scoped3A_162 : memref<!tpu.dma_semaphore, #tpu.memory_space<semaphore_mem>>) src(%arg11 : memref<128x128xf32, #tpu.memory_space<vmem>>) dst(%dma_wait3A_169 : memref<128x128xf32, #tpu.memory_space<vmem_shared>>)
      tpu.yield
    }) : () -> ()
    %mul3A_72 = arith.constant 640 : i32
    %mul3A_73 = arith.muli %arg1, %mul3A_72 : i32
    %add3A_74 = arith.constant 384 : i32
    %add3A_75 = arith.addi %mul3A_73, %add3A_74 : i32
    "tpu.region"() ({
      %run_scoped3A_162 = tpu.sem_alloc : memref<!tpu.dma_semaphore, #tpu.memory_space<semaphore_mem>>
      %dma_start3A_163 = arith.constant 0 : i32
      %dma_start3A_164 = tpu.memref_slice %arg13[%add3A_75, %dma_start3A_163] : memref<10240x128xf32, #tpu.memory_space<vmem_shared>> -> memref<128x128xf32, #tpu.memory_space<vmem_shared>>
      %dma_start3A_165 = arith.constant 0 : i32
      %dma_start3A_166 = tpu.memref_slice %arg13[%add3A_75, %dma_start3A_165] : memref<10240x128xf32, #tpu.memory_space<vmem_shared>> -> memref<128x128xf32, #tpu.memory_space<vmem_shared>>
      tpu.enqueue_dma source(%arg11 : memref<128x128xf32, #tpu.memory_space<vmem>>) target(%dma_start3A_166 : memref<128x128xf32, #tpu.memory_space<vmem_shared>>) target_semaphore(%run_scoped3A_162 : memref<!tpu.dma_semaphore, #tpu.memory_space<semaphore_mem>>)
      %dma_wait3A = arith.constant 0 : i32
      %dma_wait3A_167 = tpu.memref_slice %arg13[%add3A_75, %dma_wait3A] : memref<10240x128xf32, #tpu.memory_space<vmem_shared>> -> memref<128x128xf32, #tpu.memory_space<vmem_shared>>
      %dma_wait3A_168 = arith.constant 0 : i32
      %dma_wait3A_169 = tpu.memref_slice %arg13[%add3A_75, %dma_wait3A_168] : memref<10240x128xf32, #tpu.memory_space<vmem_shared>> -> memref<128x128xf32, #tpu.memory_space<vmem_shared>>
      tpu.wait_dma2 semaphore(%run_scoped3A_162 : memref<!tpu.dma_semaphore, #tpu.memory_space<semaphore_mem>>) src(%arg11 : memref<128x128xf32, #tpu.memory_space<vmem>>) dst(%dma_wait3A_169 : memref<128x128xf32, #tpu.memory_space<vmem_shared>>)
      tpu.yield
    }) : () -> ()
    %mul3A_76 = arith.constant 640 : i32
    %mul3A_77 = arith.muli %arg1, %mul3A_76 : i32
    %add3A_78 = arith.constant 512 : i32
    %add3A_79 = arith.addi %mul3A_77, %add3A_78 : i32
    "tpu.region"() ({
      %run_scoped3A_162 = tpu.sem_alloc : memref<!tpu.dma_semaphore, #tpu.memory_space<semaphore_mem>>
      %dma_start3A_163 = arith.constant 0 : i32
      %dma_start3A_164 = tpu.memref_slice %arg13[%add3A_79, %dma_start3A_163] : memref<10240x128xf32, #tpu.memory_space<vmem_shared>> -> memref<128x128xf32, #tpu.memory_space<vmem_shared>>
      %dma_start3A_165 = arith.constant 0 : i32
      %dma_start3A_166 = tpu.memref_slice %arg13[%add3A_79, %dma_start3A_165] : memref<10240x128xf32, #tpu.memory_space<vmem_shared>> -> memref<128x128xf32, #tpu.memory_space<vmem_shared>>
      tpu.enqueue_dma source(%arg11 : memref<128x128xf32, #tpu.memory_space<vmem>>) target(%dma_start3A_166 : memref<128x128xf32, #tpu.memory_space<vmem_shared>>) target_semaphore(%run_scoped3A_162 : memref<!tpu.dma_semaphore, #tpu.memory_space<semaphore_mem>>)
      %dma_wait3A = arith.constant 0 : i32
      %dma_wait3A_167 = tpu.memref_slice %arg13[%add3A_79, %dma_wait3A] : memref<10240x128xf32, #tpu.memory_space<vmem_shared>> -> memref<128x128xf32, #tpu.memory_space<vmem_shared>>
      %dma_wait3A_168 = arith.constant 0 : i32
      %dma_wait3A_169 = tpu.memref_slice %arg13[%add3A_79, %dma_wait3A_168] : memref<10240x128xf32, #tpu.memory_space<vmem_shared>> -> memref<128x128xf32, #tpu.memory_space<vmem_shared>>
      tpu.wait_dma2 semaphore(%run_scoped3A_162 : memref<!tpu.dma_semaphore, #tpu.memory_space<semaphore_mem>>) src(%arg11 : memref<128x128xf32, #tpu.memory_space<vmem>>) dst(%dma_wait3A_169 : memref<128x128xf32, #tpu.memory_space<vmem_shared>>)
      tpu.yield
    }) : () -> ()
    %barrier3A_80 = arith.constant 0 : index
    tpu.barrier barrier_id(%barrier3A_80)
    %dma_start3A_81 = arith.constant 0 : i32
    %dma_start3A_82 = arith.constant 0 : i32
    %dma_start3A_83 = tpu.memref_slice %arg9[%dma_start3A_81, %dma_start3A_82] : memref<64x128xi32, #tpu.memory_space<vmem>> -> memref<1x128xi32, #tpu.memory_space<vmem>>
    %dma_start3A_84 = tpu.memref_squeeze %dma_start3A_83 : memref<1x128xi32, #tpu.memory_space<vmem>> -> memref<128xi32, #tpu.memory_space<vmem>>
    %dma_start3A_85 = arith.constant 0 : i32
    %dma_start3A_86 = arith.constant 0 : i32
    %dma_start3A_87 = tpu.memref_slice %arg3[%dma_start3A_85, %dma_start3A_86] : memref<10000x128xf32, #tpu.memory_space<hbm>> -> memref<10000x128xf32, #tpu.memory_space<hbm>>
    tpu.enqueue_indirect_dma source(%dma_start3A_87 : memref<10000x128xf32, #tpu.memory_space<hbm>>) target(%arg11 : memref<128x128xf32, #tpu.memory_space<vmem>>) offsets(%dma_start3A_84 : memref<128xi32, #tpu.memory_space<vmem>>) semaphore(%arg14 : memref<!tpu.dma_semaphore, #tpu.memory_space<semaphore_mem>>)
    %dma_start3A_88 = arith.constant 1 : i32
    %dma_start3A_89 = arith.constant 0 : i32
    %dma_start3A_90 = tpu.memref_slice %arg9[%dma_start3A_88, %dma_start3A_89] : memref<64x128xi32, #tpu.memory_space<vmem>> -> memref<1x128xi32, #tpu.memory_space<vmem>>
    %dma_start3A_91 = tpu.memref_squeeze %dma_start3A_90 : memref<1x128xi32, #tpu.memory_space<vmem>> -> memref<128xi32, #tpu.memory_space<vmem>>
    %dma_start3A_92 = arith.constant 0 : i32
    %dma_start3A_93 = arith.constant 0 : i32
    %dma_start3A_94 = tpu.memref_slice %arg3[%dma_start3A_92, %dma_start3A_93] : memref<10000x128xf32, #tpu.memory_space<hbm>> -> memref<10000x128xf32, #tpu.memory_space<hbm>>
    tpu.enqueue_indirect_dma source(%dma_start3A_94 : memref<10000x128xf32, #tpu.memory_space<hbm>>) target(%arg12 : memref<128x128xf32, #tpu.memory_space<vmem>>) offsets(%dma_start3A_91 : memref<128xi32, #tpu.memory_space<vmem>>) semaphore(%arg15 : memref<!tpu.dma_semaphore, #tpu.memory_space<semaphore_mem>>)
    %sub3A_95 = arith.constant 0 : i32
    %sub3A_96 = arith.subi %select_n3A, %sub3A_95 : i32
    %sub3A_97 = arith.constant 2 : i32
    %sub3A_98 = arith.constant 1 : i32
    %sub3A_99 = arith.subi %sub3A_97, %sub3A_98 : i32
    %add3A_100 = arith.addi %sub3A_96, %sub3A_99 : i32
    %div3A_101 = arith.constant 2 : i32
    %div3A_102 = arith.divsi %add3A_100, %div3A_101 : i32
    %while3A_103 = arith.constant 2 : i32
    %while3A_104 = arith.constant 0 : i32
    %while3A_105 = arith.constant 0 : i32
    %while3A_106 = arith.subi %div3A_102, %while3A_105 : i32
    %while3A_107 = arith.addi %while3A_105, %while3A_106 : i32
    %while3A_108 = arith.constant 1 : i32
    %while3A_109 = arith.divsi %while3A_106, %while3A_108 : i32
    %while3A_110 = arith.muli %while3A_109, %while3A_108 : i32
    %while3A_111 = arith.addi %while3A_105, %while3A_110 : i32
    %while3A_112 = arith.constant 1 : i32
    scf.for %while3A_162 = %while3A_105 to %while3A_111 step %while3A_112  : i32 {
      %mul3A_163 = arith.muli %while3A_162, %while3A_103 : i32
      %add3A_164 = arith.addi %while3A_104, %mul3A_163 : i32
      %dma_wait3A = arith.constant 0 : i32
      %dma_wait3A_165 = tpu.memref_slice %arg9[%add3A_164, %dma_wait3A] : memref<64x128xi32, #tpu.memory_space<vmem>> -> memref<1x128xi32, #tpu.memory_space<vmem>>
      %dma_wait3A_166 = tpu.memref_squeeze %dma_wait3A_165 : memref<1x128xi32, #tpu.memory_space<vmem>> -> memref<128xi32, #tpu.memory_space<vmem>>
      %dma_wait3A_167 = arith.constant 0 : i32
      %dma_wait3A_168 = arith.constant 0 : i32
      %dma_wait3A_169 = tpu.memref_slice %arg3[%dma_wait3A_167, %dma_wait3A_168] : memref<10000x128xf32, #tpu.memory_space<hbm>> -> memref<10000x128xf32, #tpu.memory_space<hbm>>
      tpu.wait_indirect_dma semaphore(%arg14 : memref<!tpu.dma_semaphore, #tpu.memory_space<semaphore_mem>>) src(%dma_wait3A_169 : memref<10000x128xf32, #tpu.memory_space<hbm>>) dst(%arg11 : memref<128x128xf32, #tpu.memory_space<vmem>>)
      %dma_start3A_170 = arith.constant 0 : i32
      %dma_start3A_171 = tpu.memref_slice %arg10[%add3A_164, %dma_start3A_170] : memref<64x128xi32, #tpu.memory_space<vmem>> -> memref<1x128xi32, #tpu.memory_space<vmem>>
      %dma_start3A_172 = tpu.memref_squeeze %dma_start3A_171 : memref<1x128xi32, #tpu.memory_space<vmem>> -> memref<128xi32, #tpu.memory_space<vmem>>
      %dma_start3A_173 = arith.constant 0 : i32
      %dma_start3A_174 = arith.constant 0 : i32
      %dma_start3A_175 = tpu.memref_slice %arg13[%dma_start3A_173, %dma_start3A_174] : memref<10240x128xf32, #tpu.memory_space<vmem_shared>> -> memref<10240x128xf32, #tpu.memory_space<vmem_shared>>
      tpu.enqueue_indirect_dma source(%arg11 : memref<128x128xf32, #tpu.memory_space<vmem>>) target(%dma_start3A_175 : memref<10240x128xf32, #tpu.memory_space<vmem_shared>>) offsets(%dma_start3A_172 : memref<128xi32, #tpu.memory_space<vmem>>) semaphore(%arg16 : memref<!tpu.dma_semaphore, #tpu.memory_space<semaphore_mem>>) {add = true}
      %add3A_176 = arith.constant 1 : i32
      %add3A_177 = arith.addi %add3A_164, %add3A_176 : i32
      %dma_wait3A_178 = arith.constant 0 : i32
      %dma_wait3A_179 = tpu.memref_slice %arg9[%add3A_177, %dma_wait3A_178] : memref<64x128xi32, #tpu.memory_space<vmem>> -> memref<1x128xi32, #tpu.memory_space<vmem>>
      %dma_wait3A_180 = tpu.memref_squeeze %dma_wait3A_179 : memref<1x128xi32, #tpu.memory_space<vmem>> -> memref<128xi32, #tpu.memory_space<vmem>>
      %dma_wait3A_181 = arith.constant 0 : i32
      %dma_wait3A_182 = arith.constant 0 : i32
      %dma_wait3A_183 = tpu.memref_slice %arg3[%dma_wait3A_181, %dma_wait3A_182] : memref<10000x128xf32, #tpu.memory_space<hbm>> -> memref<10000x128xf32, #tpu.memory_space<hbm>>
      tpu.wait_indirect_dma semaphore(%arg15 : memref<!tpu.dma_semaphore, #tpu.memory_space<semaphore_mem>>) src(%dma_wait3A_183 : memref<10000x128xf32, #tpu.memory_space<hbm>>) dst(%arg12 : memref<128x128xf32, #tpu.memory_space<vmem>>)
      %add3A_184 = arith.constant 1 : i32
      %add3A_185 = arith.addi %add3A_164, %add3A_184 : i32
      %dma_start3A_186 = arith.constant 0 : i32
      %dma_start3A_187 = tpu.memref_slice %arg10[%add3A_185, %dma_start3A_186] : memref<64x128xi32, #tpu.memory_space<vmem>> -> memref<1x128xi32, #tpu.memory_space<vmem>>
      %dma_start3A_188 = tpu.memref_squeeze %dma_start3A_187 : memref<1x128xi32, #tpu.memory_space<vmem>> -> memref<128xi32, #tpu.memory_space<vmem>>
      %dma_start3A_189 = arith.constant 0 : i32
      %dma_start3A_190 = arith.constant 0 : i32
      %dma_start3A_191 = tpu.memref_slice %arg13[%dma_start3A_189, %dma_start3A_190] : memref<10240x128xf32, #tpu.memory_space<vmem_shared>> -> memref<10240x128xf32, #tpu.memory_space<vmem_shared>>
      tpu.enqueue_indirect_dma source(%arg12 : memref<128x128xf32, #tpu.memory_space<vmem>>) target(%dma_start3A_191 : memref<10240x128xf32, #tpu.memory_space<vmem_shared>>) offsets(%dma_start3A_188 : memref<128xi32, #tpu.memory_space<vmem>>) semaphore(%arg17 : memref<!tpu.dma_semaphore, #tpu.memory_space<semaphore_mem>>) {add = true}
      %dma_wait3A_192 = arith.constant 0 : i32
      %dma_wait3A_193 = tpu.memref_slice %arg10[%add3A_164, %dma_wait3A_192] : memref<64x128xi32, #tpu.memory_space<vmem>> -> memref<1x128xi32, #tpu.memory_space<vmem>>
      %dma_wait3A_194 = tpu.memref_squeeze %dma_wait3A_193 : memref<1x128xi32, #tpu.memory_space<vmem>> -> memref<128xi32, #tpu.memory_space<vmem>>
      %dma_wait3A_195 = arith.constant 0 : i32
      %dma_wait3A_196 = arith.constant 0 : i32
      %dma_wait3A_197 = tpu.memref_slice %arg13[%dma_wait3A_195, %dma_wait3A_196] : memref<10240x128xf32, #tpu.memory_space<vmem_shared>> -> memref<10240x128xf32, #tpu.memory_space<vmem_shared>>
      tpu.wait_indirect_dma semaphore(%arg16 : memref<!tpu.dma_semaphore, #tpu.memory_space<semaphore_mem>>) src(%arg11 : memref<128x128xf32, #tpu.memory_space<vmem>>) dst(%dma_wait3A_197 : memref<10240x128xf32, #tpu.memory_space<vmem_shared>>)
      %add3A_198 = arith.constant 2 : i32
      %add3A_199 = arith.addi %add3A_164, %add3A_198 : i32
      %lt3A = arith.cmpi slt, %add3A_199, %select_n3A : i32
      %convert_element_type3A_200 = arith.extui %lt3A : i1 to i32
      %cond3A_201 = arith.constant 0 : i32
      %cond3A_202 = arith.cmpi ne, %convert_element_type3A_200, %cond3A_201 : i32
      scf.if %cond3A_202 {
        %add3A_217 = arith.constant 2 : i32
        %add3A_218 = arith.addi %add3A_164, %add3A_217 : i32
        %dma_start3A_219 = arith.constant 0 : i32
        %dma_start3A_220 = tpu.memref_slice %arg9[%add3A_218, %dma_start3A_219] : memref<64x128xi32, #tpu.memory_space<vmem>> -> memref<1x128xi32, #tpu.memory_space<vmem>>
        %dma_start3A_221 = tpu.memref_squeeze %dma_start3A_220 : memref<1x128xi32, #tpu.memory_space<vmem>> -> memref<128xi32, #tpu.memory_space<vmem>>
        %dma_start3A_222 = arith.constant 0 : i32
        %dma_start3A_223 = arith.constant 0 : i32
        %dma_start3A_224 = tpu.memref_slice %arg3[%dma_start3A_222, %dma_start3A_223] : memref<10000x128xf32, #tpu.memory_space<hbm>> -> memref<10000x128xf32, #tpu.memory_space<hbm>>
        tpu.enqueue_indirect_dma source(%dma_start3A_224 : memref<10000x128xf32, #tpu.memory_space<hbm>>) target(%arg11 : memref<128x128xf32, #tpu.memory_space<vmem>>) offsets(%dma_start3A_221 : memref<128xi32, #tpu.memory_space<vmem>>) semaphore(%arg14 : memref<!tpu.dma_semaphore, #tpu.memory_space<semaphore_mem>>)
      } else {
      }
      %add3A_203 = arith.constant 1 : i32
      %add3A_204 = arith.addi %add3A_164, %add3A_203 : i32
      %dma_wait3A_205 = arith.constant 0 : i32
      %dma_wait3A_206 = tpu.memref_slice %arg10[%add3A_204, %dma_wait3A_205] : memref<64x128xi32, #tpu.memory_space<vmem>> -> memref<1x128xi32, #tpu.memory_space<vmem>>
      %dma_wait3A_207 = tpu.memref_squeeze %dma_wait3A_206 : memref<1x128xi32, #tpu.memory_space<vmem>> -> memref<128xi32, #tpu.memory_space<vmem>>
      %dma_wait3A_208 = arith.constant 0 : i32
      %dma_wait3A_209 = arith.constant 0 : i32
      %dma_wait3A_210 = tpu.memref_slice %arg13[%dma_wait3A_208, %dma_wait3A_209] : memref<10240x128xf32, #tpu.memory_space<vmem_shared>> -> memref<10240x128xf32, #tpu.memory_space<vmem_shared>>
      tpu.wait_indirect_dma semaphore(%arg17 : memref<!tpu.dma_semaphore, #tpu.memory_space<semaphore_mem>>) src(%arg12 : memref<128x128xf32, #tpu.memory_space<vmem>>) dst(%dma_wait3A_210 : memref<10240x128xf32, #tpu.memory_space<vmem_shared>>)
      %add3A_211 = arith.constant 3 : i32
      %add3A_212 = arith.addi %add3A_164, %add3A_211 : i32
      %lt3A_213 = arith.cmpi slt, %add3A_212, %select_n3A : i32
      %convert_element_type3A_214 = arith.extui %lt3A_213 : i1 to i32
      %cond3A_215 = arith.constant 0 : i32
      %cond3A_216 = arith.cmpi ne, %convert_element_type3A_214, %cond3A_215 : i32
      scf.if %cond3A_216 {
        %add3A_217 = arith.constant 3 : i32
        %add3A_218 = arith.addi %add3A_164, %add3A_217 : i32
        %dma_start3A_219 = arith.constant 0 : i32
        %dma_start3A_220 = tpu.memref_slice %arg9[%add3A_218, %dma_start3A_219] : memref<64x128xi32, #tpu.memory_space<vmem>> -> memref<1x128xi32, #tpu.memory_space<vmem>>
        %dma_start3A_221 = tpu.memref_squeeze %dma_start3A_220 : memref<1x128xi32, #tpu.memory_space<vmem>> -> memref<128xi32, #tpu.memory_space<vmem>>
        %dma_start3A_222 = arith.constant 0 : i32
        %dma_start3A_223 = arith.constant 0 : i32
        %dma_start3A_224 = tpu.memref_slice %arg3[%dma_start3A_222, %dma_start3A_223] : memref<10000x128xf32, #tpu.memory_space<hbm>> -> memref<10000x128xf32, #tpu.memory_space<hbm>>
        tpu.enqueue_indirect_dma source(%dma_start3A_224 : memref<10000x128xf32, #tpu.memory_space<hbm>>) target(%arg12 : memref<128x128xf32, #tpu.memory_space<vmem>>) offsets(%dma_start3A_221 : memref<128xi32, #tpu.memory_space<vmem>>) semaphore(%arg15 : memref<!tpu.dma_semaphore, #tpu.memory_space<semaphore_mem>>)
      } else {
      }
    }
    %while3A_113 = arith.constant 1 : i32
    scf.for %while3A_162 = %while3A_111 to %while3A_107 step %while3A_113  : i32 {
      %mul3A_163 = arith.muli %while3A_162, %while3A_103 : i32
      %add3A_164 = arith.addi %while3A_104, %mul3A_163 : i32
      %dma_wait3A = arith.constant 0 : i32
      %dma_wait3A_165 = tpu.memref_slice %arg9[%add3A_164, %dma_wait3A] : memref<64x128xi32, #tpu.memory_space<vmem>> -> memref<1x128xi32, #tpu.memory_space<vmem>>
      %dma_wait3A_166 = tpu.memref_squeeze %dma_wait3A_165 : memref<1x128xi32, #tpu.memory_space<vmem>> -> memref<128xi32, #tpu.memory_space<vmem>>
      %dma_wait3A_167 = arith.constant 0 : i32
      %dma_wait3A_168 = arith.constant 0 : i32
      %dma_wait3A_169 = tpu.memref_slice %arg3[%dma_wait3A_167, %dma_wait3A_168] : memref<10000x128xf32, #tpu.memory_space<hbm>> -> memref<10000x128xf32, #tpu.memory_space<hbm>>
      tpu.wait_indirect_dma semaphore(%arg14 : memref<!tpu.dma_semaphore, #tpu.memory_space<semaphore_mem>>) src(%dma_wait3A_169 : memref<10000x128xf32, #tpu.memory_space<hbm>>) dst(%arg11 : memref<128x128xf32, #tpu.memory_space<vmem>>)
      %dma_start3A_170 = arith.constant 0 : i32
      %dma_start3A_171 = tpu.memref_slice %arg10[%add3A_164, %dma_start3A_170] : memref<64x128xi32, #tpu.memory_space<vmem>> -> memref<1x128xi32, #tpu.memory_space<vmem>>
      %dma_start3A_172 = tpu.memref_squeeze %dma_start3A_171 : memref<1x128xi32, #tpu.memory_space<vmem>> -> memref<128xi32, #tpu.memory_space<vmem>>
      %dma_start3A_173 = arith.constant 0 : i32
      %dma_start3A_174 = arith.constant 0 : i32
      %dma_start3A_175 = tpu.memref_slice %arg13[%dma_start3A_173, %dma_start3A_174] : memref<10240x128xf32, #tpu.memory_space<vmem_shared>> -> memref<10240x128xf32, #tpu.memory_space<vmem_shared>>
      tpu.enqueue_indirect_dma source(%arg11 : memref<128x128xf32, #tpu.memory_space<vmem>>) target(%dma_start3A_175 : memref<10240x128xf32, #tpu.memory_space<vmem_shared>>) offsets(%dma_start3A_172 : memref<128xi32, #tpu.memory_space<vmem>>) semaphore(%arg16 : memref<!tpu.dma_semaphore, #tpu.memory_space<semaphore_mem>>) {add = true}
      %add3A_176 = arith.constant 1 : i32
      %add3A_177 = arith.addi %add3A_164, %add3A_176 : i32
      %dma_wait3A_178 = arith.constant 0 : i32
      %dma_wait3A_179 = tpu.memref_slice %arg9[%add3A_177, %dma_wait3A_178] : memref<64x128xi32, #tpu.memory_space<vmem>> -> memref<1x128xi32, #tpu.memory_space<vmem>>
      %dma_wait3A_180 = tpu.memref_squeeze %dma_wait3A_179 : memref<1x128xi32, #tpu.memory_space<vmem>> -> memref<128xi32, #tpu.memory_space<vmem>>
      %dma_wait3A_181 = arith.constant 0 : i32
      %dma_wait3A_182 = arith.constant 0 : i32
      %dma_wait3A_183 = tpu.memref_slice %arg3[%dma_wait3A_181, %dma_wait3A_182] : memref<10000x128xf32, #tpu.memory_space<hbm>> -> memref<10000x128xf32, #tpu.memory_space<hbm>>
      tpu.wait_indirect_dma semaphore(%arg15 : memref<!tpu.dma_semaphore, #tpu.memory_space<semaphore_mem>>) src(%dma_wait3A_183 : memref<10000x128xf32, #tpu.memory_space<hbm>>) dst(%arg12 : memref<128x128xf32, #tpu.memory_space<vmem>>)
      %add3A_184 = arith.constant 1 : i32
      %add3A_185 = arith.addi %add3A_164, %add3A_184 : i32
      %dma_start3A_186 = arith.constant 0 : i32
      %dma_start3A_187 = tpu.memref_slice %arg10[%add3A_185, %dma_start3A_186] : memref<64x128xi32, #tpu.memory_space<vmem>> -> memref<1x128xi32, #tpu.memory_space<vmem>>
      %dma_start3A_188 = tpu.memref_squeeze %dma_start3A_187 : memref<1x128xi32, #tpu.memory_space<vmem>> -> memref<128xi32, #tpu.memory_space<vmem>>
      %dma_start3A_189 = arith.constant 0 : i32
      %dma_start3A_190 = arith.constant 0 : i32
      %dma_start3A_191 = tpu.memref_slice %arg13[%dma_start3A_189, %dma_start3A_190] : memref<10240x128xf32, #tpu.memory_space<vmem_shared>> -> memref<10240x128xf32, #tpu.memory_space<vmem_shared>>
      tpu.enqueue_indirect_dma source(%arg12 : memref<128x128xf32, #tpu.memory_space<vmem>>) target(%dma_start3A_191 : memref<10240x128xf32, #tpu.memory_space<vmem_shared>>) offsets(%dma_start3A_188 : memref<128xi32, #tpu.memory_space<vmem>>) semaphore(%arg17 : memref<!tpu.dma_semaphore, #tpu.memory_space<semaphore_mem>>) {add = true}
      %dma_wait3A_192 = arith.constant 0 : i32
      %dma_wait3A_193 = tpu.memref_slice %arg10[%add3A_164, %dma_wait3A_192] : memref<64x128xi32, #tpu.memory_space<vmem>> -> memref<1x128xi32, #tpu.memory_space<vmem>>
      %dma_wait3A_194 = tpu.memref_squeeze %dma_wait3A_193 : memref<1x128xi32, #tpu.memory_space<vmem>> -> memref<128xi32, #tpu.memory_space<vmem>>
      %dma_wait3A_195 = arith.constant 0 : i32
      %dma_wait3A_196 = arith.constant 0 : i32
      %dma_wait3A_197 = tpu.memref_slice %arg13[%dma_wait3A_195, %dma_wait3A_196] : memref<10240x128xf32, #tpu.memory_space<vmem_shared>> -> memref<10240x128xf32, #tpu.memory_space<vmem_shared>>
      tpu.wait_indirect_dma semaphore(%arg16 : memref<!tpu.dma_semaphore, #tpu.memory_space<semaphore_mem>>) src(%arg11 : memref<128x128xf32, #tpu.memory_space<vmem>>) dst(%dma_wait3A_197 : memref<10240x128xf32, #tpu.memory_space<vmem_shared>>)
      %add3A_198 = arith.constant 2 : i32
      %add3A_199 = arith.addi %add3A_164, %add3A_198 : i32
      %lt3A = arith.cmpi slt, %add3A_199, %select_n3A : i32
      %convert_element_type3A_200 = arith.extui %lt3A : i1 to i32
      %cond3A_201 = arith.constant 0 : i32
      %cond3A_202 = arith.cmpi ne, %convert_element_type3A_200, %cond3A_201 : i32
      scf.if %cond3A_202 {
        %add3A_217 = arith.constant 2 : i32
        %add3A_218 = arith.addi %add3A_164, %add3A_217 : i32
        %dma_start3A_219 = arith.constant 0 : i32
        %dma_start3A_220 = tpu.memref_slice %arg9[%add3A_218, %dma_start3A_219] : memref<64x128xi32, #tpu.memory_space<vmem>> -> memref<1x128xi32, #tpu.memory_space<vmem>>
        %dma_start3A_221 = tpu.memref_squeeze %dma_start3A_220 : memref<1x128xi32, #tpu.memory_space<vmem>> -> memref<128xi32, #tpu.memory_space<vmem>>
        %dma_start3A_222 = arith.constant 0 : i32
        %dma_start3A_223 = arith.constant 0 : i32
        %dma_start3A_224 = tpu.memref_slice %arg3[%dma_start3A_222, %dma_start3A_223] : memref<10000x128xf32, #tpu.memory_space<hbm>> -> memref<10000x128xf32, #tpu.memory_space<hbm>>
        tpu.enqueue_indirect_dma source(%dma_start3A_224 : memref<10000x128xf32, #tpu.memory_space<hbm>>) target(%arg11 : memref<128x128xf32, #tpu.memory_space<vmem>>) offsets(%dma_start3A_221 : memref<128xi32, #tpu.memory_space<vmem>>) semaphore(%arg14 : memref<!tpu.dma_semaphore, #tpu.memory_space<semaphore_mem>>)
      } else {
      }
      %add3A_203 = arith.constant 1 : i32
      %add3A_204 = arith.addi %add3A_164, %add3A_203 : i32
      %dma_wait3A_205 = arith.constant 0 : i32
      %dma_wait3A_206 = tpu.memref_slice %arg10[%add3A_204, %dma_wait3A_205] : memref<64x128xi32, #tpu.memory_space<vmem>> -> memref<1x128xi32, #tpu.memory_space<vmem>>
      %dma_wait3A_207 = tpu.memref_squeeze %dma_wait3A_206 : memref<1x128xi32, #tpu.memory_space<vmem>> -> memref<128xi32, #tpu.memory_space<vmem>>
      %dma_wait3A_208 = arith.constant 0 : i32
      %dma_wait3A_209 = arith.constant 0 : i32
      %dma_wait3A_210 = tpu.memref_slice %arg13[%dma_wait3A_208, %dma_wait3A_209] : memref<10240x128xf32, #tpu.memory_space<vmem_shared>> -> memref<10240x128xf32, #tpu.memory_space<vmem_shared>>
      tpu.wait_indirect_dma semaphore(%arg17 : memref<!tpu.dma_semaphore, #tpu.memory_space<semaphore_mem>>) src(%arg12 : memref<128x128xf32, #tpu.memory_space<vmem>>) dst(%dma_wait3A_210 : memref<10240x128xf32, #tpu.memory_space<vmem_shared>>)
      %add3A_211 = arith.constant 3 : i32
      %add3A_212 = arith.addi %add3A_164, %add3A_211 : i32
      %lt3A_213 = arith.cmpi slt, %add3A_212, %select_n3A : i32
      %convert_element_type3A_214 = arith.extui %lt3A_213 : i1 to i32
      %cond3A_215 = arith.constant 0 : i32
      %cond3A_216 = arith.cmpi ne, %convert_element_type3A_214, %cond3A_215 : i32
      scf.if %cond3A_216 {
        %add3A_217 = arith.constant 3 : i32
        %add3A_218 = arith.addi %add3A_164, %add3A_217 : i32
        %dma_start3A_219 = arith.constant 0 : i32
        %dma_start3A_220 = tpu.memref_slice %arg9[%add3A_218, %dma_start3A_219] : memref<64x128xi32, #tpu.memory_space<vmem>> -> memref<1x128xi32, #tpu.memory_space<vmem>>
        %dma_start3A_221 = tpu.memref_squeeze %dma_start3A_220 : memref<1x128xi32, #tpu.memory_space<vmem>> -> memref<128xi32, #tpu.memory_space<vmem>>
        %dma_start3A_222 = arith.constant 0 : i32
        %dma_start3A_223 = arith.constant 0 : i32
        %dma_start3A_224 = tpu.memref_slice %arg3[%dma_start3A_222, %dma_start3A_223] : memref<10000x128xf32, #tpu.memory_space<hbm>> -> memref<10000x128xf32, #tpu.memory_space<hbm>>
        tpu.enqueue_indirect_dma source(%dma_start3A_224 : memref<10000x128xf32, #tpu.memory_space<hbm>>) target(%arg12 : memref<128x128xf32, #tpu.memory_space<vmem>>) offsets(%dma_start3A_221 : memref<128xi32, #tpu.memory_space<vmem>>) semaphore(%arg15 : memref<!tpu.dma_semaphore, #tpu.memory_space<semaphore_mem>>)
      } else {
      }
    }
    %barrier3A_114 = arith.constant 0 : index
    tpu.barrier barrier_id(%barrier3A_114)
    %mul3A_115 = arith.constant 640 : i32
    %mul3A_116 = arith.muli %arg1, %mul3A_115 : i32
    %run_scoped3A_117 = arith.constant 1 : i32
    "tpu.region"() ({
      %run_scoped3A_162 = tpu.sem_alloc : memref<!tpu.dma_semaphore, #tpu.memory_space<semaphore_mem>>
      %dma_start3A_163 = arith.constant 0 : i32
      %dma_start3A_164 = tpu.memref_slice %arg8[%arg0, %run_scoped3A_117, %mul3A_116, %dma_start3A_163] : memref<2x3x10240x128xf32, #tpu.memory_space<hbm>> -> memref<1x1x640x128xf32, #tpu.memory_space<hbm>>
      %dma_start3A_165 = tpu.memref_squeeze %dma_start3A_164 : memref<1x1x640x128xf32, #tpu.memory_space<hbm>> -> memref<640x128xf32, #tpu.memory_space<hbm>>
      %dma_start3A_166 = arith.constant 0 : i32
      %dma_start3A_167 = tpu.memref_slice %arg13[%mul3A_116, %dma_start3A_166] : memref<10240x128xf32, #tpu.memory_space<vmem_shared>> -> memref<640x128xf32, #tpu.memory_space<vmem_shared>>
      tpu.enqueue_dma source(%dma_start3A_167 : memref<640x128xf32, #tpu.memory_space<vmem_shared>>) target(%dma_start3A_165 : memref<640x128xf32, #tpu.memory_space<hbm>>) target_semaphore(%run_scoped3A_162 : memref<!tpu.dma_semaphore, #tpu.memory_space<semaphore_mem>>)
      %dma_wait3A = arith.constant 0 : i32
      %dma_wait3A_168 = tpu.memref_slice %arg8[%arg0, %run_scoped3A_117, %mul3A_116, %dma_wait3A] : memref<2x3x10240x128xf32, #tpu.memory_space<hbm>> -> memref<1x1x640x128xf32, #tpu.memory_space<hbm>>
      %dma_wait3A_169 = tpu.memref_squeeze %dma_wait3A_168 : memref<1x1x640x128xf32, #tpu.memory_space<hbm>> -> memref<640x128xf32, #tpu.memory_space<hbm>>
      %dma_wait3A_170 = arith.constant 0 : i32
      %dma_wait3A_171 = tpu.memref_slice %arg13[%mul3A_116, %dma_wait3A_170] : memref<10240x128xf32, #tpu.memory_space<vmem_shared>> -> memref<640x128xf32, #tpu.memory_space<vmem_shared>>
      tpu.wait_dma2 semaphore(%run_scoped3A_162 : memref<!tpu.dma_semaphore, #tpu.memory_space<semaphore_mem>>) src(%dma_wait3A_171 : memref<640x128xf32, #tpu.memory_space<vmem_shared>>) dst(%dma_wait3A_169 : memref<640x128xf32, #tpu.memory_space<hbm>>)
      tpu.yield
    }) : () -> ()
    "tpu.region"() ({
      %run_scoped3A_162 = tpu.sem_alloc : memref<!tpu.dma_semaphore, #tpu.memory_space<semaphore_mem>>
      tpu.enqueue_dma source(%arg6 : memref<128x128xf32, #tpu.memory_space<hbm>>) target(%arg11 : memref<128x128xf32, #tpu.memory_space<vmem>>) target_semaphore(%run_scoped3A_162 : memref<!tpu.dma_semaphore, #tpu.memory_space<semaphore_mem>>)
      tpu.wait_dma2 semaphore(%run_scoped3A_162 : memref<!tpu.dma_semaphore, #tpu.memory_space<semaphore_mem>>) src(%arg6 : memref<128x128xf32, #tpu.memory_space<hbm>>) dst(%arg11 : memref<128x128xf32, #tpu.memory_space<vmem>>)
      tpu.yield
    }) : () -> ()
    %mul3A_118 = arith.constant 640 : i32
    %mul3A_119 = arith.muli %arg1, %mul3A_118 : i32
    %add3A_120 = arith.constant 0 : i32
    %add3A_121 = arith.addi %mul3A_119, %add3A_120 : i32
    "tpu.region"() ({
      %run_scoped3A_162 = tpu.sem_alloc : memref<!tpu.dma_semaphore, #tpu.memory_space<semaphore_mem>>
      %dma_start3A_163 = arith.constant 0 : i32
      %dma_start3A_164 = tpu.memref_slice %arg13[%add3A_121, %dma_start3A_163] : memref<10240x128xf32, #tpu.memory_space<vmem_shared>> -> memref<128x128xf32, #tpu.memory_space<vmem_shared>>
      %dma_start3A_165 = arith.constant 0 : i32
      %dma_start3A_166 = tpu.memref_slice %arg13[%add3A_121, %dma_start3A_165] : memref<10240x128xf32, #tpu.memory_space<vmem_shared>> -> memref<128x128xf32, #tpu.memory_space<vmem_shared>>
      tpu.enqueue_dma source(%arg11 : memref<128x128xf32, #tpu.memory_space<vmem>>) target(%dma_start3A_166 : memref<128x128xf32, #tpu.memory_space<vmem_shared>>) target_semaphore(%run_scoped3A_162 : memref<!tpu.dma_semaphore, #tpu.memory_space<semaphore_mem>>)
      %dma_wait3A = arith.constant 0 : i32
      %dma_wait3A_167 = tpu.memref_slice %arg13[%add3A_121, %dma_wait3A] : memref<10240x128xf32, #tpu.memory_space<vmem_shared>> -> memref<128x128xf32, #tpu.memory_space<vmem_shared>>
      %dma_wait3A_168 = arith.constant 0 : i32
      %dma_wait3A_169 = tpu.memref_slice %arg13[%add3A_121, %dma_wait3A_168] : memref<10240x128xf32, #tpu.memory_space<vmem_shared>> -> memref<128x128xf32, #tpu.memory_space<vmem_shared>>
      tpu.wait_dma2 semaphore(%run_scoped3A_162 : memref<!tpu.dma_semaphore, #tpu.memory_space<semaphore_mem>>) src(%arg11 : memref<128x128xf32, #tpu.memory_space<vmem>>) dst(%dma_wait3A_169 : memref<128x128xf32, #tpu.memory_space<vmem_shared>>)
      tpu.yield
    }) : () -> ()
    %mul3A_122 = arith.constant 640 : i32
    %mul3A_123 = arith.muli %arg1, %mul3A_122 : i32
    %add3A_124 = arith.constant 128 : i32
    %add3A_125 = arith.addi %mul3A_123, %add3A_124 : i32
    "tpu.region"() ({
      %run_scoped3A_162 = tpu.sem_alloc : memref<!tpu.dma_semaphore, #tpu.memory_space<semaphore_mem>>
      %dma_start3A_163 = arith.constant 0 : i32
      %dma_start3A_164 = tpu.memref_slice %arg13[%add3A_125, %dma_start3A_163] : memref<10240x128xf32, #tpu.memory_space<vmem_shared>> -> memref<128x128xf32, #tpu.memory_space<vmem_shared>>
      %dma_start3A_165 = arith.constant 0 : i32
      %dma_start3A_166 = tpu.memref_slice %arg13[%add3A_125, %dma_start3A_165] : memref<10240x128xf32, #tpu.memory_space<vmem_shared>> -> memref<128x128xf32, #tpu.memory_space<vmem_shared>>
      tpu.enqueue_dma source(%arg11 : memref<128x128xf32, #tpu.memory_space<vmem>>) target(%dma_start3A_166 : memref<128x128xf32, #tpu.memory_space<vmem_shared>>) target_semaphore(%run_scoped3A_162 : memref<!tpu.dma_semaphore, #tpu.memory_space<semaphore_mem>>)
      %dma_wait3A = arith.constant 0 : i32
      %dma_wait3A_167 = tpu.memref_slice %arg13[%add3A_125, %dma_wait3A] : memref<10240x128xf32, #tpu.memory_space<vmem_shared>> -> memref<128x128xf32, #tpu.memory_space<vmem_shared>>
      %dma_wait3A_168 = arith.constant 0 : i32
      %dma_wait3A_169 = tpu.memref_slice %arg13[%add3A_125, %dma_wait3A_168] : memref<10240x128xf32, #tpu.memory_space<vmem_shared>> -> memref<128x128xf32, #tpu.memory_space<vmem_shared>>
      tpu.wait_dma2 semaphore(%run_scoped3A_162 : memref<!tpu.dma_semaphore, #tpu.memory_space<semaphore_mem>>) src(%arg11 : memref<128x128xf32, #tpu.memory_space<vmem>>) dst(%dma_wait3A_169 : memref<128x128xf32, #tpu.memory_space<vmem_shared>>)
      tpu.yield
    }) : () -> ()
    %mul3A_126 = arith.constant 640 : i32
    %mul3A_127 = arith.muli %arg1, %mul3A_126 : i32
    %add3A_128 = arith.constant 256 : i32
    %add3A_129 = arith.addi %mul3A_127, %add3A_128 : i32
    "tpu.region"() ({
      %run_scoped3A_162 = tpu.sem_alloc : memref<!tpu.dma_semaphore, #tpu.memory_space<semaphore_mem>>
      %dma_start3A_163 = arith.constant 0 : i32
      %dma_start3A_164 = tpu.memref_slice %arg13[%add3A_129, %dma_start3A_163] : memref<10240x128xf32, #tpu.memory_space<vmem_shared>> -> memref<128x128xf32, #tpu.memory_space<vmem_shared>>
      %dma_start3A_165 = arith.constant 0 : i32
      %dma_start3A_166 = tpu.memref_slice %arg13[%add3A_129, %dma_start3A_165] : memref<10240x128xf32, #tpu.memory_space<vmem_shared>> -> memref<128x128xf32, #tpu.memory_space<vmem_shared>>
      tpu.enqueue_dma source(%arg11 : memref<128x128xf32, #tpu.memory_space<vmem>>) target(%dma_start3A_166 : memref<128x128xf32, #tpu.memory_space<vmem_shared>>) target_semaphore(%run_scoped3A_162 : memref<!tpu.dma_semaphore, #tpu.memory_space<semaphore_mem>>)
      %dma_wait3A = arith.constant 0 : i32
      %dma_wait3A_167 = tpu.memref_slice %arg13[%add3A_129, %dma_wait3A] : memref<10240x128xf32, #tpu.memory_space<vmem_shared>> -> memref<128x128xf32, #tpu.memory_space<vmem_shared>>
      %dma_wait3A_168 = arith.constant 0 : i32
      %dma_wait3A_169 = tpu.memref_slice %arg13[%add3A_129, %dma_wait3A_168] : memref<10240x128xf32, #tpu.memory_space<vmem_shared>> -> memref<128x128xf32, #tpu.memory_space<vmem_shared>>
      tpu.wait_dma2 semaphore(%run_scoped3A_162 : memref<!tpu.dma_semaphore, #tpu.memory_space<semaphore_mem>>) src(%arg11 : memref<128x128xf32, #tpu.memory_space<vmem>>) dst(%dma_wait3A_169 : memref<128x128xf32, #tpu.memory_space<vmem_shared>>)
      tpu.yield
    }) : () -> ()
    %mul3A_130 = arith.constant 640 : i32
    %mul3A_131 = arith.muli %arg1, %mul3A_130 : i32
    %add3A_132 = arith.constant 384 : i32
    %add3A_133 = arith.addi %mul3A_131, %add3A_132 : i32
    "tpu.region"() ({
      %run_scoped3A_162 = tpu.sem_alloc : memref<!tpu.dma_semaphore, #tpu.memory_space<semaphore_mem>>
      %dma_start3A_163 = arith.constant 0 : i32
      %dma_start3A_164 = tpu.memref_slice %arg13[%add3A_133, %dma_start3A_163] : memref<10240x128xf32, #tpu.memory_space<vmem_shared>> -> memref<128x128xf32, #tpu.memory_space<vmem_shared>>
      %dma_start3A_165 = arith.constant 0 : i32
      %dma_start3A_166 = tpu.memref_slice %arg13[%add3A_133, %dma_start3A_165] : memref<10240x128xf32, #tpu.memory_space<vmem_shared>> -> memref<128x128xf32, #tpu.memory_space<vmem_shared>>
      tpu.enqueue_dma source(%arg11 : memref<128x128xf32, #tpu.memory_space<vmem>>) target(%dma_start3A_166 : memref<128x128xf32, #tpu.memory_space<vmem_shared>>) target_semaphore(%run_scoped3A_162 : memref<!tpu.dma_semaphore, #tpu.memory_space<semaphore_mem>>)
      %dma_wait3A = arith.constant 0 : i32
      %dma_wait3A_167 = tpu.memref_slice %arg13[%add3A_133, %dma_wait3A] : memref<10240x128xf32, #tpu.memory_space<vmem_shared>> -> memref<128x128xf32, #tpu.memory_space<vmem_shared>>
      %dma_wait3A_168 = arith.constant 0 : i32
      %dma_wait3A_169 = tpu.memref_slice %arg13[%add3A_133, %dma_wait3A_168] : memref<10240x128xf32, #tpu.memory_space<vmem_shared>> -> memref<128x128xf32, #tpu.memory_space<vmem_shared>>
      tpu.wait_dma2 semaphore(%run_scoped3A_162 : memref<!tpu.dma_semaphore, #tpu.memory_space<semaphore_mem>>) src(%arg11 : memref<128x128xf32, #tpu.memory_space<vmem>>) dst(%dma_wait3A_169 : memref<128x128xf32, #tpu.memory_space<vmem_shared>>)
      tpu.yield
    }) : () -> ()
    %mul3A_134 = arith.constant 640 : i32
    %mul3A_135 = arith.muli %arg1, %mul3A_134 : i32
    %add3A_136 = arith.constant 512 : i32
    %add3A_137 = arith.addi %mul3A_135, %add3A_136 : i32
    "tpu.region"() ({
      %run_scoped3A_162 = tpu.sem_alloc : memref<!tpu.dma_semaphore, #tpu.memory_space<semaphore_mem>>
      %dma_start3A_163 = arith.constant 0 : i32
      %dma_start3A_164 = tpu.memref_slice %arg13[%add3A_137, %dma_start3A_163] : memref<10240x128xf32, #tpu.memory_space<vmem_shared>> -> memref<128x128xf32, #tpu.memory_space<vmem_shared>>
      %dma_start3A_165 = arith.constant 0 : i32
      %dma_start3A_166 = tpu.memref_slice %arg13[%add3A_137, %dma_start3A_165] : memref<10240x128xf32, #tpu.memory_space<vmem_shared>> -> memref<128x128xf32, #tpu.memory_space<vmem_shared>>
      tpu.enqueue_dma source(%arg11 : memref<128x128xf32, #tpu.memory_space<vmem>>) target(%dma_start3A_166 : memref<128x128xf32, #tpu.memory_space<vmem_shared>>) target_semaphore(%run_scoped3A_162 : memref<!tpu.dma_semaphore, #tpu.memory_space<semaphore_mem>>)
      %dma_wait3A = arith.constant 0 : i32
      %dma_wait3A_167 = tpu.memref_slice %arg13[%add3A_137, %dma_wait3A] : memref<10240x128xf32, #tpu.memory_space<vmem_shared>> -> memref<128x128xf32, #tpu.memory_space<vmem_shared>>
      %dma_wait3A_168 = arith.constant 0 : i32
      %dma_wait3A_169 = tpu.memref_slice %arg13[%add3A_137, %dma_wait3A_168] : memref<10240x128xf32, #tpu.memory_space<vmem_shared>> -> memref<128x128xf32, #tpu.memory_space<vmem_shared>>
      tpu.wait_dma2 semaphore(%run_scoped3A_162 : memref<!tpu.dma_semaphore, #tpu.memory_space<semaphore_mem>>) src(%arg11 : memref<128x128xf32, #tpu.memory_space<vmem>>) dst(%dma_wait3A_169 : memref<128x128xf32, #tpu.memory_space<vmem_shared>>)
      tpu.yield
    }) : () -> ()
    "tpu.region"() ({
      %run_scoped3A_162 = tpu.sem_alloc : memref<!tpu.dma_semaphore, #tpu.memory_space<semaphore_mem>>
      tpu.enqueue_dma source(%arg7 : memref<128x128xf32, #tpu.memory_space<hbm>>) target(%arg11 : memref<128x128xf32, #tpu.memory_space<vmem>>) target_semaphore(%run_scoped3A_162 : memref<!tpu.dma_semaphore, #tpu.memory_space<semaphore_mem>>)
      tpu.wait_dma2 semaphore(%run_scoped3A_162 : memref<!tpu.dma_semaphore, #tpu.memory_space<semaphore_mem>>) src(%arg7 : memref<128x128xf32, #tpu.memory_space<hbm>>) dst(%arg11 : memref<128x128xf32, #tpu.memory_space<vmem>>)
      tpu.yield
    }) : () -> ()
    "tpu.region"() ({
      %run_scoped3A_162 = tpu.sem_alloc : memref<!tpu.dma_semaphore, #tpu.memory_space<semaphore_mem>>
      tpu.enqueue_dma source(%arg7 : memref<128x128xf32, #tpu.memory_space<hbm>>) target(%arg12 : memref<128x128xf32, #tpu.memory_space<vmem>>) target_semaphore(%run_scoped3A_162 : memref<!tpu.dma_semaphore, #tpu.memory_space<semaphore_mem>>)
      tpu.wait_dma2 semaphore(%run_scoped3A_162 : memref<!tpu.dma_semaphore, #tpu.memory_space<semaphore_mem>>) src(%arg7 : memref<128x128xf32, #tpu.memory_space<hbm>>) dst(%arg12 : memref<128x128xf32, #tpu.memory_space<vmem>>)
      tpu.yield
    }) : () -> ()
    %barrier3A_138 = arith.constant 0 : index
    tpu.barrier barrier_id(%barrier3A_138)
    %sub3A_139 = arith.constant 0 : i32
    %sub3A_140 = arith.subi %select_n3A, %sub3A_139 : i32
    %sub3A_141 = arith.constant 2 : i32
    %sub3A_142 = arith.constant 1 : i32
    %sub3A_143 = arith.subi %sub3A_141, %sub3A_142 : i32
    %add3A_144 = arith.addi %sub3A_140, %sub3A_143 : i32
    %div3A_145 = arith.constant 2 : i32
    %div3A_146 = arith.divsi %add3A_144, %div3A_145 : i32
    %while3A_147 = arith.constant 2 : i32
    %while3A_148 = arith.constant 0 : i32
    %while3A_149 = arith.constant 0 : i32
    %while3A_150 = arith.subi %div3A_146, %while3A_149 : i32
    %while3A_151 = arith.addi %while3A_149, %while3A_150 : i32
    %while3A_152 = arith.constant 1 : i32
    %while3A_153 = arith.divsi %while3A_150, %while3A_152 : i32
    %while3A_154 = arith.muli %while3A_153, %while3A_152 : i32
    %while3A_155 = arith.addi %while3A_149, %while3A_154 : i32
    %while3A_156 = arith.constant 1 : i32
    scf.for %while3A_162 = %while3A_149 to %while3A_155 step %while3A_156  : i32 {
      %mul3A_163 = arith.muli %while3A_162, %while3A_147 : i32
      %add3A_164 = arith.addi %while3A_148, %mul3A_163 : i32
      %dma_start3A_165 = arith.constant 0 : i32
      %dma_start3A_166 = tpu.memref_slice %arg10[%add3A_164, %dma_start3A_165] : memref<64x128xi32, #tpu.memory_space<vmem>> -> memref<1x128xi32, #tpu.memory_space<vmem>>
      %dma_start3A_167 = tpu.memref_squeeze %dma_start3A_166 : memref<1x128xi32, #tpu.memory_space<vmem>> -> memref<128xi32, #tpu.memory_space<vmem>>
      %dma_start3A_168 = arith.constant 0 : i32
      %dma_start3A_169 = arith.constant 0 : i32
      %dma_start3A_170 = tpu.memref_slice %arg13[%dma_start3A_168, %dma_start3A_169] : memref<10240x128xf32, #tpu.memory_space<vmem_shared>> -> memref<10240x128xf32, #tpu.memory_space<vmem_shared>>
      tpu.enqueue_indirect_dma source(%arg11 : memref<128x128xf32, #tpu.memory_space<vmem>>) target(%dma_start3A_170 : memref<10240x128xf32, #tpu.memory_space<vmem_shared>>) offsets(%dma_start3A_167 : memref<128xi32, #tpu.memory_space<vmem>>) semaphore(%arg16 : memref<!tpu.dma_semaphore, #tpu.memory_space<semaphore_mem>>) {add = true}
      %add3A_171 = arith.constant 1 : i32
      %add3A_172 = arith.addi %add3A_164, %add3A_171 : i32
      %dma_start3A_173 = arith.constant 0 : i32
      %dma_start3A_174 = tpu.memref_slice %arg10[%add3A_172, %dma_start3A_173] : memref<64x128xi32, #tpu.memory_space<vmem>> -> memref<1x128xi32, #tpu.memory_space<vmem>>
      %dma_start3A_175 = tpu.memref_squeeze %dma_start3A_174 : memref<1x128xi32, #tpu.memory_space<vmem>> -> memref<128xi32, #tpu.memory_space<vmem>>
      %dma_start3A_176 = arith.constant 0 : i32
      %dma_start3A_177 = arith.constant 0 : i32
      %dma_start3A_178 = tpu.memref_slice %arg13[%dma_start3A_176, %dma_start3A_177] : memref<10240x128xf32, #tpu.memory_space<vmem_shared>> -> memref<10240x128xf32, #tpu.memory_space<vmem_shared>>
      tpu.enqueue_indirect_dma source(%arg12 : memref<128x128xf32, #tpu.memory_space<vmem>>) target(%dma_start3A_178 : memref<10240x128xf32, #tpu.memory_space<vmem_shared>>) offsets(%dma_start3A_175 : memref<128xi32, #tpu.memory_space<vmem>>) semaphore(%arg17 : memref<!tpu.dma_semaphore, #tpu.memory_space<semaphore_mem>>) {add = true}
      %dma_wait3A = arith.constant 0 : i32
      %dma_wait3A_179 = tpu.memref_slice %arg10[%add3A_164, %dma_wait3A] : memref<64x128xi32, #tpu.memory_space<vmem>> -> memref<1x128xi32, #tpu.memory_space<vmem>>
      %dma_wait3A_180 = tpu.memref_squeeze %dma_wait3A_179 : memref<1x128xi32, #tpu.memory_space<vmem>> -> memref<128xi32, #tpu.memory_space<vmem>>
      %dma_wait3A_181 = arith.constant 0 : i32
      %dma_wait3A_182 = arith.constant 0 : i32
      %dma_wait3A_183 = tpu.memref_slice %arg13[%dma_wait3A_181, %dma_wait3A_182] : memref<10240x128xf32, #tpu.memory_space<vmem_shared>> -> memref<10240x128xf32, #tpu.memory_space<vmem_shared>>
      tpu.wait_indirect_dma semaphore(%arg16 : memref<!tpu.dma_semaphore, #tpu.memory_space<semaphore_mem>>) src(%arg11 : memref<128x128xf32, #tpu.memory_space<vmem>>) dst(%dma_wait3A_183 : memref<10240x128xf32, #tpu.memory_space<vmem_shared>>)
      %add3A_184 = arith.constant 1 : i32
      %add3A_185 = arith.addi %add3A_164, %add3A_184 : i32
      %dma_wait3A_186 = arith.constant 0 : i32
      %dma_wait3A_187 = tpu.memref_slice %arg10[%add3A_185, %dma_wait3A_186] : memref<64x128xi32, #tpu.memory_space<vmem>> -> memref<1x128xi32, #tpu.memory_space<vmem>>
      %dma_wait3A_188 = tpu.memref_squeeze %dma_wait3A_187 : memref<1x128xi32, #tpu.memory_space<vmem>> -> memref<128xi32, #tpu.memory_space<vmem>>
      %dma_wait3A_189 = arith.constant 0 : i32
      %dma_wait3A_190 = arith.constant 0 : i32
      %dma_wait3A_191 = tpu.memref_slice %arg13[%dma_wait3A_189, %dma_wait3A_190] : memref<10240x128xf32, #tpu.memory_space<vmem_shared>> -> memref<10240x128xf32, #tpu.memory_space<vmem_shared>>
      tpu.wait_indirect_dma semaphore(%arg17 : memref<!tpu.dma_semaphore, #tpu.memory_space<semaphore_mem>>) src(%arg12 : memref<128x128xf32, #tpu.memory_space<vmem>>) dst(%dma_wait3A_191 : memref<10240x128xf32, #tpu.memory_space<vmem_shared>>)
    }
    %while3A_157 = arith.constant 1 : i32
    scf.for %while3A_162 = %while3A_155 to %while3A_151 step %while3A_157  : i32 {
      %mul3A_163 = arith.muli %while3A_162, %while3A_147 : i32
      %add3A_164 = arith.addi %while3A_148, %mul3A_163 : i32
      %dma_start3A_165 = arith.constant 0 : i32
      %dma_start3A_166 = tpu.memref_slice %arg10[%add3A_164, %dma_start3A_165] : memref<64x128xi32, #tpu.memory_space<vmem>> -> memref<1x128xi32, #tpu.memory_space<vmem>>
      %dma_start3A_167 = tpu.memref_squeeze %dma_start3A_166 : memref<1x128xi32, #tpu.memory_space<vmem>> -> memref<128xi32, #tpu.memory_space<vmem>>
      %dma_start3A_168 = arith.constant 0 : i32
      %dma_start3A_169 = arith.constant 0 : i32
      %dma_start3A_170 = tpu.memref_slice %arg13[%dma_start3A_168, %dma_start3A_169] : memref<10240x128xf32, #tpu.memory_space<vmem_shared>> -> memref<10240x128xf32, #tpu.memory_space<vmem_shared>>
      tpu.enqueue_indirect_dma source(%arg11 : memref<128x128xf32, #tpu.memory_space<vmem>>) target(%dma_start3A_170 : memref<10240x128xf32, #tpu.memory_space<vmem_shared>>) offsets(%dma_start3A_167 : memref<128xi32, #tpu.memory_space<vmem>>) semaphore(%arg16 : memref<!tpu.dma_semaphore, #tpu.memory_space<semaphore_mem>>) {add = true}
      %add3A_171 = arith.constant 1 : i32
      %add3A_172 = arith.addi %add3A_164, %add3A_171 : i32
      %dma_start3A_173 = arith.constant 0 : i32
      %dma_start3A_174 = tpu.memref_slice %arg10[%add3A_172, %dma_start3A_173] : memref<64x128xi32, #tpu.memory_space<vmem>> -> memref<1x128xi32, #tpu.memory_space<vmem>>
      %dma_start3A_175 = tpu.memref_squeeze %dma_start3A_174 : memref<1x128xi32, #tpu.memory_space<vmem>> -> memref<128xi32, #tpu.memory_space<vmem>>
      %dma_start3A_176 = arith.constant 0 : i32
      %dma_start3A_177 = arith.constant 0 : i32
      %dma_start3A_178 = tpu.memref_slice %arg13[%dma_start3A_176, %dma_start3A_177] : memref<10240x128xf32, #tpu.memory_space<vmem_shared>> -> memref<10240x128xf32, #tpu.memory_space<vmem_shared>>
      tpu.enqueue_indirect_dma source(%arg12 : memref<128x128xf32, #tpu.memory_space<vmem>>) target(%dma_start3A_178 : memref<10240x128xf32, #tpu.memory_space<vmem_shared>>) offsets(%dma_start3A_175 : memref<128xi32, #tpu.memory_space<vmem>>) semaphore(%arg17 : memref<!tpu.dma_semaphore, #tpu.memory_space<semaphore_mem>>) {add = true}
      %dma_wait3A = arith.constant 0 : i32
      %dma_wait3A_179 = tpu.memref_slice %arg10[%add3A_164, %dma_wait3A] : memref<64x128xi32, #tpu.memory_space<vmem>> -> memref<1x128xi32, #tpu.memory_space<vmem>>
      %dma_wait3A_180 = tpu.memref_squeeze %dma_wait3A_179 : memref<1x128xi32, #tpu.memory_space<vmem>> -> memref<128xi32, #tpu.memory_space<vmem>>
      %dma_wait3A_181 = arith.constant 0 : i32
      %dma_wait3A_182 = arith.constant 0 : i32
      %dma_wait3A_183 = tpu.memref_slice %arg13[%dma_wait3A_181, %dma_wait3A_182] : memref<10240x128xf32, #tpu.memory_space<vmem_shared>> -> memref<10240x128xf32, #tpu.memory_space<vmem_shared>>
      tpu.wait_indirect_dma semaphore(%arg16 : memref<!tpu.dma_semaphore, #tpu.memory_space<semaphore_mem>>) src(%arg11 : memref<128x128xf32, #tpu.memory_space<vmem>>) dst(%dma_wait3A_183 : memref<10240x128xf32, #tpu.memory_space<vmem_shared>>)
      %add3A_184 = arith.constant 1 : i32
      %add3A_185 = arith.addi %add3A_164, %add3A_184 : i32
      %dma_wait3A_186 = arith.constant 0 : i32
      %dma_wait3A_187 = tpu.memref_slice %arg10[%add3A_185, %dma_wait3A_186] : memref<64x128xi32, #tpu.memory_space<vmem>> -> memref<1x128xi32, #tpu.memory_space<vmem>>
      %dma_wait3A_188 = tpu.memref_squeeze %dma_wait3A_187 : memref<1x128xi32, #tpu.memory_space<vmem>> -> memref<128xi32, #tpu.memory_space<vmem>>
      %dma_wait3A_189 = arith.constant 0 : i32
      %dma_wait3A_190 = arith.constant 0 : i32
      %dma_wait3A_191 = tpu.memref_slice %arg13[%dma_wait3A_189, %dma_wait3A_190] : memref<10240x128xf32, #tpu.memory_space<vmem_shared>> -> memref<10240x128xf32, #tpu.memory_space<vmem_shared>>
      tpu.wait_indirect_dma semaphore(%arg17 : memref<!tpu.dma_semaphore, #tpu.memory_space<semaphore_mem>>) src(%arg12 : memref<128x128xf32, #tpu.memory_space<vmem>>) dst(%dma_wait3A_191 : memref<10240x128xf32, #tpu.memory_space<vmem_shared>>)
    }
    %barrier3A_158 = arith.constant 0 : index
    tpu.barrier barrier_id(%barrier3A_158)
    %mul3A_159 = arith.constant 640 : i32
    %mul3A_160 = arith.muli %arg1, %mul3A_159 : i32
    %run_scoped3A_161 = arith.constant 2 : i32
    "tpu.region"() ({
      %run_scoped3A_162 = tpu.sem_alloc : memref<!tpu.dma_semaphore, #tpu.memory_space<semaphore_mem>>
      %dma_start3A_163 = arith.constant 0 : i32
      %dma_start3A_164 = tpu.memref_slice %arg8[%arg0, %run_scoped3A_161, %mul3A_160, %dma_start3A_163] : memref<2x3x10240x128xf32, #tpu.memory_space<hbm>> -> memref<1x1x640x128xf32, #tpu.memory_space<hbm>>
      %dma_start3A_165 = tpu.memref_squeeze %dma_start3A_164 : memref<1x1x640x128xf32, #tpu.memory_space<hbm>> -> memref<640x128xf32, #tpu.memory_space<hbm>>
      %dma_start3A_166 = arith.constant 0 : i32
      %dma_start3A_167 = tpu.memref_slice %arg13[%mul3A_160, %dma_start3A_166] : memref<10240x128xf32, #tpu.memory_space<vmem_shared>> -> memref<640x128xf32, #tpu.memory_space<vmem_shared>>
      tpu.enqueue_dma source(%dma_start3A_167 : memref<640x128xf32, #tpu.memory_space<vmem_shared>>) target(%dma_start3A_165 : memref<640x128xf32, #tpu.memory_space<hbm>>) target_semaphore(%run_scoped3A_162 : memref<!tpu.dma_semaphore, #tpu.memory_space<semaphore_mem>>)
      %dma_wait3A = arith.constant 0 : i32
      %dma_wait3A_168 = tpu.memref_slice %arg8[%arg0, %run_scoped3A_161, %mul3A_160, %dma_wait3A] : memref<2x3x10240x128xf32, #tpu.memory_space<hbm>> -> memref<1x1x640x128xf32, #tpu.memory_space<hbm>>
      %dma_wait3A_169 = tpu.memref_squeeze %dma_wait3A_168 : memref<1x1x640x128xf32, #tpu.memory_space<hbm>> -> memref<640x128xf32, #tpu.memory_space<hbm>>
      %dma_wait3A_170 = arith.constant 0 : i32
      %dma_wait3A_171 = tpu.memref_slice %arg13[%mul3A_160, %dma_wait3A_170] : memref<10240x128xf32, #tpu.memory_space<vmem_shared>> -> memref<640x128xf32, #tpu.memory_space<vmem_shared>>
      tpu.wait_dma2 semaphore(%run_scoped3A_162 : memref<!tpu.dma_semaphore, #tpu.memory_space<semaphore_mem>>) src(%dma_wait3A_171 : memref<640x128xf32, #tpu.memory_space<vmem_shared>>) dst(%dma_wait3A_169 : memref<640x128xf32, #tpu.memory_space<hbm>>)
      tpu.yield
    }) : () -> ()
    return
  }
}

module attributes {stable_mosaic.version = 14 : i64} {
  func.func @tc_layer1(%arg0: i32, %arg1: memref<2x3x1024x128xf32, #tpu.memory_space<vmem>>, %arg2: memref<1024x256xf32, #tpu.memory_space<vmem>>, %arg3: memref<256x512xf32, #tpu.memory_space<vmem>>, %arg4: memref<1x512xf32, #tpu.memory_space<vmem>>, %arg5: memref<256x512xf32, #tpu.memory_space<vmem>>, %arg6: memref<512x256xf32, #tpu.memory_space<vmem>>, %arg7: memref<512x256xf32, #tpu.memory_space<vmem>>, %arg8: memref<1024x128xf32, #tpu.memory_space<vmem>>, %arg9: memref<1024x128xf32, #tpu.memory_space<vmem>>, %arg10: memref<1024x256xf32, #tpu.memory_space<vmem>>) attributes {dimension_semantics = [#tpu.dimension_semantics<arbitrary>], iteration_bounds = array<i64: 10>, scalar_prefetch = 0 : i64, scratch_operands = 0 : i64, tpu.core_type = #tpu.core_type<tc>, window_params = [{transform_indices = @transform_0, window_bounds = array<i64: 2, 3, 1024, 128>}, {transform_indices = @transform_1, window_bounds = array<i64: 1024, 256>}, {pipeline_mode = #tpu.pipeline_mode<synchronous>, transform_indices = @transform_2, window_bounds = array<i64: 256, 512>}, {pipeline_mode = #tpu.pipeline_mode<synchronous>, transform_indices = @transform_3, window_bounds = array<i64: 1, 512>}, {pipeline_mode = #tpu.pipeline_mode<synchronous>, transform_indices = @transform_4, window_bounds = array<i64: 256, 512>}, {pipeline_mode = #tpu.pipeline_mode<synchronous>, transform_indices = @transform_5, window_bounds = array<i64: 512, 256>}, {pipeline_mode = #tpu.pipeline_mode<synchronous>, transform_indices = @transform_6, window_bounds = array<i64: 512, 256>}, {transform_indices = @transform_7, window_bounds = array<i64: 1024, 128>}, {transform_indices = @transform_8, window_bounds = array<i64: 1024, 128>}, {transform_indices = @transform_9, window_bounds = array<i64: 1024, 256>}]} {
    %get3A = arith.constant 0 : index
    %get3A_0 = arith.constant 0 : index
    %get3A_1 = arith.constant 0 : index
    %get3A_2 = arith.constant 0 : index
    %get3A_3 = vector.load %arg1[%get3A, %get3A_0, %get3A_1, %get3A_2] : memref<2x3x1024x128xf32, #tpu.memory_space<vmem>>, vector<2x3x1024x128xf32>
    %slice3A = vector.extract_strided_slice %get3A_3 {offsets = [0, 0, 0, 0], sizes = [1, 1, 1024, 128], strides = [1, 1, 1, 1]} : vector<2x3x1024x128xf32> to vector<1x1x1024x128xf32>
    %squeeze3A = vector.shape_cast %slice3A : vector<1x1x1024x128xf32> to vector<1024x128xf32>
    %slice3A_4 = vector.extract_strided_slice %get3A_3 {offsets = [1, 0, 0, 0], sizes = [1, 1, 1024, 128], strides = [1, 1, 1, 1]} : vector<2x3x1024x128xf32> to vector<1x1x1024x128xf32>
    %squeeze3A_5 = vector.shape_cast %slice3A_4 : vector<1x1x1024x128xf32> to vector<1024x128xf32>
    %add3A = arith.addf %squeeze3A, %squeeze3A_5 : vector<1024x128xf32>
    %slice3A_6 = vector.extract_strided_slice %get3A_3 {offsets = [0, 1, 0, 0], sizes = [1, 1, 1024, 128], strides = [1, 1, 1, 1]} : vector<2x3x1024x128xf32> to vector<1x1x1024x128xf32>
    %squeeze3A_7 = vector.shape_cast %slice3A_6 : vector<1x1x1024x128xf32> to vector<1024x128xf32>
    %slice3A_8 = vector.extract_strided_slice %get3A_3 {offsets = [1, 1, 0, 0], sizes = [1, 1, 1024, 128], strides = [1, 1, 1, 1]} : vector<2x3x1024x128xf32> to vector<1x1x1024x128xf32>
    %squeeze3A_9 = vector.shape_cast %slice3A_8 : vector<1x1x1024x128xf32> to vector<1024x128xf32>
    %add3A_10 = arith.addf %squeeze3A_7, %squeeze3A_9 : vector<1024x128xf32>
    %concatenate3A = tpu.concatenate %add3A, %add3A_10 in 1 : vector<1024x128xf32>, vector<1024x128xf32> -> vector<1024x256xf32>
    %slice3A_11 = vector.extract_strided_slice %get3A_3 {offsets = [0, 2, 0, 0], sizes = [1, 1, 1024, 128], strides = [1, 1, 1, 1]} : vector<2x3x1024x128xf32> to vector<1x1x1024x128xf32>
    %squeeze3A_12 = vector.shape_cast %slice3A_11 : vector<1x1x1024x128xf32> to vector<1024x128xf32>
    %slice3A_13 = vector.extract_strided_slice %get3A_3 {offsets = [1, 2, 0, 0], sizes = [1, 1, 1024, 128], strides = [1, 1, 1, 1]} : vector<2x3x1024x128xf32> to vector<1x1x1024x128xf32>
    %squeeze3A_14 = vector.shape_cast %slice3A_13 : vector<1x1x1024x128xf32> to vector<1024x128xf32>
    %add3A_15 = arith.addf %squeeze3A_12, %squeeze3A_14 : vector<1024x128xf32>
    %slice3A_16 = vector.extract_strided_slice %add3A_15 {offsets = [0, 0], sizes = [1024, 1], strides = [1, 1]} : vector<1024x128xf32> to vector<1024x1xf32>
    %max3A = arith.constant 1.000000e+00 : f32
    %max3A_17 = vector.broadcast %max3A : f32 to vector<1024x1xf32>
    %max3A_18 = arith.maximumf %slice3A_16, %max3A_17 : vector<1024x1xf32>
    %div3A = vector.broadcast %max3A_18 : vector<1024x1xf32> to vector<1024x256xf32>
    %div3A_19 = arith.divf %concatenate3A, %div3A : vector<1024x256xf32>
    %get3A_20 = arith.constant 0 : index
    %get3A_21 = arith.constant 0 : index
    %get3A_22 = vector.load %arg3[%get3A_20, %get3A_21] : memref<256x512xf32, #tpu.memory_space<vmem>>, vector<256x512xf32>
    %dot_general3A = arith.constant dense<0.000000e+00> : vector<1024x512xf32>
    %dot_general3A_23 = tpu.matmul %div3A_19, %get3A_22, %dot_general3A {dimension_numbers = #tpu.dot_dimension_numbers<[1], [0], [0], [1], [0, 0, 1, 1], [], []>, transpose_lhs_hint = false} : vector<1024x256xf32>, vector<256x512xf32>, vector<1024x512xf32> -> vector<1024x512xf32>
    %get3A_24 = arith.constant 0 : index
    %get3A_25 = arith.constant 0 : index
    %get3A_26 = vector.load %arg4[%get3A_24, %get3A_25] : memref<1x512xf32, #tpu.memory_space<vmem>>, vector<1x512xf32>
    %add3A_27 = vector.broadcast %get3A_26 : vector<1x512xf32> to vector<1024x512xf32>
    %add3A_28 = arith.addf %dot_general3A_23, %add3A_27 : vector<1024x512xf32>
    %get3A_29 = arith.constant 0 : index
    %get3A_30 = arith.constant 0 : index
    %get3A_31 = vector.load %arg2[%get3A_29, %get3A_30] : memref<1024x256xf32, #tpu.memory_space<vmem>>, vector<1024x256xf32>
    %get3A_32 = arith.constant 0 : index
    %get3A_33 = arith.constant 0 : index
    %get3A_34 = vector.load %arg5[%get3A_32, %get3A_33] : memref<256x512xf32, #tpu.memory_space<vmem>>, vector<256x512xf32>
    %dot_general3A_35 = arith.constant dense<0.000000e+00> : vector<1024x512xf32>
    %dot_general3A_36 = tpu.matmul %get3A_31, %get3A_34, %dot_general3A_35 {dimension_numbers = #tpu.dot_dimension_numbers<[1], [0], [0], [1], [0, 0, 1, 1], [], []>, transpose_lhs_hint = false} : vector<1024x256xf32>, vector<256x512xf32>, vector<1024x512xf32> -> vector<1024x512xf32>
    %add3A_37 = arith.addf %add3A_28, %dot_general3A_36 : vector<1024x512xf32>
    %max3A_38 = arith.constant 0.000000e+00 : f32
    %max3A_39 = vector.broadcast %max3A_38 : f32 to vector<1024x512xf32>
    %max3A_40 = arith.maximumf %add3A_37, %max3A_39 : vector<1024x512xf32>
    %get3A_41 = arith.constant 0 : index
    %get3A_42 = arith.constant 0 : index
    %get3A_43 = vector.load %arg6[%get3A_41, %get3A_42] : memref<512x256xf32, #tpu.memory_space<vmem>>, vector<512x256xf32>
    %dot_general3A_44 = arith.constant dense<0.000000e+00> : vector<1024x256xf32>
    %dot_general3A_45 = tpu.matmul %max3A_40, %get3A_43, %dot_general3A_44 {dimension_numbers = #tpu.dot_dimension_numbers<[1], [0], [0], [1], [0, 0, 1, 1], [], []>, transpose_lhs_hint = false} : vector<1024x512xf32>, vector<512x256xf32>, vector<1024x256xf32> -> vector<1024x256xf32>
    %slice3A_46 = vector.extract_strided_slice %dot_general3A_45 {offsets = [0, 0], sizes = [1024, 128], strides = [1, 1]} : vector<1024x256xf32> to vector<1024x128xf32>
    %swap3A = arith.constant 0 : index
    %swap3A_47 = arith.constant 0 : index
    %swap3A_48 = vector.load %arg8[%swap3A, %swap3A_47] : memref<1024x128xf32, #tpu.memory_space<vmem>>, vector<1024x128xf32>
    tpu.vector_store %arg8[%swap3A, %swap3A_47], %slice3A_46 {strides = array<i32>} : memref<1024x128xf32, #tpu.memory_space<vmem>>, vector<1024x128xf32>,
    %slice3A_49 = vector.extract_strided_slice %dot_general3A_45 {offsets = [0, 128], sizes = [1024, 128], strides = [1, 1]} : vector<1024x256xf32> to vector<1024x128xf32>
    %swap3A_50 = arith.constant 0 : index
    %swap3A_51 = arith.constant 0 : index
    %swap3A_52 = vector.load %arg9[%swap3A_50, %swap3A_51] : memref<1024x128xf32, #tpu.memory_space<vmem>>, vector<1024x128xf32>
    tpu.vector_store %arg9[%swap3A_50, %swap3A_51], %slice3A_49 {strides = array<i32>} : memref<1024x128xf32, #tpu.memory_space<vmem>>, vector<1024x128xf32>,
    %get3A_53 = arith.constant 0 : index
    %get3A_54 = arith.constant 0 : index
    %get3A_55 = vector.load %arg7[%get3A_53, %get3A_54] : memref<512x256xf32, #tpu.memory_space<vmem>>, vector<512x256xf32>
    %dot_general3A_56 = arith.constant dense<0.000000e+00> : vector<1024x256xf32>
    %dot_general3A_57 = tpu.matmul %max3A_40, %get3A_55, %dot_general3A_56 {dimension_numbers = #tpu.dot_dimension_numbers<[1], [0], [0], [1], [0, 0, 1, 1], [], []>, transpose_lhs_hint = false} : vector<1024x512xf32>, vector<512x256xf32>, vector<1024x256xf32> -> vector<1024x256xf32>
    %swap3A_58 = arith.constant 0 : index
    %swap3A_59 = arith.constant 0 : index
    %swap3A_60 = vector.load %arg10[%swap3A_58, %swap3A_59] : memref<1024x256xf32, #tpu.memory_space<vmem>>, vector<1024x256xf32>
    tpu.vector_store %arg10[%swap3A_58, %swap3A_59], %dot_general3A_57 {strides = array<i32>} : memref<1024x256xf32, #tpu.memory_space<vmem>>, vector<1024x256xf32>,
    return
  }
  func.func @transform_0(%arg0: i32) -> (i32, i32, i32, i32) {
    %c0_i32 = arith.constant 0 : i32
    %c0_i32_0 = arith.constant 0 : i32
    %c0_i32_1 = arith.constant 0 : i32
    %c0_i32_2 = arith.constant 0 : i32
    return %c0_i32, %c0_i32_0, %arg0, %c0_i32_1 : i32, i32, i32, i32
  }
  func.func @transform_1(%arg0: i32) -> (i32, i32) {
    %c0_i32 = arith.constant 0 : i32
    %c0_i32_0 = arith.constant 0 : i32
    return %arg0, %c0_i32 : i32, i32
  }
  func.func @transform_2(%arg0: i32) -> (i32, i32) {
    %c0_i32 = arith.constant 0 : i32
    %c0_i32_0 = arith.constant 0 : i32
    %c0_i32_1 = arith.constant 0 : i32
    return %c0_i32, %c0_i32_0 : i32, i32
  }
  func.func @transform_3(%arg0: i32) -> (i32, i32) {
    %c0_i32 = arith.constant 0 : i32
    %c0_i32_0 = arith.constant 0 : i32
    %c0_i32_1 = arith.constant 0 : i32
    return %c0_i32, %c0_i32_0 : i32, i32
  }
  func.func @transform_4(%arg0: i32) -> (i32, i32) {
    %c0_i32 = arith.constant 0 : i32
    %c0_i32_0 = arith.constant 0 : i32
    %c0_i32_1 = arith.constant 0 : i32
    return %c0_i32, %c0_i32_0 : i32, i32
  }
  func.func @transform_5(%arg0: i32) -> (i32, i32) {
    %c0_i32 = arith.constant 0 : i32
    %c0_i32_0 = arith.constant 0 : i32
    %c0_i32_1 = arith.constant 0 : i32
    return %c0_i32, %c0_i32_0 : i32, i32
  }
  func.func @transform_6(%arg0: i32) -> (i32, i32) {
    %c0_i32 = arith.constant 0 : i32
    %c0_i32_0 = arith.constant 0 : i32
    %c0_i32_1 = arith.constant 0 : i32
    return %c0_i32, %c0_i32_0 : i32, i32
  }
  func.func @transform_7(%arg0: i32) -> (i32, i32) {
    %c0_i32 = arith.constant 0 : i32
    %c0_i32_0 = arith.constant 0 : i32
    return %arg0, %c0_i32 : i32, i32
  }
  func.func @transform_8(%arg0: i32) -> (i32, i32) {
    %c0_i32 = arith.constant 0 : i32
    %c0_i32_0 = arith.constant 0 : i32
    return %arg0, %c0_i32 : i32, i32
  }
  func.func @transform_9(%arg0: i32) -> (i32, i32) {
    %c0_i32 = arith.constant 0 : i32
    %c0_i32_0 = arith.constant 0 : i32
    return %arg0, %c0_i32 : i32, i32
  }
}

module attributes {stable_mosaic.version = 14 : i64} {
  func.func @tc_layer2(%arg0: i32, %arg1: memref<2x2x1024x128xf32, #tpu.memory_space<vmem>>, %arg2: memref<2x1024x1xf32, #tpu.memory_space<vmem>>, %arg3: memref<1024x256xf32, #tpu.memory_space<vmem>>, %arg4: memref<1x256xf32, #tpu.memory_space<vmem>>, %arg5: memref<1024x256xf32, #tpu.memory_space<vmem>>) attributes {dimension_semantics = [#tpu.dimension_semantics<arbitrary>], iteration_bounds = array<i64: 10>, scalar_prefetch = 0 : i64, scratch_operands = 0 : i64, tpu.core_type = #tpu.core_type<tc>, window_params = [{transform_indices = @transform_0, window_bounds = array<i64: 2, 2, 1024, 128>}, {transform_indices = @transform_1, window_bounds = array<i64: 2, 1024, 1>}, {transform_indices = @transform_2, window_bounds = array<i64: 1024, 256>}, {pipeline_mode = #tpu.pipeline_mode<synchronous>, transform_indices = @transform_3, window_bounds = array<i64: 1, 256>}, {transform_indices = @transform_4, window_bounds = array<i64: 1024, 256>}]} {
    %get3A = arith.constant 0 : index
    %get3A_0 = arith.constant 0 : index
    %get3A_1 = arith.constant 0 : index
    %get3A_2 = arith.constant 0 : index
    %get3A_3 = vector.load %arg1[%get3A, %get3A_0, %get3A_1, %get3A_2] : memref<2x2x1024x128xf32, #tpu.memory_space<vmem>>, vector<2x2x1024x128xf32>
    %slice3A = vector.extract_strided_slice %get3A_3 {offsets = [0, 0, 0, 0], sizes = [1, 1, 1024, 128], strides = [1, 1, 1, 1]} : vector<2x2x1024x128xf32> to vector<1x1x1024x128xf32>
    %squeeze3A = vector.shape_cast %slice3A : vector<1x1x1024x128xf32> to vector<1024x128xf32>
    %slice3A_4 = vector.extract_strided_slice %get3A_3 {offsets = [1, 0, 0, 0], sizes = [1, 1, 1024, 128], strides = [1, 1, 1, 1]} : vector<2x2x1024x128xf32> to vector<1x1x1024x128xf32>
    %squeeze3A_5 = vector.shape_cast %slice3A_4 : vector<1x1x1024x128xf32> to vector<1024x128xf32>
    %add3A = arith.addf %squeeze3A, %squeeze3A_5 : vector<1024x128xf32>
    %slice3A_6 = vector.extract_strided_slice %get3A_3 {offsets = [0, 1, 0, 0], sizes = [1, 1, 1024, 128], strides = [1, 1, 1, 1]} : vector<2x2x1024x128xf32> to vector<1x1x1024x128xf32>
    %squeeze3A_7 = vector.shape_cast %slice3A_6 : vector<1x1x1024x128xf32> to vector<1024x128xf32>
    %slice3A_8 = vector.extract_strided_slice %get3A_3 {offsets = [1, 1, 0, 0], sizes = [1, 1, 1024, 128], strides = [1, 1, 1, 1]} : vector<2x2x1024x128xf32> to vector<1x1x1024x128xf32>
    %squeeze3A_9 = vector.shape_cast %slice3A_8 : vector<1x1x1024x128xf32> to vector<1024x128xf32>
    %add3A_10 = arith.addf %squeeze3A_7, %squeeze3A_9 : vector<1024x128xf32>
    %concatenate3A = tpu.concatenate %add3A, %add3A_10 in 1 : vector<1024x128xf32>, vector<1024x128xf32> -> vector<1024x256xf32>
    %get3A_11 = arith.constant 0 : index
    %get3A_12 = arith.constant 0 : index
    %get3A_13 = arith.constant 0 : index
    %get3A_14 = vector.load %arg2[%get3A_11, %get3A_12, %get3A_13] : memref<2x1024x1xf32, #tpu.memory_space<vmem>>, vector<1x1024x1xf32>
    %get3A_15 = vector.shape_cast %get3A_14 : vector<1x1024x1xf32> to vector<1024x1xf32>
    %get3A_16 = arith.constant 1 : index
    %get3A_17 = arith.constant 0 : index
    %get3A_18 = arith.constant 0 : index
    %get3A_19 = vector.load %arg2[%get3A_16, %get3A_17, %get3A_18] : memref<2x1024x1xf32, #tpu.memory_space<vmem>>, vector<1x1024x1xf32>
    %get3A_20 = vector.shape_cast %get3A_19 : vector<1x1024x1xf32> to vector<1024x1xf32>
    %add3A_21 = arith.addf %get3A_15, %get3A_20 : vector<1024x1xf32>
    %max3A = arith.constant 1.000000e+00 : f32
    %max3A_22 = vector.broadcast %max3A : f32 to vector<1024x1xf32>
    %max3A_23 = arith.maximumf %add3A_21, %max3A_22 : vector<1024x1xf32>
    %div3A = vector.broadcast %max3A_23 : vector<1024x1xf32> to vector<1024x256xf32>
    %div3A_24 = arith.divf %concatenate3A, %div3A : vector<1024x256xf32>
    %get3A_25 = arith.constant 0 : index
    %get3A_26 = arith.constant 0 : index
    %get3A_27 = vector.load %arg4[%get3A_25, %get3A_26] : memref<1x256xf32, #tpu.memory_space<vmem>>, vector<1x256xf32>
    %add3A_28 = vector.broadcast %get3A_27 : vector<1x256xf32> to vector<1024x256xf32>
    %add3A_29 = arith.addf %div3A_24, %add3A_28 : vector<1024x256xf32>
    %get3A_30 = arith.constant 0 : index
    %get3A_31 = arith.constant 0 : index
    %get3A_32 = vector.load %arg3[%get3A_30, %get3A_31] : memref<1024x256xf32, #tpu.memory_space<vmem>>, vector<1024x256xf32>
    %add3A_33 = arith.addf %add3A_29, %get3A_32 : vector<1024x256xf32>
    %swap3A = arith.constant 0 : index
    %swap3A_34 = arith.constant 0 : index
    %swap3A_35 = vector.load %arg5[%swap3A, %swap3A_34] : memref<1024x256xf32, #tpu.memory_space<vmem>>, vector<1024x256xf32>
    tpu.vector_store %arg5[%swap3A, %swap3A_34], %add3A_33 {strides = array<i32>} : memref<1024x256xf32, #tpu.memory_space<vmem>>, vector<1024x256xf32>,
    return
  }
  func.func @transform_0(%arg0: i32) -> (i32, i32, i32, i32) {
    %c0_i32 = arith.constant 0 : i32
    %c0_i32_0 = arith.constant 0 : i32
    %c0_i32_1 = arith.constant 0 : i32
    %c0_i32_2 = arith.constant 0 : i32
    return %c0_i32, %c0_i32_0, %arg0, %c0_i32_1 : i32, i32, i32, i32
  }
  func.func @transform_1(%arg0: i32) -> (i32, i32, i32) {
    %c0_i32 = arith.constant 0 : i32
    %c0_i32_0 = arith.constant 0 : i32
    %c0_i32_1 = arith.constant 0 : i32
    return %c0_i32, %arg0, %c0_i32_0 : i32, i32, i32
  }
  func.func @transform_2(%arg0: i32) -> (i32, i32) {
    %c0_i32 = arith.constant 0 : i32
    %c0_i32_0 = arith.constant 0 : i32
    return %arg0, %c0_i32 : i32, i32
  }
  func.func @transform_3(%arg0: i32) -> (i32, i32) {
    %c0_i32 = arith.constant 0 : i32
    %c0_i32_0 = arith.constant 0 : i32
    %c0_i32_1 = arith.constant 0 : i32
    return %c0_i32, %c0_i32_0 : i32, i32
  }
  func.func @transform_4(%arg0: i32) -> (i32, i32) {
    %c0_i32 = arith.constant 0 : i32
    %c0_i32_0 = arith.constant 0 : i32
    return %arg0, %c0_i32 : i32, i32
  }
}

</mosaic_0001>

<sc_bundles>
// kernel: sc_segsum2.3.cloned.1.call-start
scs
__scs_entry_jumppad:
0x0: {  	(pc) =	sbr.rel $0x88, $3  }
0x1: {  	(tag) =	ssettag $0x0;
	lr =	simm.s32 $0x1  }
0x2: {  	[smem:$0x3F99] =	sst lr;
	_ =	strace $0xD0000000  }
0x3: {  	_ = 	snop  }
0x4: {  	_ = 	snop  }
0x5: {  	_ = 	snop  }
0x6: {  	_ = 	snop  }
0x7: {  	_ = 	snop  }
__scs_overlays_trampoline_lowered:
0x8: {  	[smem:$0x3FA8] =	sst s0  }
0x9: {  	[smem:$0x3FA9] =	sst s1  }
0xa: {  	[smem:$0x3FAA] =	sst s2  }
0xb: {  	[smem:$0x3FAB] =	sst s3  }
0xc: {  	[smem:$0x3FAC] =	sst s4  }
0xd: {  	[smem:$0x3FAD] =	sst s5  }
0xe: {  	[smem:$0x3FAE] =	sst s6  }
0xf: {  	[smem:$0x3FAF] =	sst s7  }
0x10: {  	[smem:$0x3FB0] =	sst s8  }
0x11: {  	[smem:$0x3FB1] =	sst s9;
	s0 =	simm.s32 @!p0 $0x0  }
0x12: {  	s1 =	sld [smem:$0x3F97];
	s0 =	simm.s32 @p0 $0x1  }
0x13: {  	[smem:$0x3FB2] =	sst s0;
	s0 =	simm.s32 @!p1 $0x0  }
0x14: {  	s2 =	sld [smem:$0x3F96];
	s0 =	simm.s32 @p1 $0x1  }
0x15: {  	[smem:$0x3FB3] =	sst s0;
	s0 =	simm.s32 @!p2 $0x0  }
0x16: {  	s3 =	sld [smem:$0x3FDB];
	s0 =	simm.s32 @p2 $0x1  }
0x17: {  	s4 =	simm.s32 $0x1BF5;
	[smem:$0x3FB5] =	sst s0  }
0x18: {  	s0 =	sld [smem:$0x3F98];
	_ =	swait.ge [sflag:s4], $0x0  }
0x19: {  	s7 =	sld [smem:$0x3F99]  }
0x1a: {  	s8 =	sadd.s32 $0xFFFFE003, lr  }
0x1b: {  	s9 =	sadd.s32 $0xFFFFFEF7, lr;
	s5 =	simm.s32 $0xFFFFFFFF;
	p2 =	slt.u32 s8, $0xFFFFF086  }
0x1c: {  	p1 =	slt.u32 s9, $0xF7A;
	s5 =	simm.s32 @!p2 $0x0  }
0x1d: {  	s5 =	simm.s32 @p1 $0x1;
	p0 =	seq.s32 s7, s2  }
0x1e: {  	s7 =	smul.u32 @!p0 $0xF7A, s2;
	p2 =	seq.s32 @!p0 s5, $0x0  }
0x1f: {  	s9 =	smul.u32 $0xF7A, s1;
	s8 =	simm.s32 @!p0 $0x1BF5;
	p2 =	por !p2, p0  }
0x20: {  	[sflag:s8] =	ssyncset.s32 @!p0 $0xFFFFF086;
	s6 =	sadd.s32 @!p0 s3, s7;
	s7 =	simm.s32 @!p0 $0x108  }
0x21: {  	s3 =	sadd.s32 s3, s9;
	s6 =	sadd.s32 @!p0 $0x88, s6;
	s7 =	simm.s32 @p2 $0x1082  }
0x22: {  	[simem:s7], [sflag:s8] =	dma.local @!p0 [hbm:s6], $0xF7A  }
0x23: {  	s9 =	sor.u32 $0xD0000000, s2;
	s6 =	simm.s32 $0x108;
	_ =	swait.ge @!p0 [sflag:s8], $0x0  }
0x24: {  	s3 =	sadd.s32 $0x88, s3;
	s6 =	simm.s32 @!p1 $0x1082;
	[sflag:s4] =	ssyncset.s32 $0xFFFFF086  }
0x25: {  	[simem:s6], [sflag:s4] =	dma.local [hbm:s3], $0xF7A  }
0x26: {  	[smem:$0x3F99] =	sst s1;
	(tag) =	ssettag s2;
	_ =	strace s9  }
0x27: {  	s1 =	sld [smem:$0x3FA9]  }
0x28: {  	s2 =	sld [smem:$0x3FAA]  }
0x29: {  	s4 =	sld [smem:$0x3FAC]  }
0x2a: {  	p0 =	seq.s32 s5, $0x0;
	s5 =	sld [smem:$0x3FAD]  }
0x2b: {  	s6 =	sld [smem:$0x3FAE]  }
0x2c: {  	s7 =	sld [smem:$0x3FAF]  }
0x2d: {  	s3 =	simm.s32 $0x108;
	s8 =	sld [smem:$0x3FB0]  }
0x2e: {  	s3 =	simm.s32 @!p0 $0x1082;
	s9 =	sld [smem:$0x3FB1]  }
0x2f: {  	lr =	sadd.s32 s0, s3;
	s0 =	sld [smem:$0x3FA8]  }
0x30: {  	s3 =	sld [smem:$0x3FAB]  }
0x31: {  	[smem:$0x3FB4] =	sst s10  }
0x32: {  	s10 =	sld [smem:$0x3FB2];
	_ =	sdelay $0x3  }
0x33: {  	p0 =	seq.s32 s10, $0x1;
	s10 =	sld [smem:$0x3FB4];
	_ =	sdelay $0x3  }
0x34: {  	[smem:$0x3FB4] =	sst s10  }
0x35: {  	s10 =	sld [smem:$0x3FB3];
	_ =	sdelay $0x3  }
0x36: {  	p1 =	seq.s32 s10, $0x1;
	s10 =	sld [smem:$0x3FB4];
	_ =	sdelay $0x3  }
0x37: {  	[smem:$0x3FB4] =	sst s10  }
0x38: {  	s10 =	sld [smem:$0x3FB5]  }
0x39: {  	_ = 	snop;
	(pc) =	sbr.ind lr, $3  }
0x3a: {  	_ = 	snop  }
0x3b: {  	_ = 	snop  }
0x3c: {  	p2 =	seq.s32 s10, $0x1;
	s10 =	sld [smem:$0x3FB4]  }
0x3d: {  	_ =	shalt  }
0x3e: {  	_ =	shalt  }
0x3f: {  	_ =	shalt  }
0x40: {  	_ =	shalt  }
0x41: {  	_ =	shalt  }
0x42: {  	_ =	shalt  }
0x43: {  	_ =	shalt  }
0x44: {  	_ =	shalt  }
0x45: {  	_ =	shalt  }
0x46: {  	_ =	shalt  }
0x47: {  	_ =	shalt  }
0x48: {  	_ =	shalt  }
0x49: {  	_ =	shalt  }
0x4a: {  	_ =	shalt  }
0x4b: {  	_ =	shalt  }
0x4c: {  	_ =	shalt  }
0x4d: {  	_ =	shalt  }
0x4e: {  	_ =	shalt  }
0x4f: {  	_ =	shalt  }
0x50: {  	_ =	shalt  }
0x51: {  	_ =	shalt  }
0x52: {  	_ =	shalt  }
0x53: {  	_ =	shalt  }
0x54: {  	_ =	shalt  }
0x55: {  	_ =	shalt  }
0x56: {  	_ =	shalt  }
0x57: {  	_ =	shalt  }
0x58: {  	_ =	shalt  }
0x59: {  	_ =	shalt  }
0x5a: {  	_ =	shalt  }
0x5b: {  	_ =	shalt  }
0x5c: {  	_ =	shalt  }
0x5d: {  	_ =	shalt  }
0x5e: {  	_ =	shalt  }
0x5f: {  	_ =	shalt  }
0x60: {  	_ =	shalt  }
0x61: {  	_ =	shalt  }
0x62: {  	_ =	shalt  }
0x63: {  	_ =	shalt  }
0x64: {  	_ =	shalt  }
0x65: {  	_ =	shalt  }
0x66: {  	_ =	shalt  }
0x67: {  	_ =	shalt  }
0x68: {  	_ =	shalt  }
0x69: {  	_ =	shalt  }
0x6a: {  	_ =	shalt  }
0x6b: {  	_ =	shalt  }
0x6c: {  	_ =	shalt  }
0x6d: {  	_ =	shalt  }
0x6e: {  	_ =	shalt  }
0x6f: {  	_ =	shalt  }
0x70: {  	_ =	shalt  }
0x71: {  	_ =	shalt  }
0x72: {  	_ =	shalt  }
0x73: {  	_ =	shalt  }
0x74: {  	_ =	shalt  }
0x75: {  	_ =	shalt  }
0x76: {  	_ =	shalt  }
0x77: {  	_ =	shalt  }
0x78: {  	_ =	shalt  }
0x79: {  	_ =	shalt  }
0x7a: {  	_ =	shalt  }
0x7b: {  	_ =	shalt  }
0x7c: {  	_ =	shalt  }
0x7d: {  	_ =	shalt  }
0x7e: {  	_ =	shalt  }
0x7f: {  	_ =	shalt  }
0x80: {  	_ =	shalt  }
0x81: {  	_ =	shalt  }
0x82: {  	_ =	shalt  }
0x83: {  	_ =	shalt  }
0x84: {  	_ =	shalt  }
0x85: {  	_ =	shalt  }
0x86: {  	_ =	shalt  }
0x87: {  	_ =	shalt  }
.Lfunc_end0:
.L_simem_size_0:
called_computation.1_lowered:
.L_overlay_start_0:
0x88: {  	s2 =	sld [smem:$0x3FD9]  }
0x89: {  	s3 =	sld [smem:$0x3FFE];
	_ =	sdelay $0x1  }
0x8a: {  	s1 =	srdreg.scid  }
0x8b: {  	s0 =	sand.u32 $0x1, s1  }
0x8c: {  	s17 =	sshll.u32 s0, $0xA;
	s2 =	sadd.s32 s3, s2  }
0x8d: {  	s2 =	sadd.s32 s2, s17  }
0x8e: {  	[smem:$0x3FC0] =	sst s2  }
0x8f: {  	_ = 	snop  }
0x90: {  	s2 =	sld [smem:$0x3FD0];
	(tm) =	ssettm $0x1  }
0x91: {  	s18 =	sld [smem:$0x3FFB];
	_ =	sdelay $0x3  }
0x92: {  	_ =	strace s18  }
0x93: {  	s3 =	sld [smem:$0x3FFC];
	_ =	sdelay $0x3  }
0x94: {  	_ =	strace s3  }
0x95: {  	s3 =	sld [smem:$0x3FFD];
	_ =	sdelay $0x3  }
0x96: {  	_ =	strace s3  }
0x97: {  	_ =	strace $0x8FFFFFFF  }
0x98: {  	s19 =	sld [smem:$0x3FDB];
	_ =	sdelay $0x1  }
0x99: {  	s4 =	simm.s32 $_scs_section_size  }
0x9a: {  	s5 =	simm.s32 $_size__tile_overlayer_lowered;
	s6 =	simm.s32 $_tile_overlayer_lowered  }
0x9b: {  	s22 =	simm.s32 $0x1BFF;
	s21 =	sshll.u32 s6, $0x1;
	s3 =	sadd.s32 s4, s19  }
0x9c: {  	s7 =	simm.s32 $0x0;
	s20 =	sshll.u32 s5, $0x1;
	s5 =	sadd.s32 s21, s3  }
0x9d: {  	[timem:s7], [sflag:s22] =	dma.local [hbm:s5], s20  }
0x9e: {  	_ =	swait.ge [sflag:s22], s20  }
0x9f: {  	s4 =	ssub.s32 $0x0, s20;
	[sflag:s22] =	ssyncset.done $0x0  }
0xa0: {  	[sflag:s22] =	ssyncadd.s32 s4;
	_ =	sdelay $0x1  }
0xa1: {  	s23 =	simm.s32 $0x1B8B  }
0xa2: {  	_ =	swait.ge [sflag:s23], $0x1  }
0xa3: {  	[sflag:s23] =	ssyncset.done $0x0  }
0xa4: {  	s25 =	simm.s32 $0x1B8E;
	s24 =	sld [smem:$0x3FFE];
	[sflag:s23] =	ssyncadd.s32 $0xFFFFFFFF  }
0xa5: {  	s26 =	simm.s32 $execute0_lowered;
	[smem:$0x3FD2] =	sst s25  }
0xa6: {  	s5 =	sshll.u32 s26, $0x1;
	_ =	strace $0x80000049;
	[dreg:$0x1] =	wrdreg $0xFFFFFFFF  }
0xa7: {  	s28 =	simm.s32 $_size_execute0_lowered;
	s3 =	sadd.s32 s3, s5;
	[dreg:$0x0] =	wrdreg $0x0  }
0xa8: {  	s5 =	sshll.u32 s28, $0x1;
	[dreg:$0x2] =	wrdreg s3  }
0xa9: {  	[dreg:$0x3] =	wrdreg s5  }
0xaa: {  	[dreg:$0x4] =	wrdreg $0xC0  }
0xab: {  	_ =	task [dreg:s7], $0x5FFFF  }
0xac: {  	[dreg:$0x1] =	wrdreg $0xFFFFFFFF  }
0xad: {  	[dreg:$0x0] =	wrdreg $0x60  }
0xae: {  	[dreg:$0x2] =	wrdreg s2  }
0xaf: {  	[dreg:$0x3] =	wrdreg s24  }
0xb0: {  	[dreg:$0x4] =	wrdreg $0xC0000  }
0xb1: {  	[dreg:$0x5] =	wrdreg $0x9  }
0xb2: {  	_ =	task.clear_ibuf [dreg:s7], $0x6FFFF;
	_ =	strace $0x90000049  }
0xb3: {  	s29 =	simm.s32 $0x9;
	_ =	strace $0x8000004B  }
0xb4: {  	_ =	swait.ge [sflag:s29], $0x1  }
0xb5: {  	[sflag:s29] =	ssyncadd.s32 $0xFFFFFFFF  }
0xb6: {  	_ =	strace $0x9000004B  }
0xb7: {  	_ =	sfence  }
0xb8: {  	s30 =	sld [smem:$0x0];
	_ =	sdelay $0x2  }
0xb9: {  	s31 =	sshll.u32 s1, $0xD;
	s1 =	sshrl.u32 s1, $0x2  }
0xba: {  	s3 =	sand.u32 $0x4000, s31;
	s1 =	sadd.s32 s1, s30  }
0xbb: {  	s0 =	sor.u32 s3, s0;
	s1 =	sshll.u32 s1, $0x11  }
0xbc: {  	s0 =	sor.u32 s1, s0  }
0xbd: {  	s0 =	sadd.s32 $0x8F2B, s0  }
0xbe: {  	[sflag:s0] =	ssyncadd.remote.s32 $0x1  }
0xbf: {  	_ =	sfence.sel $0xFFFF  }
0xc0: {  	[dreg:$0x0] =	wrdreg $0xFFFFFFFF;
	(pc) =	sbr.abs _section_cstart, $3  }
0xc1: {  	[dreg:$0x1] =	wrdreg $0xFFFFFFFF  }
0xc2: {  	_ =	task.clear_ibuf [dreg:s7], $0x2FFFF;
	_ =	strace $0x9FFFFFFF  }
0xc3: {  	(tm) =	ssettm $0x7FFFFFFF  }
tec
execute0_lowered:
.L_overlay_start_1:
0x0: {  	(tag) =	ssettag $0x1  }
0x1: {  	s0 =	rddreg [dreg:$0x0]  }
0x2: {  	s1 =	rddreg [dreg:$0x1];
	s2 =	srdreg.scid  }
0x3: {  	s3 =	rddreg [dreg:$0x2];
	s14 =	stileid.u32  }
0x4: {  	s4 =	simm.s32 $0x0;
	s28 =	simm.s32 $0x3;
	s29 =	simm.s32 $0x4  }
0x5: {  	s30 =	simm.s32 $0x0;
	s2 =	sand.u32 $0x1, s2;
	s7 =	smul.u32 $0x14000, s14  }
0x6: {  	[smem:$0x7FF] =	sst s4;
	s5 =	sadd.s32 $0x124400, s1;
	s8 =	sadd.s32 $0x2E400, s1  }
0x7: {  	s9 =	sadd.s32 $0x29400, s1;
	s12 =	sshll.u32 s14, $0x8;
	s13 =	smul.u32 $0x50000, s14  }
0x8: {  	s23 =	sshll.u32 s14, $0xA;
	s6 =	smul.u32 $0x280000, s2;
	_ =	strace $0x8000004A  }
0x9: {  	s10 =	ssub.s32 $0x2, s2;
	p0 =	seq.s32 s2, $0x0;
	s12 =	sor.u32 $0x4000, s12  }
0xa: {  	s25 =	sadd.s32 s9, s23;
	s11 =	sshrl.u32 s10, $0x1;
	s21 =	sadd.s32 s8, s12  }
0xb: {  	s22 =	sadd.s32 s9, s12;
	s24 =	sshrl.u32 s13, $0x2;
	[dreg:$0x7] =	wrdreg s25  }
0xc: {  	s8 =	sadd.s32 s8, s23;
	s23 =	simm.s32 $0x80;
	[dreg:$0x4] =	wrdreg s21  }
0xd: {  	s25 =	simm.s32 $0x1;
	s6 =	sadd.s32 s7, s6;
	[dreg:$0x5] =	wrdreg s22  }
0xe: {  	s10 =	ssub.s32 s10, s11;
	[dreg:$0x6] =	wrdreg s8;
	s12 =	sadd.s32 s24, s3  }
0xf: {  	s21 =	simm.s32 $0x4000;
	s22 =	simm.s32 $0x5;
	s24 =	simm.s32 $0x8000  }
0x10: {  	s7 =	sshrl.u32 s6, $0x3;
	s6 =	sadd.s32 $0x33C00, s1;
	s13 =	sadd.s32 $0x4000, s12  }
0x11: {  	s14 =	sadd.s32 $0x8000, s12;
	s15 =	sadd.s32 $0xC000, s12;
	s16 =	sadd.s32 $0x10000, s12  }
0x12: {  	s31 =	smax.u32 s10, $0x1;
	s1 =	sadd.s32 s7, s1;
	s7 =	simm.s32 $0x40  }
0x13: {  	[dreg:$0xa] =	wrdreg s31;
	s7 =	simm.s32 @!p0 $0x10;
	s26 =	sadd.s32 $0x1C4400, s1  }
0x14: {  	s1 =	sadd.s32 $0x1EC400, s1;
	p0 =	sne.s32 s2, $0x0;
	[dreg:$0x8] =	wrdreg s26  }
0x15: {  	s17 =	sshrl.u32 s7, $0x1;
	[dreg:$0x9] =	wrdreg s1;
	s26 =	simm.s32 $0x2  }
.LBB2_1:
0x16: {  	s1 =	simm.s32 @p0 $0x0;
	s2 =	rddreg [dreg:$0x4]  }
0x17: {  	[tilespmem:s1], [sflag:$0x5] =	stream.linear.gather @p0 [hbm4b:s2+s1], $0x800, $0x38;
	v63 =	vld [tilespmem:$0x0]  }
0x18: {  	s2 =	simm.s32 @p0 $0x5  }
0x19: {  	_ =	swait.ge @p0 [sflag:s2], $0x800  }
0x1a: {  	[sflag:s2] =	ssyncset.done @p0 $0x0  }
0x1b: {  	s8 =	simm.s32 @p0 $0x2000;
	s9 =	rddreg [dreg:$0x5];
	[sflag:s2] =	ssyncadd.s32 @p0 $0xFFFFF800  }
0x1c: {  	[tilespmem:s8], [sflag:$0x5] =	stream.linear.gather @p0 [hbm4b:s9+s1], $0x800, $0x38;
	v63 =	vld [tilespmem:$0x0]  }
0x1d: {  	_ =	swait.ge @p0 [sflag:s2], $0x800  }
0x1e: {  	[sflag:s2] =	ssyncset.done @p0 $0x0  }
0x1f: {  	s1 =	simm.s32 @!p0 $0x0;
	[sflag:s2] =	ssyncadd.s32 @p0 $0xFFFFF800;
	s2 =	rddreg [dreg:$0x6]  }
0x20: {  	[tilespmem:s1], [sflag:$0x5] =	stream.linear.gather @!p0 [hbm4b:s2+s1], $0x2000, $0x38;
	v63 =	vld [tilespmem:$0x0]  }
0x21: {  	s2 =	simm.s32 @!p0 $0x5  }
0x22: {  	_ =	swait.ge @!p0 [sflag:s2], $0x2000  }
0x23: {  	[sflag:s2] =	ssyncset.done @!p0 $0x0  }
0x24: {  	s8 =	simm.s32 @!p0 $0x2000;
	s9 =	rddreg [dreg:$0x7];
	[sflag:s2] =	ssyncadd.s32 @!p0 $0xFFFFE000  }
0x25: {  	[tilespmem:s8], [sflag:$0x5] =	stream.linear.gather @!p0 [hbm4b:s9+s1], $0x2000, $0x38;
	v63 =	vld [tilespmem:$0x0]  }
0x26: {  	_ =	swait.ge @!p0 [sflag:s2], $0x2000  }
0x27: {  	[sflag:s2] =	ssyncset.done @!p0 $0x0  }
0x28: {  	[sflag:s2] =	ssyncadd.s32 @!p0 $0xFFFFE000  }
0x29: {  	[tilespmem:s21], [sflag:$0x5] =	stream.linear.gather [hbm4b:s6+s4], $0x4000, $0x38;
	v63 =	vld [tilespmem:$0x0]  }
0x2a: {  	_ =	swait.ge [sflag:s22], $0x4000  }
0x2b: {  	[sflag:s22] =	ssyncset.done $0x0  }
0x2c: {  	[sflag:s22] =	ssyncadd.s32 $0xFFFFC000  }
0x2d: {  	[spmem:s12] =	stream.linear.scatter [tilespmem:s21], [sflag:$0x5], $0x4000, $0x38;
	v63 =	vld [tilespmem:$0x0]  }
0x2e: {  	_ =	swait.ge [sflag:s22], $0x4000  }
0x2f: {  	[sflag:s22] =	ssyncset.done $0x0  }
0x30: {  	[sflag:s22] =	ssyncadd.s32 $0xFFFFC000  }
0x31: {  	[spmem:s13] =	stream.linear.scatter [tilespmem:s21], [sflag:$0x5], $0x4000, $0x38;
	v63 =	vld [tilespmem:$0x0]  }
0x32: {  	_ =	swait.ge [sflag:s22], $0x4000  }
0x33: {  	[sflag:s22] =	ssyncset.done $0x0  }
0x34: {  	[sflag:s22] =	ssyncadd.s32 $0xFFFFC000  }
0x35: {  	[spmem:s14] =	stream.linear.scatter [tilespmem:s21], [sflag:$0x5], $0x4000, $0x38;
	v63 =	vld [tilespmem:$0x0]  }
0x36: {  	_ =	swait.ge [sflag:s22], $0x4000  }
0x37: {  	[sflag:s22] =	ssyncset.done $0x0  }
0x38: {  	[sflag:s22] =	ssyncadd.s32 $0xFFFFC000  }
0x39: {  	[spmem:s15] =	stream.linear.scatter [tilespmem:s21], [sflag:$0x5], $0x4000, $0x38;
	v63 =	vld [tilespmem:$0x0]  }
0x3a: {  	_ =	swait.ge [sflag:s22], $0x4000  }
0x3b: {  	[sflag:s22] =	ssyncset.done $0x0  }
0x3c: {  	[sflag:s22] =	ssyncadd.s32 $0xFFFFC000  }
0x3d: {  	[spmem:s16] =	stream.linear.scatter [tilespmem:s21], [sflag:$0x5], $0x4000, $0x38;
	v63 =	vld [tilespmem:$0x0]  }
0x3e: {  	_ =	swait.ge [sflag:s22], $0x4000  }
0x3f: {  	[sflag:s22] =	ssyncset.done $0x0  }
0x40: {  	[sflag:s22] =	ssyncadd.s32 $0xFFFFC000  }
0x41: {  	[bflag:$0x0] =	sbarrier.arrive $0xFFFF  }
0x42: {  	[tilespmem:s21], [sflag:$0x1] =	stream.indirect.gather [hbm4b:s0+s23], $0x80, s4, s23, $0xb8;
	v63 =	vld [tilespmem:$0x0]  }
0x43: {  	_ = 	snop  }
0x44: {  	[tilespmem:s24], [sflag:$0x2] =	stream.indirect.gather [hbm4b:s0+s23], $0x80, s23, s23, $0xb8;
	v63 =	vld [tilespmem:$0x0]  }
0x45: {  	_ =	swait.ge [sflag:s25], $0x4000  }
0x46: {  	[sflag:s25] =	ssyncset.done $0x0  }
0x47: {  	s2 =	simm.s32 $0x2000;
	[sflag:s25] =	ssyncadd.s32 $0xFFFFC000  }
0x48: {  	[spmem:s3] =	stream.indirect.scatter.add.f32 [tilespmem:s21], [sflag:$0x3], $0x80, s2, s23, $0xb8;
	v63 =	vld [tilespmem:$0x0]  }
0x49: {  	_ =	swait.ge [sflag:s26], $0x4000  }
0x4a: {  	[sflag:s26] =	ssyncset.done $0x0  }
0x4b: {  	s31 =	simm.s32 $0x2080;
	[sflag:s26] =	ssyncadd.s32 $0xFFFFC000  }
0x4c: {  	[spmem:s3] =	stream.indirect.scatter.add.f32 [tilespmem:s24], [sflag:$0x4], $0x80, s31, s23, $0xb8;
	v63 =	vld [tilespmem:$0x0]  }
0x4d: {  	_ =	swait.ge [sflag:s28], $0x4000  }
0x4e: {  	p1 =	sle.u32 s7, $0x2;
	s1 =	simm.s32 $0x100;
	[sflag:s28] =	ssyncset.done $0x0  }
0x4f: {  	s8 =	simm.s32 @!p1 $0x80;
	s9 =	simm.s32 @!p1 $0x4000;
	[sflag:s28] =	ssyncadd.s32 $0xFFFFC000  }
0x50: {  	[tilespmem:s9], [sflag:$0x1] =	stream.indirect.gather @!p1 [hbm4b:s0+s8], $0x80, s1, s8, $0xb8;
	v63 =	vld [tilespmem:$0x0]  }
0x51: {  	s8 =	sadd.s32 $0xFFFFFFFF, s17  }
0x52: {  	p1 =	sne.s32 s8, $0x0  }
.Ltmp0:
0x53: {  	_ = 	snop;
	(pc) =	sbr.rel @!p1 .LBB2_3-.Ltmp0, $4  }
0x54: {  	_ = 	snop  }
0x55: {  	p2 =	sle.u32 s7, $0x3;
	s10 =	simm.s32 $0x200;
	_ =	swait.ge [sflag:s29], $0x4000  }
0x56: {  	s11 =	simm.s32 $0x2080;
	s18 =	simm.s32 @!p2 $0x180;
	[sflag:s29] =	ssyncset.done $0x0  }
0x57: {  	s19 =	simm.s32 @!p2 $0x80;
	s9 =	simm.s32 $0x4;
	[sflag:s29] =	ssyncadd.s32 $0xFFFFC000  }
.LBB2_2:
0x58: {  	s8 =	sadd.s32 $0xFFFFFFFF, s8;
	s20 =	simm.s32 @!p2 $0x8000;
	s11 =	sadd.s32 $0x100, s11  }
0x59: {  	[tilespmem:s20], [sflag:$0x2] =	stream.indirect.gather @!p2 [hbm4b:s0+s19], $0x80, s18, s19, $0xb8;
	v63 =	vld [tilespmem:$0x0]  }
0x5a: {  	p1 =	sne.s32 s8, $0x0;
	s18 =	smov.u32 s10;
	_ =	swait.ge [sflag:s25], $0x4000  }
0x5b: {  	[sflag:s25] =	ssyncset.done $0x0  }
0x5c: {  	s19 =	sadd.s32 $0xFFFFFF80, s11;
	[sflag:s25] =	ssyncadd.s32 $0xFFFFC000  }
0x5d: {  	[spmem:s3] =	stream.indirect.scatter.add.f32 [tilespmem:s21], [sflag:$0x3], $0x80, s19, s23, $0xb8;
	v63 =	vld [tilespmem:$0x0]  }
0x5e: {  	_ =	swait.ge [sflag:s26], $0x4000  }
0x5f: {  	[sflag:s26] =	ssyncset.done $0x0  }
0x60: {  	[sflag:s26] =	ssyncadd.s32 $0xFFFFC000  }
0x61: {  	[spmem:s3] =	stream.indirect.scatter.add.f32 [tilespmem:s24], [sflag:$0x4], $0x80, s11, s23, $0xb8;
	v63 =	vld [tilespmem:$0x0]  }
0x62: {  	p2 =	sge.u32 s9, s7;
	_ =	swait.ge [sflag:s28], $0x4000  }
0x63: {  	s20 =	simm.s32 @!p2 $0x4000;
	[sflag:s28] =	ssyncset.done $0x0  }
.Ltmp1:
0x64: {  	s19 =	simm.s32 @!p2 $0x80;
	[sflag:s28] =	ssyncadd.s32 $0xFFFFC000;
	(pc) =	sbr.rel @p1 .LBB2_2-.Ltmp1, $4  }
0x65: {  	[tilespmem:s20], [sflag:$0x1] =	stream.indirect.gather @!p2 [hbm4b:s0+s19], $0x80, s10, s19, $0xb8;
	v63 =	vld [tilespmem:$0x0]  }
0x66: {  	s19 =	sadd.s32 $0x1, s9;
	s9 =	sadd.s32 $0x2, s9;
	_ =	swait.ge [sflag:s29], $0x4000  }
0x67: {  	s10 =	sadd.s32 $0x100, s10;
	p2 =	sge.u32 s19, s7;
	[sflag:s29] =	ssyncset.done $0x0  }
0x68: {  	s18 =	sadd.s32 @!p2 $0x80, s18;
	s19 =	simm.s32 @!p2 $0x80;
	[sflag:s29] =	ssyncadd.s32 $0xFFFFC000  }
.LBB2_3:
0x69: {  	s8 =	simm.s32 @!p2 $0x8000;
	s20 =	stileid.u32  }
0x6a: {  	[tilespmem:s8], [sflag:$0x2] =	stream.indirect.gather @!p2 [hbm4b:s0+s19], $0x80, s18, s19, $0xb8;
	v63 =	vld [tilespmem:$0x0]  }
0x6b: {  	s8 =	sshll.u32 s20, $0x6;
	[bflag:$0x0] =	sbarrier.arrive $0xFFFF  }
0x6c: {  	s9 =	sshrl.u32 s12, $0x3;
	s8 =	sor.u32 $0x1C05, s8;
	s10 =	rddreg [dreg:$0x8]  }
0x6d: {  	[hbm:s10], [sflag:s8] =	dma.local [spmem:s9], $0x2800  }
0x6e: {  	_ =	swait.ge [sflag:s22], $0x2800  }
0x6f: {  	[sflag:s22] =	ssyncset.done $0x0  }
0x70: {  	[sflag:s22] =	ssyncadd.s32 $0xFFFFD800  }
0x71: {  	[tilespmem:s21], [sflag:$0x5] =	stream.linear.gather [hbm4b:s6+s4], $0x4000, $0x38;
	v63 =	vld [tilespmem:$0x0]  }
0x72: {  	_ =	swait.ge [sflag:s22], $0x4000  }
0x73: {  	[sflag:s22] =	ssyncset.done $0x0  }
0x74: {  	[sflag:s22] =	ssyncadd.s32 $0xFFFFC000  }
0x75: {  	[spmem:s12] =	stream.linear.scatter [tilespmem:s21], [sflag:$0x5], $0x4000, $0x38;
	v63 =	vld [tilespmem:$0x0]  }
0x76: {  	_ =	swait.ge [sflag:s22], $0x4000  }
0x77: {  	[sflag:s22] =	ssyncset.done $0x0  }
0x78: {  	[sflag:s22] =	ssyncadd.s32 $0xFFFFC000  }
0x79: {  	[spmem:s13] =	stream.linear.scatter [tilespmem:s21], [sflag:$0x5], $0x4000, $0x38;
	v63 =	vld [tilespmem:$0x0]  }
0x7a: {  	_ =	swait.ge [sflag:s22], $0x4000  }
0x7b: {  	[sflag:s22] =	ssyncset.done $0x0  }
0x7c: {  	[sflag:s22] =	ssyncadd.s32 $0xFFFFC000  }
0x7d: {  	[spmem:s14] =	stream.linear.scatter [tilespmem:s21], [sflag:$0x5], $0x4000, $0x38;
	v63 =	vld [tilespmem:$0x0]  }
0x7e: {  	_ =	swait.ge [sflag:s22], $0x4000  }
0x7f: {  	[sflag:s22] =	ssyncset.done $0x0  }
0x80: {  	[sflag:s22] =	ssyncadd.s32 $0xFFFFC000  }
0x81: {  	[spmem:s15] =	stream.linear.scatter [tilespmem:s21], [sflag:$0x5], $0x4000, $0x38;
	v63 =	vld [tilespmem:$0x0]  }
0x82: {  	_ =	swait.ge [sflag:s22], $0x4000  }
0x83: {  	[sflag:s22] =	ssyncset.done $0x0  }
0x84: {  	[sflag:s22] =	ssyncadd.s32 $0xFFFFC000  }
0x85: {  	[spmem:s16] =	stream.linear.scatter [tilespmem:s21], [sflag:$0x5], $0x4000, $0x38;
	v63 =	vld [tilespmem:$0x0]  }
0x86: {  	_ =	swait.ge [sflag:s22], $0x4000  }
0x87: {  	[sflag:s22] =	ssyncset.done $0x0  }
0x88: {  	[sflag:s22] =	ssyncadd.s32 $0xFFFFC000  }
0x89: {  	[bflag:$0x0] =	sbarrier.arrive $0xFFFF  }
0x8a: {  	[tilespmem:s21], [sflag:$0x1] =	stream.indirect.gather [hbm4b:s5+s23], $0x80, s4, s23, $0xb8;
	v63 =	vld [tilespmem:$0x0]  }
0x8b: {  	_ = 	snop  }
0x8c: {  	[tilespmem:s24], [sflag:$0x2] =	stream.indirect.gather [hbm4b:s5+s23], $0x80, s23, s23, $0xb8;
	v63 =	vld [tilespmem:$0x0]  }
0x8d: {  	_ =	swait.ge [sflag:s25], $0x4000  }
0x8e: {  	[sflag:s25] =	ssyncset.done $0x0  }
0x8f: {  	[sflag:s25] =	ssyncadd.s32 $0xFFFFC000  }
0x90: {  	[spmem:s3] =	stream.indirect.scatter.add.f32 [tilespmem:s21], [sflag:$0x3], $0x80, s2, s23, $0xb8;
	v63 =	vld [tilespmem:$0x0]  }
0x91: {  	_ =	swait.ge [sflag:s26], $0x4000  }
0x92: {  	[sflag:s26] =	ssyncset.done $0x0  }
0x93: {  	[sflag:s26] =	ssyncadd.s32 $0xFFFFC000  }
0x94: {  	[spmem:s3] =	stream.indirect.scatter.add.f32 [tilespmem:s24], [sflag:$0x4], $0x80, s31, s23, $0xb8;
	v63 =	vld [tilespmem:$0x0]  }
0x95: {  	p1 =	sle.u32 s7, $0x2;
	_ =	swait.ge [sflag:s28], $0x4000  }
0x96: {  	s11 =	simm.s32 @!p1 $0x4000;
	[sflag:s28] =	ssyncset.done $0x0  }
0x97: {  	s10 =	simm.s32 @!p1 $0x80;
	s2 =	sadd.s32 $0xFFFFFFFF, s17;
	[sflag:s28] =	ssyncadd.s32 $0xFFFFC000  }
0x98: {  	[tilespmem:s11], [sflag:$0x1] =	stream.indirect.gather @!p1 [hbm4b:s5+s10], $0x80, s1, s10, $0xb8;
	v63 =	vld [tilespmem:$0x0]  }
0x99: {  	p1 =	sne.s32 s2, $0x0  }
.Ltmp2:
0x9a: {  	_ = 	snop;
	(pc) =	sbr.rel @!p1 .LBB2_5-.Ltmp2, $4  }
0x9b: {  	_ = 	snop  }
0x9c: {  	p2 =	sle.u32 s7, $0x3;
	_ =	swait.ge [sflag:s29], $0x4000  }
0x9d: {  	s18 =	simm.s32 @!p2 $0x80;
	s1 =	simm.s32 $0x4;
	[sflag:s29] =	ssyncset.done $0x0  }
0x9e: {  	s10 =	simm.s32 $0x200;
	s11 =	simm.s32 @!p2 $0x180;
	[sflag:s29] =	ssyncadd.s32 $0xFFFFC000  }
.LBB2_4:
0x9f: {  	s2 =	sadd.s32 $0xFFFFFFFF, s2;
	s19 =	simm.s32 @!p2 $0x8000;
	s31 =	sadd.s32 $0x100, s31  }
0xa0: {  	[tilespmem:s19], [sflag:$0x2] =	stream.indirect.gather @!p2 [hbm4b:s5+s18], $0x80, s11, s18, $0xb8;
	v63 =	vld [tilespmem:$0x0]  }
0xa1: {  	p1 =	sne.s32 s2, $0x0;
	s11 =	smov.u32 s10;
	_ =	swait.ge [sflag:s25], $0x4000  }
0xa2: {  	[sflag:s25] =	ssyncset.done $0x0  }
0xa3: {  	s18 =	sadd.s32 $0xFFFFFF80, s31;
	[sflag:s25] =	ssyncadd.s32 $0xFFFFC000  }
0xa4: {  	[spmem:s3] =	stream.indirect.scatter.add.f32 [tilespmem:s21], [sflag:$0x3], $0x80, s18, s23, $0xb8;
	v63 =	vld [tilespmem:$0x0]  }
0xa5: {  	_ =	swait.ge [sflag:s26], $0x4000  }
0xa6: {  	[sflag:s26] =	ssyncset.done $0x0  }
0xa7: {  	[sflag:s26] =	ssyncadd.s32 $0xFFFFC000  }
0xa8: {  	[spmem:s3] =	stream.indirect.scatter.add.f32 [tilespmem:s24], [sflag:$0x4], $0x80, s31, s23, $0xb8;
	v63 =	vld [tilespmem:$0x0]  }
0xa9: {  	p2 =	sge.u32 s1, s7;
	_ =	swait.ge [sflag:s28], $0x4000  }
0xaa: {  	s19 =	simm.s32 @!p2 $0x4000;
	[sflag:s28] =	ssyncset.done $0x0  }
.Ltmp3:
0xab: {  	s18 =	simm.s32 @!p2 $0x80;
	[sflag:s28] =	ssyncadd.s32 $0xFFFFC000;
	(pc) =	sbr.rel @p1 .LBB2_4-.Ltmp3, $4  }
0xac: {  	[tilespmem:s19], [sflag:$0x1] =	stream.indirect.gather @!p2 [hbm4b:s5+s18], $0x80, s10, s18, $0xb8;
	v63 =	vld [tilespmem:$0x0]  }
0xad: {  	s18 =	sadd.s32 $0x1, s1;
	s1 =	sadd.s32 $0x2, s1;
	_ =	swait.ge [sflag:s29], $0x4000  }
0xae: {  	s10 =	sadd.s32 $0x100, s10;
	p2 =	sge.u32 s18, s7;
	[sflag:s29] =	ssyncset.done $0x0  }
0xaf: {  	s11 =	sadd.s32 @!p2 $0x80, s11;
	s18 =	simm.s32 @!p2 $0x80;
	[sflag:s29] =	ssyncadd.s32 $0xFFFFC000  }
.LBB2_5:
0xb0: {  	s1 =	simm.s32 @!p2 $0x8000  }
0xb1: {  	[tilespmem:s1], [sflag:$0x2] =	stream.indirect.gather @!p2 [hbm4b:s5+s18], $0x80, s11, s18, $0xb8;
	v63 =	vld [tilespmem:$0x0]  }
0xb2: {  	[bflag:$0x0] =	sbarrier.arrive $0xFFFF  }
0xb3: {  	s20 =	rddreg [dreg:$0x9]  }
0xb4: {  	[hbm:s20], [sflag:s8] =	dma.local [spmem:s9], $0x2800  }
0xb5: {  	_ =	swait.ge [sflag:s22], $0x2800  }
0xb6: {  	s30 =	sadd.s32 $0x1, s30;
	s31 =	rddreg [dreg:$0xa]  }
0xb7: {  	p1 =	sne.s32 s30, s31  }
.Ltmp4:
0xb8: {  	_ = 	snop;
	(pc) =	sbr.rel @p1 .LBB2_1-.Ltmp4, $3  }
0xb9: {  	_ =	sdelay $0x1  }
0xba: {  	[sflag:s22] =	ssyncset.done $0x0  }
0xbb: {  	[sflag:s22] =	ssyncadd.s32 $0xFFFFD800  }
0xbc: {  	_ =	sfence.sel $0x180000  }
0xbd: {  	[bflag:$0x0] =	sbarrier.arrive $0xFFFF  }
0xbe: {  	_ =	strace $0x9000004A  }
0xbf: {  	s0 =	stileid.u32;
	[bflag:$0x2] =	sbarrier.arrive $0xFFFF  }
0xc0: {  	p0 =	sne.s32 s0, $0x0;
	s0 =	rddreg [dreg:$0x3]  }
0xc1: {  	s0 =	sadd.s32 @!p0 $0x100000, s0  }
0xc2: {  	[sflag:s0] =	ssyncadd.tile.s32 @!p0 $0x1;
	_ =	shalt  }
.Lfunc_end2:
_tile_overlayer_lowered:
.L_overlay_start_2:
0xc3: {  	(tag) =	ssettag $0x2  }
0xc4: {  	s0 =	rddreg [dreg:$0x0];
	s2 =	stileid.u32  }
0xc5: {  	s1 =	rddreg [dreg:$0x1];
	p0 =	sne.s32 s2, $0x0  }
0xc6: {  	s3 =	rddreg [dreg:$0x2];
	[bflag:$0x3] =	sbarrier.arrive $0xFFFF;
	s2 =	simm.s32 @!p0 $0x1C05  }
0xc7: {  	[timem:s3], [sflag:s2] =	dma.local @!p0 [hbm:s0], s1  }
0xc8: {  	s0 =	simm.s32 @!p0 $0x5  }
0xc9: {  	_ =	swait.ge @!p0 [sflag:s0], s1  }
0xca: {  	s1 =	ssub.s32 @!p0 $0x0, s1;
	[sflag:s0] =	ssyncset.done @!p0 $0x0  }
0xcb: {  	[sflag:s0] =	ssyncadd.s32 @!p0 s1  }
0xcc: {  	[bflag:$0x3] =	sbarrier.arrive $0xFFFF  }
0xcd: {  	_ =	shalt  }

// kernel: sc_segsum2d.3.cloned.1.call-start
scs
__scs_entry_jumppad:
0x0: {  	(pc) =	sbr.rel $0x88, $3  }
0x1: {  	(tag) =	ssettag $0x0;
	lr =	simm.s32 $0x1  }
0x2: {  	[smem:$0x3F99] =	sst lr;
	_ =	strace $0xD0000000  }
0x3: {  	_ = 	snop  }
0x4: {  	_ = 	snop  }
0x5: {  	_ = 	snop  }
0x6: {  	_ = 	snop  }
0x7: {  	_ = 	snop  }
__scs_overlays_trampoline_lowered:
0x8: {  	[smem:$0x3FA8] =	sst s0  }
0x9: {  	[smem:$0x3FA9] =	sst s1  }
0xa: {  	[smem:$0x3FAA] =	sst s2  }
0xb: {  	[smem:$0x3FAB] =	sst s3  }
0xc: {  	[smem:$0x3FAC] =	sst s4  }
0xd: {  	[smem:$0x3FAD] =	sst s5  }
0xe: {  	[smem:$0x3FAE] =	sst s6  }
0xf: {  	[smem:$0x3FAF] =	sst s7  }
0x10: {  	[smem:$0x3FB0] =	sst s8  }
0x11: {  	[smem:$0x3FB1] =	sst s9;
	s0 =	simm.s32 @!p0 $0x0  }
0x12: {  	s1 =	sld [smem:$0x3F97];
	s0 =	simm.s32 @p0 $0x1  }
0x13: {  	[smem:$0x3FB2] =	sst s0;
	s0 =	simm.s32 @!p1 $0x0  }
0x14: {  	s2 =	sld [smem:$0x3F96];
	s0 =	simm.s32 @p1 $0x1  }
0x15: {  	[smem:$0x3FB3] =	sst s0;
	s0 =	simm.s32 @!p2 $0x0  }
0x16: {  	s3 =	sld [smem:$0x3FDB];
	s0 =	simm.s32 @p2 $0x1  }
0x17: {  	s4 =	simm.s32 $0x1BF5;
	[smem:$0x3FB5] =	sst s0  }
0x18: {  	s0 =	sld [smem:$0x3F98];
	_ =	swait.ge [sflag:s4], $0x0  }
0x19: {  	s7 =	sld [smem:$0x3F99]  }
0x1a: {  	s8 =	sadd.s32 $0xFFFFE003, lr  }
0x1b: {  	s9 =	sadd.s32 $0xFFFFFEF7, lr;
	s5 =	simm.s32 $0xFFFFFFFF;
	p2 =	slt.u32 s8, $0xFFFFF086  }
0x1c: {  	p1 =	slt.u32 s9, $0xF7A;
	s5 =	simm.s32 @!p2 $0x0  }
0x1d: {  	s5 =	simm.s32 @p1 $0x1;
	p0 =	seq.s32 s7, s2  }
0x1e: {  	s7 =	smul.u32 @!p0 $0xF7A, s2;
	p2 =	seq.s32 @!p0 s5, $0x0  }
0x1f: {  	s9 =	smul.u32 $0xF7A, s1;
	s8 =	simm.s32 @!p0 $0x1BF5;
	p2 =	por !p2, p0  }
0x20: {  	[sflag:s8] =	ssyncset.s32 @!p0 $0xFFFFF086;
	s6 =	sadd.s32 @!p0 s3, s7;
	s7 =	simm.s32 @!p0 $0x108  }
0x21: {  	s3 =	sadd.s32 s3, s9;
	s6 =	sadd.s32 @!p0 $0x88, s6;
	s7 =	simm.s32 @p2 $0x1082  }
0x22: {  	[simem:s7], [sflag:s8] =	dma.local @!p0 [hbm:s6], $0xF7A  }
0x23: {  	s9 =	sor.u32 $0xD0000000, s2;
	s6 =	simm.s32 $0x108;
	_ =	swait.ge @!p0 [sflag:s8], $0x0  }
0x24: {  	s3 =	sadd.s32 $0x88, s3;
	s6 =	simm.s32 @!p1 $0x1082;
	[sflag:s4] =	ssyncset.s32 $0xFFFFF086  }
0x25: {  	[simem:s6], [sflag:s4] =	dma.local [hbm:s3], $0xF7A  }
0x26: {  	[smem:$0x3F99] =	sst s1;
	(tag) =	ssettag s2;
	_ =	strace s9  }
0x27: {  	s1 =	sld [smem:$0x3FA9]  }
0x28: {  	s2 =	sld [smem:$0x3FAA]  }
0x29: {  	s4 =	sld [smem:$0x3FAC]  }
0x2a: {  	p0 =	seq.s32 s5, $0x0;
	s5 =	sld [smem:$0x3FAD]  }
0x2b: {  	s6 =	sld [smem:$0x3FAE]  }
0x2c: {  	s7 =	sld [smem:$0x3FAF]  }
0x2d: {  	s3 =	simm.s32 $0x108;
	s8 =	sld [smem:$0x3FB0]  }
0x2e: {  	s3 =	simm.s32 @!p0 $0x1082;
	s9 =	sld [smem:$0x3FB1]  }
0x2f: {  	lr =	sadd.s32 s0, s3;
	s0 =	sld [smem:$0x3FA8]  }
0x30: {  	s3 =	sld [smem:$0x3FAB]  }
0x31: {  	[smem:$0x3FB4] =	sst s10  }
0x32: {  	s10 =	sld [smem:$0x3FB2];
	_ =	sdelay $0x3  }
0x33: {  	p0 =	seq.s32 s10, $0x1;
	s10 =	sld [smem:$0x3FB4];
	_ =	sdelay $0x3  }
0x34: {  	[smem:$0x3FB4] =	sst s10  }
0x35: {  	s10 =	sld [smem:$0x3FB3];
	_ =	sdelay $0x3  }
0x36: {  	p1 =	seq.s32 s10, $0x1;
	s10 =	sld [smem:$0x3FB4];
	_ =	sdelay $0x3  }
0x37: {  	[smem:$0x3FB4] =	sst s10  }
0x38: {  	s10 =	sld [smem:$0x3FB5]  }
0x39: {  	_ = 	snop;
	(pc) =	sbr.ind lr, $3  }
0x3a: {  	_ = 	snop  }
0x3b: {  	_ = 	snop  }
0x3c: {  	p2 =	seq.s32 s10, $0x1;
	s10 =	sld [smem:$0x3FB4]  }
0x3d: {  	_ =	shalt  }
0x3e: {  	_ =	shalt  }
0x3f: {  	_ =	shalt  }
0x40: {  	_ =	shalt  }
0x41: {  	_ =	shalt  }
0x42: {  	_ =	shalt  }
0x43: {  	_ =	shalt  }
0x44: {  	_ =	shalt  }
0x45: {  	_ =	shalt  }
0x46: {  	_ =	shalt  }
0x47: {  	_ =	shalt  }
0x48: {  	_ =	shalt  }
0x49: {  	_ =	shalt  }
0x4a: {  	_ =	shalt  }
0x4b: {  	_ =	shalt  }
0x4c: {  	_ =	shalt  }
0x4d: {  	_ =	shalt  }
0x4e: {  	_ =	shalt  }
0x4f: {  	_ =	shalt  }
0x50: {  	_ =	shalt  }
0x51: {  	_ =	shalt  }
0x52: {  	_ =	shalt  }
0x53: {  	_ =	shalt  }
0x54: {  	_ =	shalt  }
0x55: {  	_ =	shalt  }
0x56: {  	_ =	shalt  }
0x57: {  	_ =	shalt  }
0x58: {  	_ =	shalt  }
0x59: {  	_ =	shalt  }
0x5a: {  	_ =	shalt  }
0x5b: {  	_ =	shalt  }
0x5c: {  	_ =	shalt  }
0x5d: {  	_ =	shalt  }
0x5e: {  	_ =	shalt  }
0x5f: {  	_ =	shalt  }
0x60: {  	_ =	shalt  }
0x61: {  	_ =	shalt  }
0x62: {  	_ =	shalt  }
0x63: {  	_ =	shalt  }
0x64: {  	_ =	shalt  }
0x65: {  	_ =	shalt  }
0x66: {  	_ =	shalt  }
0x67: {  	_ =	shalt  }
0x68: {  	_ =	shalt  }
0x69: {  	_ =	shalt  }
0x6a: {  	_ =	shalt  }
0x6b: {  	_ =	shalt  }
0x6c: {  	_ =	shalt  }
0x6d: {  	_ =	shalt  }
0x6e: {  	_ =	shalt  }
0x6f: {  	_ =	shalt  }
0x70: {  	_ =	shalt  }
0x71: {  	_ =	shalt  }
0x72: {  	_ =	shalt  }
0x73: {  	_ =	shalt  }
0x74: {  	_ =	shalt  }
0x75: {  	_ =	shalt  }
0x76: {  	_ =	shalt  }
0x77: {  	_ =	shalt  }
0x78: {  	_ =	shalt  }
0x79: {  	_ =	shalt  }
0x7a: {  	_ =	shalt  }
0x7b: {  	_ =	shalt  }
0x7c: {  	_ =	shalt  }
0x7d: {  	_ =	shalt  }
0x7e: {  	_ =	shalt  }
0x7f: {  	_ =	shalt  }
0x80: {  	_ =	shalt  }
0x81: {  	_ =	shalt  }
0x82: {  	_ =	shalt  }
0x83: {  	_ =	shalt  }
0x84: {  	_ =	shalt  }
0x85: {  	_ =	shalt  }
0x86: {  	_ =	shalt  }
0x87: {  	_ =	shalt  }
.Lfunc_end0:
.L_simem_size_0:
called_computation_lowered:
.L_overlay_start_0:
0x88: {  	s2 =	sld [smem:$0x3FD9]  }
0x89: {  	s3 =	sld [smem:$0x3FFE];
	_ =	sdelay $0x1  }
0x8a: {  	s1 =	srdreg.scid  }
0x8b: {  	s0 =	sand.u32 $0x1, s1  }
0x8c: {  	s17 =	sshll.u32 s0, $0xA;
	s2 =	sadd.s32 s3, s2  }
0x8d: {  	s2 =	sadd.s32 s2, s17  }
0x8e: {  	[smem:$0x3FC0] =	sst s2  }
0x8f: {  	_ = 	snop  }
0x90: {  	s2 =	sld [smem:$0x3FD0];
	(tm) =	ssettm $0x1  }
0x91: {  	s18 =	sld [smem:$0x3FFB];
	_ =	sdelay $0x3  }
0x92: {  	_ =	strace s18  }
0x93: {  	s3 =	sld [smem:$0x3FFC];
	_ =	sdelay $0x3  }
0x94: {  	_ =	strace s3  }
0x95: {  	s3 =	sld [smem:$0x3FFD];
	_ =	sdelay $0x3  }
0x96: {  	_ =	strace s3  }
0x97: {  	_ =	strace $0x8FFFFFFF  }
0x98: {  	s19 =	sld [smem:$0x3FDB];
	_ =	sdelay $0x1  }
0x99: {  	s4 =	simm.s32 $_scs_section_size  }
0x9a: {  	s5 =	simm.s32 $_size__tile_overlayer_lowered;
	s6 =	simm.s32 $_tile_overlayer_lowered  }
0x9b: {  	s22 =	simm.s32 $0x1BFF;
	s21 =	sshll.u32 s6, $0x1;
	s3 =	sadd.s32 s4, s19  }
0x9c: {  	s7 =	simm.s32 $0x0;
	s20 =	sshll.u32 s5, $0x1;
	s5 =	sadd.s32 s21, s3  }
0x9d: {  	[timem:s7], [sflag:s22] =	dma.local [hbm:s5], s20  }
0x9e: {  	_ =	swait.ge [sflag:s22], s20  }
0x9f: {  	s4 =	ssub.s32 $0x0, s20;
	[sflag:s22] =	ssyncset.done $0x0  }
0xa0: {  	[sflag:s22] =	ssyncadd.s32 s4;
	_ =	sdelay $0x1  }
0xa1: {  	s23 =	simm.s32 $0x1B8B  }
0xa2: {  	_ =	swait.ge [sflag:s23], $0x1  }
0xa3: {  	[sflag:s23] =	ssyncset.done $0x0  }
0xa4: {  	s25 =	simm.s32 $0x1B8E;
	s24 =	sld [smem:$0x3FFE];
	[sflag:s23] =	ssyncadd.s32 $0xFFFFFFFF  }
0xa5: {  	s26 =	simm.s32 $execute0_lowered;
	[smem:$0x3FD2] =	sst s25  }
0xa6: {  	s5 =	sshll.u32 s26, $0x1;
	_ =	strace $0x80000046;
	[dreg:$0x1] =	wrdreg $0xFFFFFFFF  }
0xa7: {  	s28 =	simm.s32 $_size_execute0_lowered;
	s3 =	sadd.s32 s3, s5;
	[dreg:$0x0] =	wrdreg $0x0  }
0xa8: {  	s5 =	sshll.u32 s28, $0x1;
	[dreg:$0x2] =	wrdreg s3  }
0xa9: {  	[dreg:$0x3] =	wrdreg s5  }
0xaa: {  	[dreg:$0x4] =	wrdreg $0xC0  }
0xab: {  	_ =	task [dreg:s7], $0x5FFFF  }
0xac: {  	[dreg:$0x1] =	wrdreg $0xFFFFFFFF  }
0xad: {  	[dreg:$0x0] =	wrdreg $0x60  }
0xae: {  	[dreg:$0x2] =	wrdreg s24  }
0xaf: {  	[dreg:$0x3] =	wrdreg s2  }
0xb0: {  	[dreg:$0x4] =	wrdreg $0xC0000  }
0xb1: {  	[dreg:$0x5] =	wrdreg $0x9  }
0xb2: {  	_ =	task.clear_ibuf [dreg:s7], $0x6FFFF;
	_ =	strace $0x90000046  }
0xb3: {  	s29 =	simm.s32 $0x9;
	_ =	strace $0x80000048  }
0xb4: {  	_ =	swait.ge [sflag:s29], $0x1  }
0xb5: {  	[sflag:s29] =	ssyncadd.s32 $0xFFFFFFFF  }
0xb6: {  	_ =	strace $0x90000048  }
0xb7: {  	_ =	sfence  }
0xb8: {  	s30 =	sld [smem:$0x0];
	_ =	sdelay $0x2  }
0xb9: {  	s31 =	sshll.u32 s1, $0xD;
	s1 =	sshrl.u32 s1, $0x2  }
0xba: {  	s3 =	sand.u32 $0x4000, s31;
	s1 =	sadd.s32 s1, s30  }
0xbb: {  	s0 =	sor.u32 s3, s0;
	s1 =	sshll.u32 s1, $0x11  }
0xbc: {  	s0 =	sor.u32 s1, s0  }
0xbd: {  	s0 =	sadd.s32 $0x8F2B, s0  }
0xbe: {  	[sflag:s0] =	ssyncadd.remote.s32 $0x1  }
0xbf: {  	_ =	sfence.sel $0xFFFF  }
0xc0: {  	[dreg:$0x0] =	wrdreg $0xFFFFFFFF;
	(pc) =	sbr.abs _section_cstart, $3  }
0xc1: {  	[dreg:$0x1] =	wrdreg $0xFFFFFFFF  }
0xc2: {  	_ =	task.clear_ibuf [dreg:s7], $0x2FFFF;
	_ =	strace $0x9FFFFFFF  }
0xc3: {  	(tm) =	ssettm $0x7FFFFFFF  }
tec
execute0_lowered:
.L_overlay_start_1:
0x0: {  	(tag) =	ssettag $0x1  }
0x1: {  	s0 =	rddreg [dreg:$0x0]  }
0x2: {  	s1 =	rddreg [dreg:$0x1]  }
0x3: {  	s2 =	rddreg [dreg:$0x2]  }
0x4: {  	s3 =	srdreg.scid;
	s4 =	simm.s32 $0x0;
	s14 =	stileid.u32  }
0x5: {  	s28 =	simm.s32 $0x1;
	s29 =	simm.s32 $0x2;
	s30 =	simm.s32 $0x3  }
0x6: {  	s31 =	simm.s32 $0x4;
	s3 =	sand.u32 $0x1, s3;
	[smem:$0x7FF] =	sst s4  }
0x7: {  	s7 =	smul.u32 $0x14000, s14;
	s5 =	sadd.s32 $0x2200, s0;
	s9 =	sadd.s32 $0x2E400, s0  }
0x8: {  	s10 =	sadd.s32 $0x29400, s0;
	s17 =	sadd.s32 $0x33400, s0;
	s13 =	smul.u32 $0x50000, s14  }
0x9: {  	s19 =	sshll.u32 s14, $0x8;
	s14 =	sshll.u32 s14, $0xA;
	s6 =	smul.u32 $0x3C0000, s3  }
0xa: {  	_ =	strace $0x80000047;
	s11 =	ssub.s32 $0x2, s3;
	[dreg:$0x4] =	wrdreg s17  }
0xb: {  	p0 =	seq.s32 s3, $0x0;
	s22 =	sadd.s32 s9, s14;
	s23 =	sadd.s32 s10, s14  }
0xc: {  	s18 =	sshrl.u32 s11, $0x1;
	s13 =	sshrl.u32 s13, $0x2;
	[dreg:$0x7] =	wrdreg s22  }
0xd: {  	[dreg:$0x8] =	wrdreg s23;
	s23 =	simm.s32 $0x4000;
	s7 =	sadd.s32 s7, s6  }
0xe: {  	s6 =	sadd.s32 $0x33C00, s0;
	s12 =	ssub.s32 s11, s18;
	s11 =	sor.u32 $0x4000, s19  }
0xf: {  	s8 =	sshrl.u32 s7, $0x3;
	s20 =	sadd.s32 s9, s11;
	s21 =	sadd.s32 s10, s11  }
0x10: {  	s11 =	sadd.s32 s13, s2;
	s26 =	smax.u32 s12, $0x1;
	[dreg:$0x5] =	wrdreg s20  }
0x11: {  	s0 =	sadd.s32 s8, s0;
	s8 =	simm.s32 $0x40;
	[dreg:$0x6] =	wrdreg s21  }
0x12: {  	s14 =	sadd.s32 $0x4000, s11;
	s15 =	sadd.s32 $0x8000, s11;
	s16 =	sadd.s32 $0xC000, s11  }
0x13: {  	s17 =	sadd.s32 $0x10000, s11;
	[dreg:$0xc] =	wrdreg s26;
	s24 =	sadd.s32 $0x34400, s0  }
0x14: {  	s26 =	simm.s32 $0x8000;
	s25 =	sadd.s32 $0x5C400, s0;
	[dreg:$0x9] =	wrdreg s24  }
0x15: {  	s8 =	simm.s32 @!p0 $0x10;
	s0 =	sadd.s32 $0x84400, s0;
	[dreg:$0xa] =	wrdreg s25  }
0x16: {  	p0 =	sne.s32 s3, $0x0;
	s18 =	sshrl.u32 s8, $0x1;
	[dreg:$0xb] =	wrdreg s0  }
0x17: {  	s24 =	simm.s32 $0x5;
	s25 =	simm.s32 $0x80;
	s0 =	simm.s32 $0x0  }
.LBB2_1:
0x18: {  	s3 =	simm.s32 @p0 $0x0;
	s7 =	rddreg [dreg:$0x5];
	s9 =	simm.s32 @p0 $0x5  }
0x19: {  	[tilespmem:s3], [sflag:$0x5] =	stream.linear.gather @p0 [hbm4b:s7+s3], $0x800, $0x38;
	v63 =	vld [tilespmem:$0x0]  }
0x1a: {  	_ =	swait.ge @p0 [sflag:s9], $0x800  }
0x1b: {  	[sflag:s9] =	ssyncset.done @p0 $0x0  }
0x1c: {  	s10 =	simm.s32 @p0 $0x2000;
	s7 =	rddreg [dreg:$0x6];
	[sflag:s9] =	ssyncadd.s32 @p0 $0xFFFFF800  }
0x1d: {  	[tilespmem:s10], [sflag:$0x5] =	stream.linear.gather @p0 [hbm4b:s7+s3], $0x800, $0x38;
	v63 =	vld [tilespmem:$0x0]  }
0x1e: {  	_ =	swait.ge @p0 [sflag:s9], $0x800  }
0x1f: {  	s3 =	simm.s32 @!p0 $0x0;
	[sflag:s9] =	ssyncset.done @p0 $0x0  }
0x20: {  	s7 =	rddreg [dreg:$0x7];
	[sflag:s9] =	ssyncadd.s32 @p0 $0xFFFFF800;
	s9 =	simm.s32 @!p0 $0x5  }
0x21: {  	[tilespmem:s3], [sflag:$0x5] =	stream.linear.gather @!p0 [hbm4b:s7+s3], $0x2000, $0x38;
	v63 =	vld [tilespmem:$0x0]  }
0x22: {  	_ =	swait.ge @!p0 [sflag:s9], $0x2000  }
0x23: {  	[sflag:s9] =	ssyncset.done @!p0 $0x0  }
0x24: {  	s10 =	simm.s32 @!p0 $0x2000;
	s7 =	rddreg [dreg:$0x8];
	[sflag:s9] =	ssyncadd.s32 @!p0 $0xFFFFE000  }
0x25: {  	[tilespmem:s10], [sflag:$0x5] =	stream.linear.gather @!p0 [hbm4b:s7+s3], $0x2000, $0x38;
	v63 =	vld [tilespmem:$0x0]  }
0x26: {  	_ =	swait.ge @!p0 [sflag:s9], $0x2000  }
0x27: {  	[sflag:s9] =	ssyncset.done @!p0 $0x0  }
0x28: {  	[sflag:s9] =	ssyncadd.s32 @!p0 $0xFFFFE000  }
0x29: {  	[tilespmem:s23], [sflag:$0x5] =	stream.linear.gather [hbm4b:s6+s4], $0x4000, $0x38;
	v63 =	vld [tilespmem:$0x0]  }
0x2a: {  	_ =	swait.ge [sflag:s24], $0x4000  }
0x2b: {  	[sflag:s24] =	ssyncset.done $0x0  }
0x2c: {  	[sflag:s24] =	ssyncadd.s32 $0xFFFFC000  }
0x2d: {  	[spmem:s11] =	stream.linear.scatter [tilespmem:s23], [sflag:$0x5], $0x4000, $0x38;
	v63 =	vld [tilespmem:$0x0]  }
0x2e: {  	_ =	swait.ge [sflag:s24], $0x4000  }
0x2f: {  	[sflag:s24] =	ssyncset.done $0x0  }
0x30: {  	[sflag:s24] =	ssyncadd.s32 $0xFFFFC000  }
0x31: {  	[spmem:s14] =	stream.linear.scatter [tilespmem:s23], [sflag:$0x5], $0x4000, $0x38;
	v63 =	vld [tilespmem:$0x0]  }
0x32: {  	_ =	swait.ge [sflag:s24], $0x4000  }
0x33: {  	[sflag:s24] =	ssyncset.done $0x0  }
0x34: {  	[sflag:s24] =	ssyncadd.s32 $0xFFFFC000  }
0x35: {  	[spmem:s15] =	stream.linear.scatter [tilespmem:s23], [sflag:$0x5], $0x4000, $0x38;
	v63 =	vld [tilespmem:$0x0]  }
0x36: {  	_ =	swait.ge [sflag:s24], $0x4000  }
0x37: {  	[sflag:s24] =	ssyncset.done $0x0  }
0x38: {  	[sflag:s24] =	ssyncadd.s32 $0xFFFFC000  }
0x39: {  	[spmem:s16] =	stream.linear.scatter [tilespmem:s23], [sflag:$0x5], $0x4000, $0x38;
	v63 =	vld [tilespmem:$0x0]  }
0x3a: {  	_ =	swait.ge [sflag:s24], $0x4000  }
0x3b: {  	[sflag:s24] =	ssyncset.done $0x0  }
0x3c: {  	[sflag:s24] =	ssyncadd.s32 $0xFFFFC000  }
0x3d: {  	[spmem:s17] =	stream.linear.scatter [tilespmem:s23], [sflag:$0x5], $0x4000, $0x38;
	v63 =	vld [tilespmem:$0x0]  }
0x3e: {  	_ =	swait.ge [sflag:s24], $0x4000  }
0x3f: {  	[sflag:s24] =	ssyncset.done $0x0  }
0x40: {  	[sflag:s24] =	ssyncadd.s32 $0xFFFFC000  }
0x41: {  	[bflag:$0x0] =	sbarrier.arrive $0xFFFF  }
0x42: {  	[tilespmem:s23], [sflag:$0x1] =	stream.indirect.gather [hbm4b:s5+s25], $0x80, s4, s25, $0xb8;
	v63 =	vld [tilespmem:$0x0]  }
0x43: {  	_ = 	snop  }
0x44: {  	[tilespmem:s26], [sflag:$0x2] =	stream.indirect.gather [hbm4b:s5+s25], $0x80, s25, s25, $0xb8;
	v63 =	vld [tilespmem:$0x0]  }
0x45: {  	_ =	swait.ge [sflag:s28], $0x4000  }
0x46: {  	[sflag:s28] =	ssyncset.done $0x0  }
0x47: {  	s13 =	simm.s32 $0x2000;
	[sflag:s28] =	ssyncadd.s32 $0xFFFFC000  }
0x48: {  	[spmem:s2] =	stream.indirect.scatter.add.f32 [tilespmem:s23], [sflag:$0x3], $0x80, s13, s25, $0xb8;
	v63 =	vld [tilespmem:$0x0]  }
0x49: {  	_ =	swait.ge [sflag:s29], $0x4000  }
0x4a: {  	[sflag:s29] =	ssyncset.done $0x0  }
0x4b: {  	s10 =	simm.s32 $0x2080;
	[sflag:s29] =	ssyncadd.s32 $0xFFFFC000  }
0x4c: {  	[spmem:s2] =	stream.indirect.scatter.add.f32 [tilespmem:s26], [sflag:$0x4], $0x80, s10, s25, $0xb8;
	v63 =	vld [tilespmem:$0x0]  }
0x4d: {  	_ =	swait.ge [sflag:s30], $0x4000  }
0x4e: {  	s12 =	simm.s32 $0x100;
	p1 =	sle.u32 s8, $0x2;
	[sflag:s30] =	ssyncset.done $0x0  }
0x4f: {  	s3 =	simm.s32 @!p1 $0x80;
	s9 =	simm.s32 @!p1 $0x4000;
	[sflag:s30] =	ssyncadd.s32 $0xFFFFC000  }
0x50: {  	[tilespmem:s9], [sflag:$0x1] =	stream.indirect.gather @!p1 [hbm4b:s5+s3], $0x80, s12, s3, $0xb8;
	v63 =	vld [tilespmem:$0x0]  }
0x51: {  	s3 =	sadd.s32 $0xFFFFFFFF, s18  }
0x52: {  	p1 =	sne.s32 s3, $0x0  }
.Ltmp0:
0x53: {  	_ = 	snop;
	(pc) =	sbr.rel @!p1 .LBB2_3-.Ltmp0, $4  }
0x54: {  	_ = 	snop  }
0x55: {  	p2 =	sle.u32 s8, $0x3;
	s19 =	simm.s32 $0x200;
	_ =	swait.ge [sflag:s31], $0x4000  }
0x56: {  	s20 =	simm.s32 $0x2080;
	s21 =	simm.s32 @!p2 $0x180;
	[sflag:s31] =	ssyncset.done $0x0  }
0x57: {  	s22 =	simm.s32 @!p2 $0x80;
	s9 =	simm.s32 $0x4;
	[sflag:s31] =	ssyncadd.s32 $0xFFFFC000  }
.LBB2_2:
0x58: {  	s3 =	sadd.s32 $0xFFFFFFFF, s3;
	s7 =	simm.s32 @!p2 $0x8000;
	s20 =	sadd.s32 $0x100, s20  }
0x59: {  	[tilespmem:s7], [sflag:$0x2] =	stream.indirect.gather @!p2 [hbm4b:s5+s22], $0x80, s21, s22, $0xb8;
	v63 =	vld [tilespmem:$0x0]  }
0x5a: {  	p1 =	sne.s32 s3, $0x0;
	s7 =	smov.u32 s19;
	_ =	swait.ge [sflag:s28], $0x4000  }
0x5b: {  	[sflag:s28] =	ssyncset.done $0x0  }
0x5c: {  	s21 =	sadd.s32 $0xFFFFFF80, s20;
	[sflag:s28] =	ssyncadd.s32 $0xFFFFC000  }
0x5d: {  	[spmem:s2] =	stream.indirect.scatter.add.f32 [tilespmem:s23], [sflag:$0x3], $0x80, s21, s25, $0xb8;
	v63 =	vld [tilespmem:$0x0]  }
0x5e: {  	_ =	swait.ge [sflag:s29], $0x4000  }
0x5f: {  	[sflag:s29] =	ssyncset.done $0x0  }
0x60: {  	[sflag:s29] =	ssyncadd.s32 $0xFFFFC000  }
0x61: {  	[spmem:s2] =	stream.indirect.scatter.add.f32 [tilespmem:s26], [sflag:$0x4], $0x80, s20, s25, $0xb8;
	v63 =	vld [tilespmem:$0x0]  }
0x62: {  	p2 =	sge.u32 s9, s8;
	_ =	swait.ge [sflag:s30], $0x4000  }
0x63: {  	s22 =	simm.s32 @!p2 $0x4000;
	[sflag:s30] =	ssyncset.done $0x0  }
.Ltmp1:
0x64: {  	s21 =	simm.s32 @!p2 $0x80;
	[sflag:s30] =	ssyncadd.s32 $0xFFFFC000;
	(pc) =	sbr.rel @p1 .LBB2_2-.Ltmp1, $4  }
0x65: {  	[tilespmem:s22], [sflag:$0x1] =	stream.indirect.gather @!p2 [hbm4b:s5+s21], $0x80, s19, s21, $0xb8;
	v63 =	vld [tilespmem:$0x0]  }
0x66: {  	s21 =	sadd.s32 $0x1, s9;
	s9 =	sadd.s32 $0x2, s9;
	_ =	swait.ge [sflag:s31], $0x4000  }
0x67: {  	s19 =	sadd.s32 $0x100, s19;
	p2 =	sge.u32 s21, s8;
	[sflag:s31] =	ssyncset.done $0x0  }
0x68: {  	s21 =	sadd.s32 @!p2 $0x80, s7;
	s22 =	simm.s32 @!p2 $0x80;
	[sflag:s31] =	ssyncadd.s32 $0xFFFFC000  }
.LBB2_3:
0x69: {  	s3 =	simm.s32 @!p2 $0x8000  }
0x6a: {  	[tilespmem:s3], [sflag:$0x2] =	stream.indirect.gather @!p2 [hbm4b:s5+s22], $0x80, s21, s22, $0xb8;
	v63 =	vld [tilespmem:$0x0]  }
0x6b: {  	s22 =	stileid.u32  }
0x6c: {  	s3 =	sshll.u32 s22, $0x6;
	[bflag:$0x0] =	sbarrier.arrive $0xFFFF  }
0x6d: {  	s9 =	sshrl.u32 s11, $0x3;
	s3 =	sor.u32 $0x1C05, s3;
	s7 =	rddreg [dreg:$0x9]  }
0x6e: {  	[hbm:s7], [sflag:s3] =	dma.local [spmem:s9], $0x2800  }
0x6f: {  	_ =	swait.ge [sflag:s24], $0x2800  }
0x70: {  	[sflag:s24] =	ssyncset.done $0x0  }
0x71: {  	[sflag:s24] =	ssyncadd.s32 $0xFFFFD800  }
0x72: {  	[tilespmem:s23], [sflag:$0x5] =	stream.linear.gather [hbm4b:s6+s4], $0x4000, $0x38;
	v63 =	vld [tilespmem:$0x0]  }
0x73: {  	_ =	swait.ge [sflag:s24], $0x4000  }
0x74: {  	[sflag:s24] =	ssyncset.done $0x0  }
0x75: {  	[sflag:s24] =	ssyncadd.s32 $0xFFFFC000  }
0x76: {  	[spmem:s11] =	stream.linear.scatter [tilespmem:s23], [sflag:$0x5], $0x4000, $0x38;
	v63 =	vld [tilespmem:$0x0]  }
0x77: {  	_ =	swait.ge [sflag:s24], $0x4000  }
0x78: {  	[sflag:s24] =	ssyncset.done $0x0  }
0x79: {  	[sflag:s24] =	ssyncadd.s32 $0xFFFFC000  }
0x7a: {  	[spmem:s14] =	stream.linear.scatter [tilespmem:s23], [sflag:$0x5], $0x4000, $0x38;
	v63 =	vld [tilespmem:$0x0]  }
0x7b: {  	_ =	swait.ge [sflag:s24], $0x4000  }
0x7c: {  	[sflag:s24] =	ssyncset.done $0x0  }
0x7d: {  	[sflag:s24] =	ssyncadd.s32 $0xFFFFC000  }
0x7e: {  	[spmem:s15] =	stream.linear.scatter [tilespmem:s23], [sflag:$0x5], $0x4000, $0x38;
	v63 =	vld [tilespmem:$0x0]  }
0x7f: {  	_ =	swait.ge [sflag:s24], $0x4000  }
0x80: {  	[sflag:s24] =	ssyncset.done $0x0  }
0x81: {  	[sflag:s24] =	ssyncadd.s32 $0xFFFFC000  }
0x82: {  	[spmem:s16] =	stream.linear.scatter [tilespmem:s23], [sflag:$0x5], $0x4000, $0x38;
	v63 =	vld [tilespmem:$0x0]  }
0x83: {  	_ =	swait.ge [sflag:s24], $0x4000  }
0x84: {  	[sflag:s24] =	ssyncset.done $0x0  }
0x85: {  	[sflag:s24] =	ssyncadd.s32 $0xFFFFC000  }
0x86: {  	[spmem:s17] =	stream.linear.scatter [tilespmem:s23], [sflag:$0x5], $0x4000, $0x38;
	v63 =	vld [tilespmem:$0x0]  }
0x87: {  	_ =	swait.ge [sflag:s24], $0x4000  }
0x88: {  	[sflag:s24] =	ssyncset.done $0x0  }
0x89: {  	[sflag:s24] =	ssyncadd.s32 $0xFFFFC000  }
0x8a: {  	[bflag:$0x0] =	sbarrier.arrive $0xFFFF  }
0x8b: {  	[tilespmem:s23], [sflag:$0x1] =	stream.indirect.gather [hbm4b:s1+s25], $0x80, s4, s25, $0xb8;
	v63 =	vld [tilespmem:$0x0]  }
0x8c: {  	_ = 	snop  }
0x8d: {  	[tilespmem:s26], [sflag:$0x2] =	stream.indirect.gather [hbm4b:s1+s25], $0x80, s25, s25, $0xb8;
	v63 =	vld [tilespmem:$0x0]  }
0x8e: {  	_ =	swait.ge [sflag:s28], $0x4000  }
0x8f: {  	[sflag:s28] =	ssyncset.done $0x0  }
0x90: {  	[sflag:s28] =	ssyncadd.s32 $0xFFFFC000  }
0x91: {  	[spmem:s2] =	stream.indirect.scatter.add.f32 [tilespmem:s23], [sflag:$0x3], $0x80, s13, s25, $0xb8;
	v63 =	vld [tilespmem:$0x0]  }
0x92: {  	_ =	swait.ge [sflag:s29], $0x4000  }
0x93: {  	[sflag:s29] =	ssyncset.done $0x0  }
0x94: {  	[sflag:s29] =	ssyncadd.s32 $0xFFFFC000  }
0x95: {  	[spmem:s2] =	stream.indirect.scatter.add.f32 [tilespmem:s26], [sflag:$0x4], $0x80, s10, s25, $0xb8;
	v63 =	vld [tilespmem:$0x0]  }
0x96: {  	p1 =	sle.u32 s8, $0x2;
	_ =	swait.ge [sflag:s30], $0x4000  }
0x97: {  	s19 =	simm.s32 @!p1 $0x4000;
	[sflag:s30] =	ssyncset.done $0x0  }
0x98: {  	s7 =	simm.s32 @!p1 $0x80;
	s13 =	sadd.s32 $0xFFFFFFFF, s18;
	[sflag:s30] =	ssyncadd.s32 $0xFFFFC000  }
0x99: {  	[tilespmem:s19], [sflag:$0x1] =	stream.indirect.gather @!p1 [hbm4b:s1+s7], $0x80, s12, s7, $0xb8;
	v63 =	vld [tilespmem:$0x0]  }
0x9a: {  	p1 =	sne.s32 s13, $0x0  }
.Ltmp2:
0x9b: {  	_ = 	snop;
	(pc) =	sbr.rel @!p1 .LBB2_5-.Ltmp2, $4  }
0x9c: {  	_ = 	snop  }
0x9d: {  	p2 =	sle.u32 s8, $0x3;
	_ =	swait.ge [sflag:s31], $0x4000  }
0x9e: {  	s20 =	simm.s32 @!p2 $0x180;
	s21 =	simm.s32 @!p2 $0x80;
	[sflag:s31] =	ssyncset.done $0x0  }
0x9f: {  	s12 =	simm.s32 $0x4;
	s19 =	simm.s32 $0x200;
	[sflag:s31] =	ssyncadd.s32 $0xFFFFC000  }
.LBB2_4:
0xa0: {  	s13 =	sadd.s32 $0xFFFFFFFF, s13;
	s7 =	simm.s32 @!p2 $0x8000;
	s10 =	sadd.s32 $0x100, s10  }
0xa1: {  	[tilespmem:s7], [sflag:$0x2] =	stream.indirect.gather @!p2 [hbm4b:s1+s21], $0x80, s20, s21, $0xb8;
	v63 =	vld [tilespmem:$0x0]  }
0xa2: {  	p1 =	sne.s32 s13, $0x0;
	s7 =	smov.u32 s19;
	_ =	swait.ge [sflag:s28], $0x4000  }
0xa3: {  	[sflag:s28] =	ssyncset.done $0x0  }
0xa4: {  	s20 =	sadd.s32 $0xFFFFFF80, s10;
	[sflag:s28] =	ssyncadd.s32 $0xFFFFC000  }
0xa5: {  	[spmem:s2] =	stream.indirect.scatter.add.f32 [tilespmem:s23], [sflag:$0x3], $0x80, s20, s25, $0xb8;
	v63 =	vld [tilespmem:$0x0]  }
0xa6: {  	_ =	swait.ge [sflag:s29], $0x4000  }
0xa7: {  	[sflag:s29] =	ssyncset.done $0x0  }
0xa8: {  	[sflag:s29] =	ssyncadd.s32 $0xFFFFC000  }
0xa9: {  	[spmem:s2] =	stream.indirect.scatter.add.f32 [tilespmem:s26], [sflag:$0x4], $0x80, s10, s25, $0xb8;
	v63 =	vld [tilespmem:$0x0]  }
0xaa: {  	p2 =	sge.u32 s12, s8;
	_ =	swait.ge [sflag:s30], $0x4000  }
0xab: {  	s21 =	simm.s32 @!p2 $0x4000;
	[sflag:s30] =	ssyncset.done $0x0  }
.Ltmp3:
0xac: {  	s20 =	simm.s32 @!p2 $0x80;
	[sflag:s30] =	ssyncadd.s32 $0xFFFFC000;
	(pc) =	sbr.rel @p1 .LBB2_4-.Ltmp3, $4  }
0xad: {  	[tilespmem:s21], [sflag:$0x1] =	stream.indirect.gather @!p2 [hbm4b:s1+s20], $0x80, s19, s20, $0xb8;
	v63 =	vld [tilespmem:$0x0]  }
0xae: {  	s20 =	sadd.s32 $0x1, s12;
	s12 =	sadd.s32 $0x2, s12;
	_ =	swait.ge [sflag:s31], $0x4000  }
0xaf: {  	s19 =	sadd.s32 $0x100, s19;
	p2 =	sge.u32 s20, s8;
	[sflag:s31] =	ssyncset.done $0x0  }
0xb0: {  	s20 =	sadd.s32 @!p2 $0x80, s7;
	s21 =	simm.s32 @!p2 $0x80;
	[sflag:s31] =	ssyncadd.s32 $0xFFFFC000  }
.LBB2_5:
0xb1: {  	s7 =	simm.s32 @!p2 $0x8000  }
0xb2: {  	[tilespmem:s7], [sflag:$0x2] =	stream.indirect.gather @!p2 [hbm4b:s1+s21], $0x80, s20, s21, $0xb8;
	v63 =	vld [tilespmem:$0x0]  }
0xb3: {  	[bflag:$0x0] =	sbarrier.arrive $0xFFFF  }
0xb4: {  	s21 =	rddreg [dreg:$0xa]  }
0xb5: {  	[hbm:s21], [sflag:s3] =	dma.local [spmem:s9], $0x2800  }
0xb6: {  	_ =	swait.ge [sflag:s24], $0x2800  }
0xb7: {  	[sflag:s24] =	ssyncset.done $0x0  }
0xb8: {  	[sflag:s24] =	ssyncadd.s32 $0xFFFFD800  }
0xb9: {  	[tilespmem:s23], [sflag:$0x5] =	stream.linear.gather [hbm4b:s6+s4], $0x4000, $0x38;
	v63 =	vld [tilespmem:$0x0]  }
0xba: {  	_ =	swait.ge [sflag:s24], $0x4000  }
0xbb: {  	[sflag:s24] =	ssyncset.done $0x0  }
0xbc: {  	[sflag:s24] =	ssyncadd.s32 $0xFFFFC000  }
0xbd: {  	[spmem:s11] =	stream.linear.scatter [tilespmem:s23], [sflag:$0x5], $0x4000, $0x38;
	v63 =	vld [tilespmem:$0x0]  }
0xbe: {  	_ =	swait.ge [sflag:s24], $0x4000  }
0xbf: {  	[sflag:s24] =	ssyncset.done $0x0  }
0xc0: {  	[sflag:s24] =	ssyncadd.s32 $0xFFFFC000  }
0xc1: {  	[spmem:s14] =	stream.linear.scatter [tilespmem:s23], [sflag:$0x5], $0x4000, $0x38;
	v63 =	vld [tilespmem:$0x0]  }
0xc2: {  	_ =	swait.ge [sflag:s24], $0x4000  }
0xc3: {  	[sflag:s24] =	ssyncset.done $0x0  }
0xc4: {  	[sflag:s24] =	ssyncadd.s32 $0xFFFFC000  }
0xc5: {  	[spmem:s15] =	stream.linear.scatter [tilespmem:s23], [sflag:$0x5], $0x4000, $0x38;
	v63 =	vld [tilespmem:$0x0]  }
0xc6: {  	_ =	swait.ge [sflag:s24], $0x4000  }
0xc7: {  	[sflag:s24] =	ssyncset.done $0x0  }
0xc8: {  	[sflag:s24] =	ssyncadd.s32 $0xFFFFC000  }
0xc9: {  	[spmem:s16] =	stream.linear.scatter [tilespmem:s23], [sflag:$0x5], $0x4000, $0x38;
	v63 =	vld [tilespmem:$0x0]  }
0xca: {  	_ =	swait.ge [sflag:s24], $0x4000  }
0xcb: {  	[sflag:s24] =	ssyncset.done $0x0  }
0xcc: {  	[sflag:s24] =	ssyncadd.s32 $0xFFFFC000  }
0xcd: {  	[spmem:s17] =	stream.linear.scatter [tilespmem:s23], [sflag:$0x5], $0x4000, $0x38;
	v63 =	vld [tilespmem:$0x0]  }
0xce: {  	_ =	swait.ge [sflag:s24], $0x4000  }
0xcf: {  	[sflag:s24] =	ssyncset.done $0x0  }
0xd0: {  	s22 =	rddreg [dreg:$0x4];
	[sflag:s24] =	ssyncadd.s32 $0xFFFFC000  }
0xd1: {  	[tilespmem:s23], [sflag:$0x5] =	stream.linear.gather [hbm4b:s22+s4], $0x4000, $0x38;
	v63 =	vld [tilespmem:$0x0]  }
0xd2: {  	_ =	swait.ge [sflag:s24], $0x4000  }
0xd3: {  	[sflag:s24] =	ssyncset.done $0x0  }
0xd4: {  	p2 =	sne.s32 s18, $0x1;
	[sflag:s24] =	ssyncadd.s32 $0xFFFFC000  }
0xd5: {  	[tilespmem:s26], [sflag:$0x5] =	stream.linear.gather [hbm4b:s22+s4], $0x4000, $0x38;
	v63 =	vld [tilespmem:$0x0]  }
.Ltmp4:
0xd6: {  	_ =	swait.ge [sflag:s24], $0x4000;
	(pc) =	sbr.rel @!p2 .LBB2_8-.Ltmp4, $4  }
0xd7: {  	[sflag:s24] =	ssyncset.done $0x0  }
0xd8: {  	[sflag:s24] =	ssyncadd.s32 $0xFFFFC000  }
0xd9: {  	[bflag:$0x0] =	sbarrier.arrive $0xFFFF  }
0xda: {  	s10 =	simm.s32 $0x2080;
	s12 =	sadd.s32 $0xFFFFFFFF, s18;
	p1 =	por $0x0, $0x0  }
0xdb: {  	s7 =	simm.s32 $0x2000  }
0xdc: {  	[spmem:s2] =	stream.indirect.scatter.add.f32 [tilespmem:s23], [sflag:$0x3], $0x80, s7, s25, $0xb8;
	v63 =	vld [tilespmem:$0x0]  }
0xdd: {  	p2 =	sne.s32 s12, $0x1  }
0xde: {  	[spmem:s2] =	stream.indirect.scatter.add.f32 [tilespmem:s26], [sflag:$0x4], $0x80, s10, s25, $0xb8;
	v63 =	vld [tilespmem:$0x0]  }
.Ltmp5:
0xdf: {  	_ =	swait.ge [sflag:s30], $0x4000;
	(pc) =	sbr.rel @!p2 .LBB2_8-.Ltmp5, $4  }
0xe0: {  	[sflag:s30] =	ssyncset.done $0x0  }
0xe1: {  	[sflag:s30] =	ssyncadd.s32 $0xFFFFC000  }
0xe2: {  	s12 =	sadd.s32 $0xFFFFFFFF, s12;
	_ =	swait.ge [sflag:s31], $0x4000  }
0xe3: {  	p1 =	por $0x1, $0x1;
	s10 =	simm.s32 $0x2180;
	[sflag:s31] =	ssyncset.done $0x0  }
.LBB2_7:
0xe4: {  	p2 =	sne.s32 s12, $0x1;
	s7 =	sadd.s32 $0xFFFFFF80, s10;
	[sflag:s31] =	ssyncadd.s32 $0xFFFFC000  }
0xe5: {  	[spmem:s2] =	stream.indirect.scatter.add.f32 [tilespmem:s23], [sflag:$0x3], $0x80, s7, s25, $0xb8;
	v63 =	vld [tilespmem:$0x0]  }
0xe6: {  	s12 =	sadd.s32 $0xFFFFFFFF, s12  }
0xe7: {  	[spmem:s2] =	stream.indirect.scatter.add.f32 [tilespmem:s26], [sflag:$0x4], $0x80, s10, s25, $0xb8;
	v63 =	vld [tilespmem:$0x0]  }
.Ltmp6:
0xe8: {  	_ =	swait.ge [sflag:s30], $0x4000;
	(pc) =	sbr.rel @p2 .LBB2_7-.Ltmp6, $4  }
0xe9: {  	[sflag:s30] =	ssyncset.done $0x0  }
0xea: {  	[sflag:s30] =	ssyncadd.s32 $0xFFFFC000  }
0xeb: {  	_ =	swait.ge [sflag:s31], $0x4000  }
0xec: {  	s10 =	sadd.s32 $0x100, s10;
	[sflag:s31] =	ssyncset.done $0x0  }
.LBB2_8:
0xed: {  	s7 =	sadd.s32 $0xFFFFFF80, s10;
	[sflag:s31] =	ssyncadd.s32 @p1 $0xFFFFC000  }
0xee: {  	[spmem:s2] =	stream.indirect.scatter.add.f32 [tilespmem:s23], [sflag:$0x3], $0x80, s7, s25, $0xb8;
	v63 =	vld [tilespmem:$0x0]  }
0xef: {  	_ = 	snop  }
0xf0: {  	[spmem:s2] =	stream.indirect.scatter.add.f32 [tilespmem:s26], [sflag:$0x4], $0x80, s10, s25, $0xb8;
	v63 =	vld [tilespmem:$0x0]  }
0xf1: {  	_ =	swait.ge [sflag:s30], $0x4000  }
0xf2: {  	[sflag:s30] =	ssyncset.done $0x0  }
0xf3: {  	[sflag:s30] =	ssyncadd.s32 $0xFFFFC000  }
0xf4: {  	_ =	swait.ge [sflag:s31], $0x4000  }
0xf5: {  	[sflag:s31] =	ssyncset.done $0x0  }
0xf6: {  	[sflag:s31] =	ssyncadd.s32 $0xFFFFC000  }
0xf7: {  	[bflag:$0x0] =	sbarrier.arrive $0xFFFF  }
0xf8: {  	s21 =	rddreg [dreg:$0xb]  }
0xf9: {  	[hbm:s21], [sflag:s3] =	dma.local [spmem:s9], $0x2800  }
0xfa: {  	_ =	swait.ge [sflag:s24], $0x2800  }
0xfb: {  	s0 =	sadd.s32 $0x1, s0;
	s22 =	rddreg [dreg:$0xc]  }
0xfc: {  	p1 =	sne.s32 s0, s22  }
.Ltmp7:
0xfd: {  	_ = 	snop;
	(pc) =	sbr.rel @p1 .LBB2_1-.Ltmp7, $3  }
0xfe: {  	_ =	sdelay $0x1  }
0xff: {  	[sflag:s24] =	ssyncset.done $0x0  }
0x100: {  	[sflag:s24] =	ssyncadd.s32 $0xFFFFD800  }
0x101: {  	_ =	sfence.sel $0x180000  }
0x102: {  	[bflag:$0x0] =	sbarrier.arrive $0xFFFF  }
0x103: {  	_ =	strace $0x90000047  }
0x104: {  	s0 =	stileid.u32;
	[bflag:$0x2] =	sbarrier.arrive $0xFFFF  }
0x105: {  	p0 =	sne.s32 s0, $0x0;
	s0 =	rddreg [dreg:$0x3]  }
0x106: {  	s0 =	sadd.s32 @!p0 $0x100000, s0  }
0x107: {  	[sflag:s0] =	ssyncadd.tile.s32 @!p0 $0x1;
	_ =	shalt  }
.Lfunc_end2:
_tile_overlayer_lowered:
.L_overlay_start_2:
0x108: {  	(tag) =	ssettag $0x2  }
0x109: {  	s0 =	rddreg [dreg:$0x0];
	s2 =	stileid.u32  }
0x10a: {  	s1 =	rddreg [dreg:$0x1];
	p0 =	sne.s32 s2, $0x0  }
0x10b: {  	s3 =	rddreg [dreg:$0x2];
	[bflag:$0x3] =	sbarrier.arrive $0xFFFF;
	s2 =	simm.s32 @!p0 $0x1C05  }
0x10c: {  	[timem:s3], [sflag:s2] =	dma.local @!p0 [hbm:s0], s1  }
0x10d: {  	s0 =	simm.s32 @!p0 $0x5  }
0x10e: {  	_ =	swait.ge @!p0 [sflag:s0], s1  }
0x10f: {  	s1 =	ssub.s32 @!p0 $0x0, s1;
	[sflag:s0] =	ssyncset.done @!p0 $0x0  }
0x110: {  	[sflag:s0] =	ssyncadd.s32 @!p0 s1  }
0x111: {  	[bflag:$0x3] =	sbarrier.arrive $0xFFFF  }
0x112: {  	_ =	shalt  }

</sc_bundles>
